<compile_context>
chip_gen: v7x
topology: tpu7x:2x2x1
jax: 0.10.2.dev20260603
libtpu: 0.0.44.dev20260713+nightly
codegen_flags: <defaults>
</compile_context>

<pallas_src>
import functools

import jax
import jax.numpy as jnp
from jax import lax
from jax.experimental import pallas as pl
from jax.experimental.pallas import tpu as pltpu
from jax.experimental.pallas import tpu_sc as plsc

DIM = 768
HID = 4 * DIM
GDIM = 2 * DIM
E = 8
K = 2
N = 2048
NE = N * K
BLK = 256
NBLK = NE // BLK + E
NSLOT = NBLK * BLK
L = 16
HALF = N // 2

_NEG = -3.0e38


def _silu(v):
    return v * lax.logistic(v)


def _gate_body(x_ref, gw1_ref, gb1_ref, gw2_ref, gb2_ref,
               i1_ref, i2_ref, wa_ref, wb_ref):
    xT = jnp.transpose(x_ref[...])
    hgT = _silu(lax.dot_general(
        gw1_ref[...], xT, (((0,), (0,)), ((), ())),
        preferred_element_type=jnp.float32) + gb1_ref[...])
    gT = lax.dot_general(
        gw2_ref[...], hgT, (((0,), (0,)), ((), ())),
        preferred_element_type=jnp.float32) + gb2_ref[...]
    best1 = gT[0:1, :]
    best2 = jnp.full((1, N), _NEG, jnp.float32)
    i1 = jnp.zeros((1, N), jnp.int32)
    i2 = jnp.zeros((1, N), jnp.int32)
    for e in range(1, E):
        ge = gT[e:e + 1, :]
        gt1 = ge > best1
        gt2 = ge > best2
        i2 = jnp.where(gt1, i1, jnp.where(gt2, e, i2))
        best2 = jnp.where(gt1, best1, jnp.where(gt2, ge, best2))
        i1 = jnp.where(gt1, e, i1)
        best1 = jnp.where(gt1, ge, best1)
    p = jnp.exp(best2 - best1)
    wa = 1.0 / (1.0 + p)
    i1_ref[...] = i1
    i2_ref[...] = i2
    wa_ref[...] = wa
    wb_ref[...] = 1.0 - wa


def _gate_call(x, gw1, gb1, gw2, gb2):
    res = pl.pallas_call(
        _gate_body,
        out_shape=(
            jax.ShapeDtypeStruct((1, N), jnp.int32),
            jax.ShapeDtypeStruct((1, N), jnp.int32),
            jax.ShapeDtypeStruct((1, N), jnp.float32),
            jax.ShapeDtypeStruct((1, N), jnp.float32),
        ),
    )(x, gw1, gb1.reshape(GDIM, 1), gw2, gb2.reshape(E, 1))
    return tuple(r.reshape(N) for r in res)


def _route_body(i1_hbm, i2_hbm, wa_hbm, wb_hbm, x_hbm,
                srctok_hbm, srcw_hbm, blkm_hbm, xs_hbm,
                eids_v, ws_v, tokb_v, wbuf_v, rows_a, rows_b, blk_v,
                idx_a, idx_b, sem_a, sem_b):
    c = lax.axis_index("c")
    s = lax.axis_index("s")
    lane = lax.iota(jnp.int32, 16)
    is_w = s < 4
    is_h = jnp.logical_and(s >= 8, s < 12)
    e_me = jnp.where(s < 8, s, s - 8) * 2 + c

    pltpu.sync_copy(i1_hbm, eids_v.at[pl.ds(0, N)])
    pltpu.sync_copy(i2_hbm, eids_v.at[pl.ds(N, N)])
    pltpu.sync_copy(wa_hbm, ws_v.at[pl.ds(0, N)])
    pltpu.sync_copy(wb_hbm, ws_v.at[pl.ds(N, N)])

    def cbody(i, cnts):
        v0 = eids_v[pl.ds(i * 32, 16)]
        v1 = eids_v[pl.ds(i * 32 + 16, 16)]
        return tuple(
            cnts[e2] + jnp.where(v0 == e2, 1, 0) + jnp.where(v1 == e2, 1, 0)
            for e2 in range(E))
    counts_v = lax.fori_loop(
        0, NE // 32, cbody,
        tuple(jnp.zeros((16,), jnp.int32) for _ in range(E)))
    counts = [jnp.sum(counts_v[e2]) for e2 in range(E)]

    nblk = [lax.shift_right_logical(counts[e2] + (BLK - 1), 8)
            for e2 in range(E)]
    base_s = jnp.int32(0)
    nblk_s = jnp.int32(0)
    for e2 in range(E):
        base_s = base_s + jnp.where(e2 < e_me, nblk[e2] * BLK, 0)
        nblk_s = nblk_s + jnp.where(e2 == e_me, nblk[e2], 0)
    nsub = nblk_s * (BLK // 64)
    gbase = base_s // 64

    @pl.when(is_w)
    def _route():
        zero_i = jnp.zeros((16,), jnp.int32)
        zero_f = jnp.zeros((16,), jnp.float32)

        @pl.when(nblk_s > 0)
        def _ztail():
            zb = pl.multiple_of(base_s + (nblk_s - 1) * BLK, BLK)

            def zbody(i, _):
                tokb_v[pl.ds(zb + i * 16, 16)] = zero_i
                wbuf_v[pl.ds(zb + i * 16, 16)] = zero_f
                return 0
            lax.fori_loop(0, BLK // 16, zbody, 0)

        def pbody(i, off):
            for u in range(2):
                v = eids_v[pl.ds(i * 32 + u * 16, 16)]
                m = v == e_me
                p = i * 32 + u * 16 + lane
                tok = jnp.bitwise_and(p, N - 1)
                wv = ws_v[pl.ds(i * 32 + u * 16, 16)]
                cm = plsc.cumsum(jnp.where(m, 1, 0))
                slot = base_s + off + cm - 1
                plsc.store_scatter(tokb_v, [slot], tok, mask=m)
                plsc.store_scatter(wbuf_v, [slot], wv, mask=m)
                off = off + jnp.max(cm)
            return off
        lax.fori_loop(0, NE // 32, pbody, jnp.int32(0))

        def dbody(j, _):
            sb = pl.multiple_of(base_s + j * BLK, BLK)
            pltpu.sync_copy(tokb_v.at[pl.ds(sb, BLK)],
                            srctok_hbm.at[pl.ds(sb, BLK)])
            pltpu.sync_copy(wbuf_v.at[pl.ds(sb, BLK)],
                            srcw_hbm.at[pl.ds(sb, BLK)])
            return 0
        lax.fori_loop(0, nblk_s, dbody, 0)

        @pl.when((c == 0) & (s == 0))
        def _meta():
            cum = jnp.int32(0)
            cums = []
            for e2 in range(E):
                cum = cum + nblk[e2]
                cums.append(cum)
            for step in range(2):
                b = step * 16 + lane
                eid = jnp.zeros((16,), jnp.int32)
                for e2 in range(E):
                    eid = eid + jnp.where(b >= cums[e2], 1, 0)
                blk_v[pl.ds(step * 16, 16)] = eid
            pltpu.sync_copy(blk_v, blkm_hbm)

    plsc.subcore_barrier()

    wh = (nsub + 1) // 2

    @pl.when(is_w)
    def _gather_w():
        def _fire(k, buf, sem):
            @pl.when(k < wh)
            def _():
                so = pl.multiple_of((gbase + k) * 64, 64)
                pltpu.async_copy(x_hbm.at[tokb_v.at[pl.ds(so, 64)]],
                                 buf, sem)

        def _drain(k, buf, sem):
            @pl.when(k < wh)
            def _():
                so = pl.multiple_of((gbase + k) * 64, 64)
                pltpu.make_async_copy(
                    x_hbm.at[tokb_v.at[pl.ds(so, 64)]], buf, sem).wait()
                pltpu.sync_copy(buf, xs_hbm.at[pl.ds(so, 64)])

        _fire(jnp.int32(0), rows_a, sem_a)

        def gbody(j, _):
            k0 = j * 2
            _fire(k0 + 1, rows_b, sem_b)
            _drain(k0, rows_a, sem_a)
            _fire(k0 + 2, rows_a, sem_a)
            _drain(k0 + 1, rows_b, sem_b)
            return 0
        lax.fori_loop(0, (wh + 1) // 2, gbody, 0)

    @pl.when(is_h)
    def _gather_h():
        def _fire(k, ib, buf, sem):
            @pl.when(k < nsub)
            def _():
                so = pl.multiple_of((gbase + k) * 64, 64)
                pltpu.sync_copy(srctok_hbm.at[pl.ds(so, 64)], ib)
                pltpu.async_copy(x_hbm.at[ib], buf, sem)

        def _drain(k, ib, buf, sem):
            @pl.when(k < nsub)
            def _():
                so = pl.multiple_of((gbase + k) * 64, 64)
                pltpu.make_async_copy(x_hbm.at[ib], buf, sem).wait()
                pltpu.sync_copy(buf, xs_hbm.at[pl.ds(so, 64)])

        _fire(wh, idx_a, rows_a, sem_a)

        def gbody(j, _):
            k0 = wh + j * 2
            _fire(k0 + 1, idx_b, rows_b, sem_b)
            _drain(k0, idx_a, rows_a, sem_a)
            _fire(k0 + 2, idx_a, rows_a, sem_a)
            _drain(k0 + 1, idx_b, rows_b, sem_b)
            return 0
        lax.fori_loop(0, (nsub - wh + 1) // 2, gbody, 0)


def _route_call(i1, i2, wa, wb, x):
    mesh = plsc.VectorSubcoreMesh(core_axis_name="c", subcore_axis_name="s",
                                  num_cores=2, num_subcores=16)
    f = pl.kernel(
        _route_body,
        out_type=(
            jax.ShapeDtypeStruct((NSLOT,), jnp.int32),
            jax.ShapeDtypeStruct((NSLOT,), jnp.float32),
            jax.ShapeDtypeStruct((32,), jnp.int32),
            jax.ShapeDtypeStruct((NSLOT, DIM), jnp.float32),
        ),
        mesh=mesh,
        scratch_types=[
            pltpu.VMEM((NE,), jnp.int32),
            pltpu.VMEM((NE,), jnp.float32),
            pltpu.VMEM((NSLOT,), jnp.int32),
            pltpu.VMEM((NSLOT,), jnp.float32),
            pltpu.VMEM((64, DIM), jnp.float32),
            pltpu.VMEM((64, DIM), jnp.float32),
            pltpu.VMEM((32,), jnp.int32),
            pltpu.VMEM((64,), jnp.int32),
            pltpu.VMEM((64,), jnp.int32),
            pltpu.SemaphoreType.DMA,
            pltpu.SemaphoreType.DMA,
        ],
        compiler_params=pltpu.CompilerParams(needs_layout_passes=False),
    )
    return f(i1, i2, wa, wb, x)


def _group_body(meta_ref, xs_ref, w1_ref, b1_ref, w2_ref, b2_ref, tok_ref,
                w_ref, out_ref):
    b = pl.program_id(0)
    e = meta_ref[b]

    @pl.when(b == 0)
    def _init():
        out_ref[...] = jnp.zeros_like(out_ref)

    @pl.when(e < E)
    def _compute():
        xt = xs_ref[...]
        h = _silu(jnp.dot(xt, w1_ref[...],
                          preferred_element_type=jnp.float32) + b1_ref[...])
        y0 = jnp.dot(h, w2_ref[0], preferred_element_type=jnp.float32)
        onehot = (lax.broadcasted_iota(jnp.int32, (1, E), 1) == e
                  ).astype(jnp.float32)
        y0 = y0 + jnp.dot(onehot, b2_ref[...],
                          preferred_element_type=jnp.float32)
        tok_row = tok_ref[...].reshape(1, BLK)
        w_row = w_ref[...].reshape(1, BLK)
        n_i = lax.broadcasted_iota(jnp.int32, (N, BLK), 0)
        scat = jnp.where(n_i == tok_row, jnp.broadcast_to(w_row, (N, BLK)),
                         0.0)
        out_ref[...] += jnp.dot(scat, y0, preferred_element_type=jnp.float32)


def _group_call(blkm, xs, w1, b1, w2, b2, srctok3, srcw3):
    grid_spec = pltpu.PrefetchScalarGridSpec(
        num_scalar_prefetch=1,
        grid=(NBLK,),
        in_specs=[
            pl.BlockSpec((BLK, DIM), lambda b, m: (jnp.where(m[b] < E, b, 0), 0)),
            pl.BlockSpec((DIM, HID), lambda b, m: (0, 0)),
            pl.BlockSpec((HID,), lambda b, m: (0,)),
            pl.BlockSpec((1, HID, DIM), lambda b, m: (jnp.minimum(m[b], E - 1), 0, 0)),
            pl.BlockSpec((E, DIM), lambda b, m: (0, 0)),
            pl.BlockSpec((1, 1, BLK), lambda b, m: (b, 0, 0)),
            pl.BlockSpec((1, 1, BLK), lambda b, m: (b, 0, 0)),
        ],
        out_specs=pl.BlockSpec((N, DIM), lambda b, m: (0, 0)),
    )
    return pl.pallas_call(
        _group_body,
        grid_spec=grid_spec,
        out_shape=jax.ShapeDtypeStruct((N, DIM), jnp.float32),
        compiler_params=pltpu.CompilerParams(
            dimension_semantics=("arbitrary",),
        ),
    )(blkm, xs, w1, b1, w2, b2, srctok3, srcw3)


@jax.jit
def kernel(x, gw1, gb1, gw2, gb2, w1, b1, w2, b2):
    i1, i2, wa, wb = _gate_call(x, gw1, gb1, gw2, gb2)
    srctok, srcw, blkm, xs = _route_call(i1, i2, wa, wb, x)
    srctok3 = srctok.reshape(NBLK, 1, BLK)
    srcw3 = srcw.reshape(NBLK, 1, BLK)
    out = _group_call(blkm, xs, w1, b1, w2, b2, srctok3, srcw3)
    return out

# --- scband reference (transcript-rebuilt; emitter-appended) ---
"""Pipeline reference for scband-mo-e-7791070675576 (READ-ONLY COPY).

The authoritative reference and input builder live on the scoring server;
editing this copy changes nothing except your own understanding.
"""

import jax, jax.numpy as jnp
import numpy as np

DIM = 768
NUM_EXPERTS = 8
TOP_K = 2
NTOK = 2048


def setup_inputs(seed: int = 0) -> dict:
    key = jax.random.key(seed)
    ks = jax.random.split(key, 10)

    def init(k, shape, fan_in):
        return jax.random.normal(k, shape, dtype=jnp.float32) * (1.0 / np.sqrt(fan_in))

    x = jax.random.normal(ks[0], (NTOK, DIM), dtype=jnp.float32)
    # gate: Linear(dim, 2*dim) -> SiLU -> Linear(2*dim, num_experts)
    gw1 = init(ks[1], (DIM, 2 * DIM), DIM)
    gb1 = jnp.zeros((2 * DIM,), dtype=jnp.float32)
    gw2 = init(ks[2], (2 * DIM, NUM_EXPERTS), 2 * DIM)
    gb2 = jnp.zeros((NUM_EXPERTS,), dtype=jnp.float32)
    # shared ff1: Linear(dim, 4*dim) shared across ALL experts (same module instance)
    w1 = init(ks[3], (DIM, 4 * DIM), DIM)
    b1 = jnp.zeros((4 * DIM,), dtype=jnp.float32)
    # per-expert ff2: Linear(4*dim, dim), one per expert
    w2 = init(ks[4], (NUM_EXPERTS, 4 * DIM, DIM), 4 * DIM)
    b2 = jnp.zeros((NUM_EXPERTS, DIM), dtype=jnp.float32)
    return {"x": x, "gw1": gw1, "gb1": gb1, "gw2": gw2, "gb2": gb2,
            "w1": w1, "b1": b1, "w2": w2, "b2": b2}


def reference(x, gw1, gb1, gw2, gb2, w1, b1, w2, b2):
    # gates = self.gate(x.detach())
    xg = jax.lax.stop_gradient(x)
    h_gate = jax.nn.silu(xg @ gw1 + gb1)
    gates = h_gate @ gw2 + gb2  # [N, E]
    # weights, indices = topk(gates, top_k); softmax over top-k
    weights, indices = jax.lax.top_k(gates, TOP_K)  # [N, K], [N, K]
    weights = jax.nn.softmax(weights, axis=-1)
    # Each expert is applied to the FULL token set (as in the torch loop over
    # indices.unique()); ff1 is shared across experts.
    h = jax.nn.silu(x @ w1 + b1)  # [N, 4d] shared hidden
    all_outs = jnp.einsum("nf,efd->end", h, w2) + b2[:, None, :]  # [E, N, d]
    # combine per-token top-k expert outputs weighted by softmaxed gate weights
    n = x.shape[0]
    tok = jnp.arange(n)[:, None]  # [N, 1]
    gathered = all_outs[indices, tok]  # [N, K, d]
    output = jnp.sum(weights[:, :, None] * gathered, axis=1)  # [N, d]
    return output

if __name__ == "__main__":
    import jax
    _d = setup_inputs()
    print(jax.jit(kernel)(*tuple(_d.values())))

</pallas_src>

<mosaic_0001>
#map = affine_map<(d0, d1) -> (0)>
#map1 = affine_map<(d0, d1) -> (0, 0)>
module attributes {stable_mosaic.version = 14 : i64} {
  func.func @_route_body(%arg0: i32, %arg1: i32, %arg2: memref<2048xi32, #tpu.memory_space<hbm>>, %arg3: memref<2048xi32, #tpu.memory_space<hbm>>, %arg4: memref<2048xf32, #tpu.memory_space<hbm>>, %arg5: memref<2048xf32, #tpu.memory_space<hbm>>, %arg6: memref<2048x768xf32, #tpu.memory_space<hbm>>, %arg7: memref<6144xi32, #tpu.memory_space<hbm>>, %arg8: memref<6144xf32, #tpu.memory_space<hbm>>, %arg9: memref<32xi32, #tpu.memory_space<hbm>>, %arg10: memref<6144x768xf32, #tpu.memory_space<hbm>>, %arg11: memref<4096xi32, #tpu.memory_space<vmem>>, %arg12: memref<4096xf32, #tpu.memory_space<vmem>>, %arg13: memref<6144xi32, #tpu.memory_space<vmem>>, %arg14: memref<6144xf32, #tpu.memory_space<vmem>>, %arg15: memref<64x768xf32, #tpu.memory_space<vmem>>, %arg16: memref<64x768xf32, #tpu.memory_space<vmem>>, %arg17: memref<32xi32, #tpu.memory_space<vmem>>, %arg18: memref<64xi32, #tpu.memory_space<vmem>>, %arg19: memref<64xi32, #tpu.memory_space<vmem>>, %arg20: memref<!tpu.dma_semaphore, #tpu.memory_space<semaphore_mem>>, %arg21: memref<!tpu.dma_semaphore, #tpu.memory_space<semaphore_mem>>) attributes {dimension_semantics = [#tpu.dimension_semantics<core_parallel>, #tpu.dimension_semantics<subcore_parallel>], iteration_bounds = array<i64: 2, 16>, scalar_prefetch = 0 : i64, scratch_operands = 11 : i64, tpu.core_type = #tpu.core_type<sc_vector_subcore>, window_params = [{transform_indices = #map}, {transform_indices = #map}, {transform_indices = #map}, {transform_indices = #map}, {transform_indices = #map1}, {transform_indices = #map}, {transform_indices = #map}, {transform_indices = #map}, {transform_indices = #map1}]} {
    %iota3A = tpu.iota {dimensions = array<i32: 0>} : vector<16xi32>
    %lt3A = arith.constant 4 : i32
    %lt3A_0 = arith.cmpi slt, %arg1, %lt3A : i32
    %ge3A = arith.constant 8 : i32
    %ge3A_1 = arith.cmpi sge, %arg1, %ge3A : i32
    %lt3A_2 = arith.constant 12 : i32
    %lt3A_3 = arith.cmpi slt, %arg1, %lt3A_2 : i32
    %and3A = arith.andi %ge3A_1, %lt3A_3 : i1
    %lt3A_4 = arith.constant 8 : i32
    %lt3A_5 = arith.cmpi slt, %arg1, %lt3A_4 : i32
    %sub3A = arith.constant 8 : i32
    %sub3A_6 = arith.subi %arg1, %sub3A : i32
    %select_n3A = arith.select %lt3A_5, %arg1, %sub3A_6 : i32
    %mul3A = arith.constant 2 : i32
    %mul3A_7 = arith.muli %select_n3A, %mul3A : i32
    %add3A = arith.addi %mul3A_7, %arg0 : i32
    "tpu.region"() ({
      %run_scoped3A = tpu.sem_alloc : memref<!tpu.dma_semaphore, #tpu.memory_space<semaphore_mem>>
      %dma_start3A = arith.constant 0 : i32
      %dma_start3A_240 = tpu.memref_slice %arg11[%dma_start3A] : memref<4096xi32, #tpu.memory_space<vmem>> -> memref<2048xi32, #tpu.memory_space<vmem>>
      %dma_start3A_241 = arith.constant 0 : i32
      %dma_start3A_242 = tpu.memref_slice %arg11[%dma_start3A_241] : memref<4096xi32, #tpu.memory_space<vmem>> -> memref<2048xi32, #tpu.memory_space<vmem>>
      tpu.enqueue_dma source(%arg2 : memref<2048xi32, #tpu.memory_space<hbm>>) target(%dma_start3A_242 : memref<2048xi32, #tpu.memory_space<vmem>>) target_semaphore(%run_scoped3A : memref<!tpu.dma_semaphore, #tpu.memory_space<semaphore_mem>>)
      %dma_wait3A = arith.constant 0 : i32
      %dma_wait3A_243 = tpu.memref_slice %arg11[%dma_wait3A] : memref<4096xi32, #tpu.memory_space<vmem>> -> memref<2048xi32, #tpu.memory_space<vmem>>
      %dma_wait3A_244 = arith.constant 0 : i32
      %dma_wait3A_245 = tpu.memref_slice %arg11[%dma_wait3A_244] : memref<4096xi32, #tpu.memory_space<vmem>> -> memref<2048xi32, #tpu.memory_space<vmem>>
      tpu.wait_dma2 semaphore(%run_scoped3A : memref<!tpu.dma_semaphore, #tpu.memory_space<semaphore_mem>>) src(%arg2 : memref<2048xi32, #tpu.memory_space<hbm>>) dst(%dma_wait3A_245 : memref<2048xi32, #tpu.memory_space<vmem>>)
      tpu.yield
    }) : () -> ()
    "tpu.region"() ({
      %run_scoped3A = tpu.sem_alloc : memref<!tpu.dma_semaphore, #tpu.memory_space<semaphore_mem>>
      %dma_start3A = arith.constant 2048 : i32
      %dma_start3A_240 = tpu.memref_slice %arg11[%dma_start3A] : memref<4096xi32, #tpu.memory_space<vmem>> -> memref<2048xi32, #tpu.memory_space<vmem>>
      %dma_start3A_241 = arith.constant 2048 : i32
      %dma_start3A_242 = tpu.memref_slice %arg11[%dma_start3A_241] : memref<4096xi32, #tpu.memory_space<vmem>> -> memref<2048xi32, #tpu.memory_space<vmem>>
      tpu.enqueue_dma source(%arg3 : memref<2048xi32, #tpu.memory_space<hbm>>) target(%dma_start3A_242 : memref<2048xi32, #tpu.memory_space<vmem>>) target_semaphore(%run_scoped3A : memref<!tpu.dma_semaphore, #tpu.memory_space<semaphore_mem>>)
      %dma_wait3A = arith.constant 2048 : i32
      %dma_wait3A_243 = tpu.memref_slice %arg11[%dma_wait3A] : memref<4096xi32, #tpu.memory_space<vmem>> -> memref<2048xi32, #tpu.memory_space<vmem>>
      %dma_wait3A_244 = arith.constant 2048 : i32
      %dma_wait3A_245 = tpu.memref_slice %arg11[%dma_wait3A_244] : memref<4096xi32, #tpu.memory_space<vmem>> -> memref<2048xi32, #tpu.memory_space<vmem>>
      tpu.wait_dma2 semaphore(%run_scoped3A : memref<!tpu.dma_semaphore, #tpu.memory_space<semaphore_mem>>) src(%arg3 : memref<2048xi32, #tpu.memory_space<hbm>>) dst(%dma_wait3A_245 : memref<2048xi32, #tpu.memory_space<vmem>>)
      tpu.yield
    }) : () -> ()
    "tpu.region"() ({
      %run_scoped3A = tpu.sem_alloc : memref<!tpu.dma_semaphore, #tpu.memory_space<semaphore_mem>>
      %dma_start3A = arith.constant 0 : i32
      %dma_start3A_240 = tpu.memref_slice %arg12[%dma_start3A] : memref<4096xf32, #tpu.memory_space<vmem>> -> memref<2048xf32, #tpu.memory_space<vmem>>
      %dma_start3A_241 = arith.constant 0 : i32
      %dma_start3A_242 = tpu.memref_slice %arg12[%dma_start3A_241] : memref<4096xf32, #tpu.memory_space<vmem>> -> memref<2048xf32, #tpu.memory_space<vmem>>
      tpu.enqueue_dma source(%arg4 : memref<2048xf32, #tpu.memory_space<hbm>>) target(%dma_start3A_242 : memref<2048xf32, #tpu.memory_space<vmem>>) target_semaphore(%run_scoped3A : memref<!tpu.dma_semaphore, #tpu.memory_space<semaphore_mem>>)
      %dma_wait3A = arith.constant 0 : i32
      %dma_wait3A_243 = tpu.memref_slice %arg12[%dma_wait3A] : memref<4096xf32, #tpu.memory_space<vmem>> -> memref<2048xf32, #tpu.memory_space<vmem>>
      %dma_wait3A_244 = arith.constant 0 : i32
      %dma_wait3A_245 = tpu.memref_slice %arg12[%dma_wait3A_244] : memref<4096xf32, #tpu.memory_space<vmem>> -> memref<2048xf32, #tpu.memory_space<vmem>>
      tpu.wait_dma2 semaphore(%run_scoped3A : memref<!tpu.dma_semaphore, #tpu.memory_space<semaphore_mem>>) src(%arg4 : memref<2048xf32, #tpu.memory_space<hbm>>) dst(%dma_wait3A_245 : memref<2048xf32, #tpu.memory_space<vmem>>)
      tpu.yield
    }) : () -> ()
    "tpu.region"() ({
      %run_scoped3A = tpu.sem_alloc : memref<!tpu.dma_semaphore, #tpu.memory_space<semaphore_mem>>
      %dma_start3A = arith.constant 2048 : i32
      %dma_start3A_240 = tpu.memref_slice %arg12[%dma_start3A] : memref<4096xf32, #tpu.memory_space<vmem>> -> memref<2048xf32, #tpu.memory_space<vmem>>
      %dma_start3A_241 = arith.constant 2048 : i32
      %dma_start3A_242 = tpu.memref_slice %arg12[%dma_start3A_241] : memref<4096xf32, #tpu.memory_space<vmem>> -> memref<2048xf32, #tpu.memory_space<vmem>>
      tpu.enqueue_dma source(%arg5 : memref<2048xf32, #tpu.memory_space<hbm>>) target(%dma_start3A_242 : memref<2048xf32, #tpu.memory_space<vmem>>) target_semaphore(%run_scoped3A : memref<!tpu.dma_semaphore, #tpu.memory_space<semaphore_mem>>)
      %dma_wait3A = arith.constant 2048 : i32
      %dma_wait3A_243 = tpu.memref_slice %arg12[%dma_wait3A] : memref<4096xf32, #tpu.memory_space<vmem>> -> memref<2048xf32, #tpu.memory_space<vmem>>
      %dma_wait3A_244 = arith.constant 2048 : i32
      %dma_wait3A_245 = tpu.memref_slice %arg12[%dma_wait3A_244] : memref<4096xf32, #tpu.memory_space<vmem>> -> memref<2048xf32, #tpu.memory_space<vmem>>
      tpu.wait_dma2 semaphore(%run_scoped3A : memref<!tpu.dma_semaphore, #tpu.memory_space<semaphore_mem>>) src(%arg5 : memref<2048xf32, #tpu.memory_space<hbm>>) dst(%dma_wait3A_245 : memref<2048xf32, #tpu.memory_space<vmem>>)
      tpu.yield
    }) : () -> ()
    %broadcast_in_dim3A = arith.constant 0 : i32
    %broadcast_in_dim3A_8 = vector.broadcast %broadcast_in_dim3A : i32 to vector<16xi32>
    %broadcast_in_dim3A_9 = arith.constant 0 : i32
    %broadcast_in_dim3A_10 = vector.broadcast %broadcast_in_dim3A_9 : i32 to vector<16xi32>
    %broadcast_in_dim3A_11 = arith.constant 0 : i32
    %broadcast_in_dim3A_12 = vector.broadcast %broadcast_in_dim3A_11 : i32 to vector<16xi32>
    %broadcast_in_dim3A_13 = arith.constant 0 : i32
    %broadcast_in_dim3A_14 = vector.broadcast %broadcast_in_dim3A_13 : i32 to vector<16xi32>
    %broadcast_in_dim3A_15 = arith.constant 0 : i32
    %broadcast_in_dim3A_16 = vector.broadcast %broadcast_in_dim3A_15 : i32 to vector<16xi32>
    %broadcast_in_dim3A_17 = arith.constant 0 : i32
    %broadcast_in_dim3A_18 = vector.broadcast %broadcast_in_dim3A_17 : i32 to vector<16xi32>
    %broadcast_in_dim3A_19 = arith.constant 0 : i32
    %broadcast_in_dim3A_20 = vector.broadcast %broadcast_in_dim3A_19 : i32 to vector<16xi32>
    %broadcast_in_dim3A_21 = arith.constant 0 : i32
    %broadcast_in_dim3A_22 = vector.broadcast %broadcast_in_dim3A_21 : i32 to vector<16xi32>
    %scan3A = arith.constant 0 : i32
    %scan3A_23 = arith.constant 128 : i32
    %scan3A_24 = arith.addi %scan3A, %scan3A_23 : i32
    %scan3A_25 = arith.constant 1 : i32
    %scan3A_26:8 = scf.for %scan3A_240 = %scan3A to %scan3A_24 step %scan3A_25 iter_args(%scan3A_241 = %broadcast_in_dim3A_8, %scan3A_242 = %broadcast_in_dim3A_10, %scan3A_243 = %broadcast_in_dim3A_12, %scan3A_244 = %broadcast_in_dim3A_14, %scan3A_245 = %broadcast_in_dim3A_16, %scan3A_246 = %broadcast_in_dim3A_18, %scan3A_247 = %broadcast_in_dim3A_20, %scan3A_248 = %broadcast_in_dim3A_22) -> (vector<16xi32>, vector<16xi32>, vector<16xi32>, vector<16xi32>, vector<16xi32>, vector<16xi32>, vector<16xi32>, vector<16xi32>)  : i32 {
      %mul3A_249 = arith.constant 32 : i32
      %mul3A_250 = arith.muli %scan3A_240, %mul3A_249 : i32
      %get3A = arith.index_cast %mul3A_250 : i32 to index
      %get3A_251 = tpu.vector_load %arg11[%get3A] {strides = array<i32>} : memref<4096xi32, #tpu.memory_space<vmem>>, vector<16xi32>,
      %mul3A_252 = arith.constant 32 : i32
      %mul3A_253 = arith.muli %scan3A_240, %mul3A_252 : i32
      %add3A_254 = arith.constant 16 : i32
      %add3A_255 = arith.addi %mul3A_253, %add3A_254 : i32
      %get3A_256 = arith.index_cast %add3A_255 : i32 to index
      %get3A_257 = tpu.vector_load %arg11[%get3A_256] {strides = array<i32>} : memref<4096xi32, #tpu.memory_space<vmem>>, vector<16xi32>,
      %eq3A_258 = arith.constant 0 : i32
      %eq3A_259 = vector.broadcast %eq3A_258 : i32 to vector<16xi32>
      %eq3A_260 = arith.cmpi eq, %get3A_251, %eq3A_259 : vector<16xi32>
      %jit3A_261 = arith.constant 1 : i32
      %jit3A_262 = arith.constant 0 : i32
      %broadcast_in_dim3A_263 = vector.broadcast %jit3A_261 : i32 to vector<16xi32>
      %broadcast_in_dim3A_264 = vector.broadcast %jit3A_262 : i32 to vector<16xi32>
      %select_n3A_265 = arith.select %eq3A_260, %broadcast_in_dim3A_263, %broadcast_in_dim3A_264 : vector<16xi1>, vector<16xi32>
      %add3A_266 = arith.addi %scan3A_241, %select_n3A_265 : vector<16xi32>
      %eq3A_267 = arith.constant 0 : i32
      %eq3A_268 = vector.broadcast %eq3A_267 : i32 to vector<16xi32>
      %eq3A_269 = arith.cmpi eq, %get3A_257, %eq3A_268 : vector<16xi32>
      %jit3A_270 = arith.constant 1 : i32
      %jit3A_271 = arith.constant 0 : i32
      %broadcast_in_dim3A_272 = vector.broadcast %jit3A_270 : i32 to vector<16xi32>
      %broadcast_in_dim3A_273 = vector.broadcast %jit3A_271 : i32 to vector<16xi32>
      %select_n3A_274 = arith.select %eq3A_269, %broadcast_in_dim3A_272, %broadcast_in_dim3A_273 : vector<16xi1>, vector<16xi32>
      %add3A_275 = arith.addi %add3A_266, %select_n3A_274 : vector<16xi32>
      %eq3A_276 = arith.constant 1 : i32
      %eq3A_277 = vector.broadcast %eq3A_276 : i32 to vector<16xi32>
      %eq3A_278 = arith.cmpi eq, %get3A_251, %eq3A_277 : vector<16xi32>
      %jit3A_279 = arith.constant 1 : i32
      %jit3A_280 = arith.constant 0 : i32
      %broadcast_in_dim3A_281 = vector.broadcast %jit3A_279 : i32 to vector<16xi32>
      %broadcast_in_dim3A_282 = vector.broadcast %jit3A_280 : i32 to vector<16xi32>
      %select_n3A_283 = arith.select %eq3A_278, %broadcast_in_dim3A_281, %broadcast_in_dim3A_282 : vector<16xi1>, vector<16xi32>
      %add3A_284 = arith.addi %scan3A_242, %select_n3A_283 : vector<16xi32>
      %eq3A_285 = arith.constant 1 : i32
      %eq3A_286 = vector.broadcast %eq3A_285 : i32 to vector<16xi32>
      %eq3A_287 = arith.cmpi eq, %get3A_257, %eq3A_286 : vector<16xi32>
      %jit3A_288 = arith.constant 1 : i32
      %jit3A_289 = arith.constant 0 : i32
      %broadcast_in_dim3A_290 = vector.broadcast %jit3A_288 : i32 to vector<16xi32>
      %broadcast_in_dim3A_291 = vector.broadcast %jit3A_289 : i32 to vector<16xi32>
      %select_n3A_292 = arith.select %eq3A_287, %broadcast_in_dim3A_290, %broadcast_in_dim3A_291 : vector<16xi1>, vector<16xi32>
      %add3A_293 = arith.addi %add3A_284, %select_n3A_292 : vector<16xi32>
      %eq3A_294 = arith.constant 2 : i32
      %eq3A_295 = vector.broadcast %eq3A_294 : i32 to vector<16xi32>
      %eq3A_296 = arith.cmpi eq, %get3A_251, %eq3A_295 : vector<16xi32>
      %jit3A_297 = arith.constant 1 : i32
      %jit3A_298 = arith.constant 0 : i32
      %broadcast_in_dim3A_299 = vector.broadcast %jit3A_297 : i32 to vector<16xi32>
      %broadcast_in_dim3A_300 = vector.broadcast %jit3A_298 : i32 to vector<16xi32>
      %select_n3A_301 = arith.select %eq3A_296, %broadcast_in_dim3A_299, %broadcast_in_dim3A_300 : vector<16xi1>, vector<16xi32>
      %add3A_302 = arith.addi %scan3A_243, %select_n3A_301 : vector<16xi32>
      %eq3A_303 = arith.constant 2 : i32
      %eq3A_304 = vector.broadcast %eq3A_303 : i32 to vector<16xi32>
      %eq3A_305 = arith.cmpi eq, %get3A_257, %eq3A_304 : vector<16xi32>
      %jit3A_306 = arith.constant 1 : i32
      %jit3A_307 = arith.constant 0 : i32
      %broadcast_in_dim3A_308 = vector.broadcast %jit3A_306 : i32 to vector<16xi32>
      %broadcast_in_dim3A_309 = vector.broadcast %jit3A_307 : i32 to vector<16xi32>
      %select_n3A_310 = arith.select %eq3A_305, %broadcast_in_dim3A_308, %broadcast_in_dim3A_309 : vector<16xi1>, vector<16xi32>
      %add3A_311 = arith.addi %add3A_302, %select_n3A_310 : vector<16xi32>
      %eq3A_312 = arith.constant 3 : i32
      %eq3A_313 = vector.broadcast %eq3A_312 : i32 to vector<16xi32>
      %eq3A_314 = arith.cmpi eq, %get3A_251, %eq3A_313 : vector<16xi32>
      %jit3A_315 = arith.constant 1 : i32
      %jit3A_316 = arith.constant 0 : i32
      %broadcast_in_dim3A_317 = vector.broadcast %jit3A_315 : i32 to vector<16xi32>
      %broadcast_in_dim3A_318 = vector.broadcast %jit3A_316 : i32 to vector<16xi32>
      %select_n3A_319 = arith.select %eq3A_314, %broadcast_in_dim3A_317, %broadcast_in_dim3A_318 : vector<16xi1>, vector<16xi32>
      %add3A_320 = arith.addi %scan3A_244, %select_n3A_319 : vector<16xi32>
      %eq3A_321 = arith.constant 3 : i32
      %eq3A_322 = vector.broadcast %eq3A_321 : i32 to vector<16xi32>
      %eq3A_323 = arith.cmpi eq, %get3A_257, %eq3A_322 : vector<16xi32>
      %jit3A_324 = arith.constant 1 : i32
      %jit3A_325 = arith.constant 0 : i32
      %broadcast_in_dim3A_326 = vector.broadcast %jit3A_324 : i32 to vector<16xi32>
      %broadcast_in_dim3A_327 = vector.broadcast %jit3A_325 : i32 to vector<16xi32>
      %select_n3A_328 = arith.select %eq3A_323, %broadcast_in_dim3A_326, %broadcast_in_dim3A_327 : vector<16xi1>, vector<16xi32>
      %add3A_329 = arith.addi %add3A_320, %select_n3A_328 : vector<16xi32>
      %eq3A_330 = arith.constant 4 : i32
      %eq3A_331 = vector.broadcast %eq3A_330 : i32 to vector<16xi32>
      %eq3A_332 = arith.cmpi eq, %get3A_251, %eq3A_331 : vector<16xi32>
      %jit3A_333 = arith.constant 1 : i32
      %jit3A_334 = arith.constant 0 : i32
      %broadcast_in_dim3A_335 = vector.broadcast %jit3A_333 : i32 to vector<16xi32>
      %broadcast_in_dim3A_336 = vector.broadcast %jit3A_334 : i32 to vector<16xi32>
      %select_n3A_337 = arith.select %eq3A_332, %broadcast_in_dim3A_335, %broadcast_in_dim3A_336 : vector<16xi1>, vector<16xi32>
      %add3A_338 = arith.addi %scan3A_245, %select_n3A_337 : vector<16xi32>
      %eq3A_339 = arith.constant 4 : i32
      %eq3A_340 = vector.broadcast %eq3A_339 : i32 to vector<16xi32>
      %eq3A_341 = arith.cmpi eq, %get3A_257, %eq3A_340 : vector<16xi32>
      %jit3A_342 = arith.constant 1 : i32
      %jit3A_343 = arith.constant 0 : i32
      %broadcast_in_dim3A_344 = vector.broadcast %jit3A_342 : i32 to vector<16xi32>
      %broadcast_in_dim3A_345 = vector.broadcast %jit3A_343 : i32 to vector<16xi32>
      %select_n3A_346 = arith.select %eq3A_341, %broadcast_in_dim3A_344, %broadcast_in_dim3A_345 : vector<16xi1>, vector<16xi32>
      %add3A_347 = arith.addi %add3A_338, %select_n3A_346 : vector<16xi32>
      %eq3A_348 = arith.constant 5 : i32
      %eq3A_349 = vector.broadcast %eq3A_348 : i32 to vector<16xi32>
      %eq3A_350 = arith.cmpi eq, %get3A_251, %eq3A_349 : vector<16xi32>
      %jit3A_351 = arith.constant 1 : i32
      %jit3A_352 = arith.constant 0 : i32
      %broadcast_in_dim3A_353 = vector.broadcast %jit3A_351 : i32 to vector<16xi32>
      %broadcast_in_dim3A_354 = vector.broadcast %jit3A_352 : i32 to vector<16xi32>
      %select_n3A_355 = arith.select %eq3A_350, %broadcast_in_dim3A_353, %broadcast_in_dim3A_354 : vector<16xi1>, vector<16xi32>
      %add3A_356 = arith.addi %scan3A_246, %select_n3A_355 : vector<16xi32>
      %eq3A_357 = arith.constant 5 : i32
      %eq3A_358 = vector.broadcast %eq3A_357 : i32 to vector<16xi32>
      %eq3A_359 = arith.cmpi eq, %get3A_257, %eq3A_358 : vector<16xi32>
      %jit3A_360 = arith.constant 1 : i32
      %jit3A_361 = arith.constant 0 : i32
      %broadcast_in_dim3A_362 = vector.broadcast %jit3A_360 : i32 to vector<16xi32>
      %broadcast_in_dim3A_363 = vector.broadcast %jit3A_361 : i32 to vector<16xi32>
      %select_n3A_364 = arith.select %eq3A_359, %broadcast_in_dim3A_362, %broadcast_in_dim3A_363 : vector<16xi1>, vector<16xi32>
      %add3A_365 = arith.addi %add3A_356, %select_n3A_364 : vector<16xi32>
      %eq3A_366 = arith.constant 6 : i32
      %eq3A_367 = vector.broadcast %eq3A_366 : i32 to vector<16xi32>
      %eq3A_368 = arith.cmpi eq, %get3A_251, %eq3A_367 : vector<16xi32>
      %jit3A_369 = arith.constant 1 : i32
      %jit3A_370 = arith.constant 0 : i32
      %broadcast_in_dim3A_371 = vector.broadcast %jit3A_369 : i32 to vector<16xi32>
      %broadcast_in_dim3A_372 = vector.broadcast %jit3A_370 : i32 to vector<16xi32>
      %select_n3A_373 = arith.select %eq3A_368, %broadcast_in_dim3A_371, %broadcast_in_dim3A_372 : vector<16xi1>, vector<16xi32>
      %add3A_374 = arith.addi %scan3A_247, %select_n3A_373 : vector<16xi32>
      %eq3A_375 = arith.constant 6 : i32
      %eq3A_376 = vector.broadcast %eq3A_375 : i32 to vector<16xi32>
      %eq3A_377 = arith.cmpi eq, %get3A_257, %eq3A_376 : vector<16xi32>
      %jit3A_378 = arith.constant 1 : i32
      %jit3A_379 = arith.constant 0 : i32
      %broadcast_in_dim3A_380 = vector.broadcast %jit3A_378 : i32 to vector<16xi32>
      %broadcast_in_dim3A_381 = vector.broadcast %jit3A_379 : i32 to vector<16xi32>
      %select_n3A_382 = arith.select %eq3A_377, %broadcast_in_dim3A_380, %broadcast_in_dim3A_381 : vector<16xi1>, vector<16xi32>
      %add3A_383 = arith.addi %add3A_374, %select_n3A_382 : vector<16xi32>
      %eq3A_384 = arith.constant 7 : i32
      %eq3A_385 = vector.broadcast %eq3A_384 : i32 to vector<16xi32>
      %eq3A_386 = arith.cmpi eq, %get3A_251, %eq3A_385 : vector<16xi32>
      %jit3A_387 = arith.constant 1 : i32
      %jit3A_388 = arith.constant 0 : i32
      %broadcast_in_dim3A_389 = vector.broadcast %jit3A_387 : i32 to vector<16xi32>
      %broadcast_in_dim3A_390 = vector.broadcast %jit3A_388 : i32 to vector<16xi32>
      %select_n3A_391 = arith.select %eq3A_386, %broadcast_in_dim3A_389, %broadcast_in_dim3A_390 : vector<16xi1>, vector<16xi32>
      %add3A_392 = arith.addi %scan3A_248, %select_n3A_391 : vector<16xi32>
      %eq3A_393 = arith.constant 7 : i32
      %eq3A_394 = vector.broadcast %eq3A_393 : i32 to vector<16xi32>
      %eq3A_395 = arith.cmpi eq, %get3A_257, %eq3A_394 : vector<16xi32>
      %jit3A_396 = arith.constant 1 : i32
      %jit3A_397 = arith.constant 0 : i32
      %broadcast_in_dim3A_398 = vector.broadcast %jit3A_396 : i32 to vector<16xi32>
      %broadcast_in_dim3A_399 = vector.broadcast %jit3A_397 : i32 to vector<16xi32>
      %select_n3A_400 = arith.select %eq3A_395, %broadcast_in_dim3A_398, %broadcast_in_dim3A_399 : vector<16xi1>, vector<16xi32>
      %add3A_401 = arith.addi %add3A_392, %select_n3A_400 : vector<16xi32>
      scf.yield %add3A_275, %add3A_293, %add3A_311, %add3A_329, %add3A_347, %add3A_365, %add3A_383, %add3A_401 : vector<16xi32>, vector<16xi32>, vector<16xi32>, vector<16xi32>, vector<16xi32>, vector<16xi32>, vector<16xi32>, vector<16xi32>
    }
    %scan3A_27 = arith.constant 128 : i32
    %reduce_sum3A = arith.constant true
    %reduce_sum3A_28 = vector.broadcast %reduce_sum3A : i1 to vector<16xi1>
    %reduce_sum3A_29 = tpu.scan <sum>, %scan3A_26#0 masked %reduce_sum3A_28 : vector<16xi32>, vector<16xi1> -> vector<16xi32>
    %reduce_sum3A_30 = vector.extract %reduce_sum3A_29[15] : i32 from vector<16xi32>
    %reduce_sum3A_31 = arith.constant true
    %reduce_sum3A_32 = vector.broadcast %reduce_sum3A_31 : i1 to vector<16xi1>
    %reduce_sum3A_33 = tpu.scan <sum>, %scan3A_26#1 masked %reduce_sum3A_32 : vector<16xi32>, vector<16xi1> -> vector<16xi32>
    %reduce_sum3A_34 = vector.extract %reduce_sum3A_33[15] : i32 from vector<16xi32>
    %reduce_sum3A_35 = arith.constant true
    %reduce_sum3A_36 = vector.broadcast %reduce_sum3A_35 : i1 to vector<16xi1>
    %reduce_sum3A_37 = tpu.scan <sum>, %scan3A_26#2 masked %reduce_sum3A_36 : vector<16xi32>, vector<16xi1> -> vector<16xi32>
    %reduce_sum3A_38 = vector.extract %reduce_sum3A_37[15] : i32 from vector<16xi32>
    %reduce_sum3A_39 = arith.constant true
    %reduce_sum3A_40 = vector.broadcast %reduce_sum3A_39 : i1 to vector<16xi1>
    %reduce_sum3A_41 = tpu.scan <sum>, %scan3A_26#3 masked %reduce_sum3A_40 : vector<16xi32>, vector<16xi1> -> vector<16xi32>
    %reduce_sum3A_42 = vector.extract %reduce_sum3A_41[15] : i32 from vector<16xi32>
    %reduce_sum3A_43 = arith.constant true
    %reduce_sum3A_44 = vector.broadcast %reduce_sum3A_43 : i1 to vector<16xi1>
    %reduce_sum3A_45 = tpu.scan <sum>, %scan3A_26#4 masked %reduce_sum3A_44 : vector<16xi32>, vector<16xi1> -> vector<16xi32>
    %reduce_sum3A_46 = vector.extract %reduce_sum3A_45[15] : i32 from vector<16xi32>
    %reduce_sum3A_47 = arith.constant true
    %reduce_sum3A_48 = vector.broadcast %reduce_sum3A_47 : i1 to vector<16xi1>
    %reduce_sum3A_49 = tpu.scan <sum>, %scan3A_26#5 masked %reduce_sum3A_48 : vector<16xi32>, vector<16xi1> -> vector<16xi32>
    %reduce_sum3A_50 = vector.extract %reduce_sum3A_49[15] : i32 from vector<16xi32>
    %reduce_sum3A_51 = arith.constant true
    %reduce_sum3A_52 = vector.broadcast %reduce_sum3A_51 : i1 to vector<16xi1>
    %reduce_sum3A_53 = tpu.scan <sum>, %scan3A_26#6 masked %reduce_sum3A_52 : vector<16xi32>, vector<16xi1> -> vector<16xi32>
    %reduce_sum3A_54 = vector.extract %reduce_sum3A_53[15] : i32 from vector<16xi32>
    %reduce_sum3A_55 = arith.constant true
    %reduce_sum3A_56 = vector.broadcast %reduce_sum3A_55 : i1 to vector<16xi1>
    %reduce_sum3A_57 = tpu.scan <sum>, %scan3A_26#7 masked %reduce_sum3A_56 : vector<16xi32>, vector<16xi1> -> vector<16xi32>
    %reduce_sum3A_58 = vector.extract %reduce_sum3A_57[15] : i32 from vector<16xi32>
    %add3A_59 = arith.constant 255 : i32
    %add3A_60 = arith.addi %reduce_sum3A_30, %add3A_59 : i32
    %shift_right_logical3A = arith.constant 8 : i32
    %shift_right_logical3A_61 = arith.shrui %add3A_60, %shift_right_logical3A : i32
    %add3A_62 = arith.constant 255 : i32
    %add3A_63 = arith.addi %reduce_sum3A_34, %add3A_62 : i32
    %shift_right_logical3A_64 = arith.constant 8 : i32
    %shift_right_logical3A_65 = arith.shrui %add3A_63, %shift_right_logical3A_64 : i32
    %add3A_66 = arith.constant 255 : i32
    %add3A_67 = arith.addi %reduce_sum3A_38, %add3A_66 : i32
    %shift_right_logical3A_68 = arith.constant 8 : i32
    %shift_right_logical3A_69 = arith.shrui %add3A_67, %shift_right_logical3A_68 : i32
    %add3A_70 = arith.constant 255 : i32
    %add3A_71 = arith.addi %reduce_sum3A_42, %add3A_70 : i32
    %shift_right_logical3A_72 = arith.constant 8 : i32
    %shift_right_logical3A_73 = arith.shrui %add3A_71, %shift_right_logical3A_72 : i32
    %add3A_74 = arith.constant 255 : i32
    %add3A_75 = arith.addi %reduce_sum3A_46, %add3A_74 : i32
    %shift_right_logical3A_76 = arith.constant 8 : i32
    %shift_right_logical3A_77 = arith.shrui %add3A_75, %shift_right_logical3A_76 : i32
    %add3A_78 = arith.constant 255 : i32
    %add3A_79 = arith.addi %reduce_sum3A_50, %add3A_78 : i32
    %shift_right_logical3A_80 = arith.constant 8 : i32
    %shift_right_logical3A_81 = arith.shrui %add3A_79, %shift_right_logical3A_80 : i32
    %add3A_82 = arith.constant 255 : i32
    %add3A_83 = arith.addi %reduce_sum3A_54, %add3A_82 : i32
    %shift_right_logical3A_84 = arith.constant 8 : i32
    %shift_right_logical3A_85 = arith.shrui %add3A_83, %shift_right_logical3A_84 : i32
    %add3A_86 = arith.constant 255 : i32
    %add3A_87 = arith.addi %reduce_sum3A_58, %add3A_86 : i32
    %shift_right_logical3A_88 = arith.constant 8 : i32
    %shift_right_logical3A_89 = arith.shrui %add3A_87, %shift_right_logical3A_88 : i32
    %gt3A = arith.constant 0 : i32
    %gt3A_90 = arith.cmpi sgt, %add3A, %gt3A : i32
    %mul3A_91 = arith.constant 256 : i32
    %mul3A_92 = arith.muli %shift_right_logical3A_61, %mul3A_91 : i32
    %jit3A = arith.constant 0 : i32
    %select_n3A_93 = arith.select %gt3A_90, %mul3A_92, %jit3A : i32
    %add3A_94 = arith.constant 0 : i32
    %add3A_95 = arith.addi %add3A_94, %select_n3A_93 : i32
    %eq3A = arith.constant 0 : i32
    %eq3A_96 = arith.cmpi eq, %add3A, %eq3A : i32
    %jit3A_97 = arith.constant 0 : i32
    %select_n3A_98 = arith.select %eq3A_96, %shift_right_logical3A_61, %jit3A_97 : i32
    %add3A_99 = arith.constant 0 : i32
    %add3A_100 = arith.addi %add3A_99, %select_n3A_98 : i32
    %gt3A_101 = arith.constant 1 : i32
    %gt3A_102 = arith.cmpi sgt, %add3A, %gt3A_101 : i32
    %mul3A_103 = arith.constant 256 : i32
    %mul3A_104 = arith.muli %shift_right_logical3A_65, %mul3A_103 : i32
    %jit3A_105 = arith.constant 0 : i32
    %select_n3A_106 = arith.select %gt3A_102, %mul3A_104, %jit3A_105 : i32
    %add3A_107 = arith.addi %add3A_95, %select_n3A_106 : i32
    %eq3A_108 = arith.constant 1 : i32
    %eq3A_109 = arith.cmpi eq, %add3A, %eq3A_108 : i32
    %jit3A_110 = arith.constant 0 : i32
    %select_n3A_111 = arith.select %eq3A_109, %shift_right_logical3A_65, %jit3A_110 : i32
    %add3A_112 = arith.addi %add3A_100, %select_n3A_111 : i32
    %gt3A_113 = arith.constant 2 : i32
    %gt3A_114 = arith.cmpi sgt, %add3A, %gt3A_113 : i32
    %mul3A_115 = arith.constant 256 : i32
    %mul3A_116 = arith.muli %shift_right_logical3A_69, %mul3A_115 : i32
    %jit3A_117 = arith.constant 0 : i32
    %select_n3A_118 = arith.select %gt3A_114, %mul3A_116, %jit3A_117 : i32
    %add3A_119 = arith.addi %add3A_107, %select_n3A_118 : i32
    %eq3A_120 = arith.constant 2 : i32
    %eq3A_121 = arith.cmpi eq, %add3A, %eq3A_120 : i32
    %jit3A_122 = arith.constant 0 : i32
    %select_n3A_123 = arith.select %eq3A_121, %shift_right_logical3A_69, %jit3A_122 : i32
    %add3A_124 = arith.addi %add3A_112, %select_n3A_123 : i32
    %gt3A_125 = arith.constant 3 : i32
    %gt3A_126 = arith.cmpi sgt, %add3A, %gt3A_125 : i32
    %mul3A_127 = arith.constant 256 : i32
    %mul3A_128 = arith.muli %shift_right_logical3A_73, %mul3A_127 : i32
    %jit3A_129 = arith.constant 0 : i32
    %select_n3A_130 = arith.select %gt3A_126, %mul3A_128, %jit3A_129 : i32
    %add3A_131 = arith.addi %add3A_119, %select_n3A_130 : i32
    %eq3A_132 = arith.constant 3 : i32
    %eq3A_133 = arith.cmpi eq, %add3A, %eq3A_132 : i32
    %jit3A_134 = arith.constant 0 : i32
    %select_n3A_135 = arith.select %eq3A_133, %shift_right_logical3A_73, %jit3A_134 : i32
    %add3A_136 = arith.addi %add3A_124, %select_n3A_135 : i32
    %gt3A_137 = arith.constant 4 : i32
    %gt3A_138 = arith.cmpi sgt, %add3A, %gt3A_137 : i32
    %mul3A_139 = arith.constant 256 : i32
    %mul3A_140 = arith.muli %shift_right_logical3A_77, %mul3A_139 : i32
    %jit3A_141 = arith.constant 0 : i32
    %select_n3A_142 = arith.select %gt3A_138, %mul3A_140, %jit3A_141 : i32
    %add3A_143 = arith.addi %add3A_131, %select_n3A_142 : i32
    %eq3A_144 = arith.constant 4 : i32
    %eq3A_145 = arith.cmpi eq, %add3A, %eq3A_144 : i32
    %jit3A_146 = arith.constant 0 : i32
    %select_n3A_147 = arith.select %eq3A_145, %shift_right_logical3A_77, %jit3A_146 : i32
    %add3A_148 = arith.addi %add3A_136, %select_n3A_147 : i32
    %gt3A_149 = arith.constant 5 : i32
    %gt3A_150 = arith.cmpi sgt, %add3A, %gt3A_149 : i32
    %mul3A_151 = arith.constant 256 : i32
    %mul3A_152 = arith.muli %shift_right_logical3A_81, %mul3A_151 : i32
    %jit3A_153 = arith.constant 0 : i32
    %select_n3A_154 = arith.select %gt3A_150, %mul3A_152, %jit3A_153 : i32
    %add3A_155 = arith.addi %add3A_143, %select_n3A_154 : i32
    %eq3A_156 = arith.constant 5 : i32
    %eq3A_157 = arith.cmpi eq, %add3A, %eq3A_156 : i32
    %jit3A_158 = arith.constant 0 : i32
    %select_n3A_159 = arith.select %eq3A_157, %shift_right_logical3A_81, %jit3A_158 : i32
    %add3A_160 = arith.addi %add3A_148, %select_n3A_159 : i32
    %gt3A_161 = arith.constant 6 : i32
    %gt3A_162 = arith.cmpi sgt, %add3A, %gt3A_161 : i32
    %mul3A_163 = arith.constant 256 : i32
    %mul3A_164 = arith.muli %shift_right_logical3A_85, %mul3A_163 : i32
    %jit3A_165 = arith.constant 0 : i32
    %select_n3A_166 = arith.select %gt3A_162, %mul3A_164, %jit3A_165 : i32
    %add3A_167 = arith.addi %add3A_155, %select_n3A_166 : i32
    %eq3A_168 = arith.constant 6 : i32
    %eq3A_169 = arith.cmpi eq, %add3A, %eq3A_168 : i32
    %jit3A_170 = arith.constant 0 : i32
    %select_n3A_171 = arith.select %eq3A_169, %shift_right_logical3A_85, %jit3A_170 : i32
    %add3A_172 = arith.addi %add3A_160, %select_n3A_171 : i32
    %gt3A_173 = arith.constant 7 : i32
    %gt3A_174 = arith.cmpi sgt, %add3A, %gt3A_173 : i32
    %mul3A_175 = arith.constant 256 : i32
    %mul3A_176 = arith.muli %shift_right_logical3A_89, %mul3A_175 : i32
    %jit3A_177 = arith.constant 0 : i32
    %select_n3A_178 = arith.select %gt3A_174, %mul3A_176, %jit3A_177 : i32
    %add3A_179 = arith.addi %add3A_167, %select_n3A_178 : i32
    %eq3A_180 = arith.constant 7 : i32
    %eq3A_181 = arith.cmpi eq, %add3A, %eq3A_180 : i32
    %jit3A_182 = arith.constant 0 : i32
    %select_n3A_183 = arith.select %eq3A_181, %shift_right_logical3A_89, %jit3A_182 : i32
    %add3A_184 = arith.addi %add3A_172, %select_n3A_183 : i32
    %mul3A_185 = arith.constant 4 : i32
    %mul3A_186 = arith.muli %add3A_184, %mul3A_185 : i32
    %jit3A_187 = arith.constant 64 : i32
    %div3A = arith.divsi %add3A_179, %jit3A_187 : i32
    %sign3A = arith.constant 0 : i32
    %sign3A_188 = arith.cmpi sgt, %add3A_179, %sign3A : i32
    %sign3A_189 = arith.extui %sign3A_188 : i1 to i32
    %sign3A_190 = arith.constant 0 : i32
    %sign3A_191 = arith.cmpi slt, %add3A_179, %sign3A_190 : i32
    %sign3A_192 = arith.extui %sign3A_191 : i1 to i32
    %sign3A_193 = arith.subi %sign3A_189, %sign3A_192 : i32
    %sign3A_194 = arith.constant 0 : i32
    %sign3A_195 = arith.cmpi sgt, %jit3A_187, %sign3A_194 : i32
    %sign3A_196 = arith.extui %sign3A_195 : i1 to i32
    %sign3A_197 = arith.constant 0 : i32
    %sign3A_198 = arith.cmpi slt, %jit3A_187, %sign3A_197 : i32
    %sign3A_199 = arith.extui %sign3A_198 : i1 to i32
    %sign3A_200 = arith.subi %sign3A_196, %sign3A_199 : i32
    %ne3A = arith.cmpi ne, %sign3A_193, %sign3A_200 : i32
    %rem3A = arith.remsi %add3A_179, %jit3A_187 : i32
    %ne3A_201 = arith.constant 0 : i32
    %ne3A_202 = arith.cmpi ne, %rem3A, %ne3A_201 : i32
    %and3A_203 = arith.andi %ne3A, %ne3A_202 : i1
    %sub3A_204 = arith.constant 1 : i32
    %sub3A_205 = arith.subi %div3A, %sub3A_204 : i32
    %select_n3A_206 = arith.select %and3A_203, %sub3A_205, %div3A : i32
    %convert_element_type3A = arith.extui %lt3A_0 : i1 to i32
    %cond3A = arith.constant 0 : i32
    %cond3A_207 = arith.cmpi ne, %convert_element_type3A, %cond3A : i32
    scf.if %cond3A_207 {
      %broadcast_in_dim3A_240 = arith.constant 0 : i32
      %broadcast_in_dim3A_241 = vector.broadcast %broadcast_in_dim3A_240 : i32 to vector<16xi32>
      %broadcast_in_dim3A_242 = arith.constant 0.000000e+00 : f32
      %broadcast_in_dim3A_243 = vector.broadcast %broadcast_in_dim3A_242 : f32 to vector<16xf32>
      %gt3A_244 = arith.constant 0 : i32
      %gt3A_245 = arith.cmpi sgt, %add3A_184, %gt3A_244 : i32
      %convert_element_type3A_246 = arith.extui %gt3A_245 : i1 to i32
      %cond3A_247 = arith.constant 0 : i32
      %cond3A_248 = arith.cmpi ne, %convert_element_type3A_246, %cond3A_247 : i32
      scf.if %cond3A_248 {
        %sub3A_275 = arith.constant 1 : i32
        %sub3A_276 = arith.subi %add3A_184, %sub3A_275 : i32
        %mul3A_277 = arith.constant 256 : i32
        %mul3A_278 = arith.muli %sub3A_276, %mul3A_277 : i32
        %add3A_279 = arith.addi %add3A_179, %mul3A_278 : i32
        %multiple_of3A = tpu.assume_multiple %add3A_279, 256 : i32
        %scan3A_280 = arith.constant 0 : i32
        %scan3A_281 = arith.constant 0 : i32
        %scan3A_282 = arith.constant 16 : i32
        %scan3A_283 = arith.addi %scan3A_281, %scan3A_282 : i32
        %scan3A_284 = arith.constant 1 : i32
        %scan3A_285 = scf.for %scan3A_287 = %scan3A_281 to %scan3A_283 step %scan3A_284 iter_args(%scan3A_288 = %scan3A_280) -> (i32)  : i32 {
          %mul3A_289 = arith.constant 16 : i32
          %mul3A_290 = arith.muli %scan3A_287, %mul3A_289 : i32
          %add3A_291 = arith.addi %multiple_of3A, %mul3A_290 : i32
          %swap3A = arith.index_cast %add3A_291 : i32 to index
          %swap3A_292 = tpu.vector_load %arg13[%swap3A] {strides = array<i32>} : memref<6144xi32, #tpu.memory_space<vmem>>, vector<16xi32>,
          tpu.vector_store %arg13[%swap3A], %broadcast_in_dim3A_241 {strides = array<i32>} : memref<6144xi32, #tpu.memory_space<vmem>>, vector<16xi32>,
          %mul3A_293 = arith.constant 16 : i32
          %mul3A_294 = arith.muli %scan3A_287, %mul3A_293 : i32
          %add3A_295 = arith.addi %multiple_of3A, %mul3A_294 : i32
          %swap3A_296 = arith.index_cast %add3A_295 : i32 to index
          %swap3A_297 = tpu.vector_load %arg14[%swap3A_296] {strides = array<i32>} : memref<6144xf32, #tpu.memory_space<vmem>>, vector<16xf32>,
          tpu.vector_store %arg14[%swap3A_296], %broadcast_in_dim3A_243 {strides = array<i32>} : memref<6144xf32, #tpu.memory_space<vmem>>, vector<16xf32>,
          %scan3A_298 = arith.constant 0 : i32
          scf.yield %scan3A_298 : i32
        }
        %scan3A_286 = arith.constant 16 : i32
      } else {
      }
      %scan3A_249 = arith.constant 0 : i32
      %scan3A_250 = arith.constant 0 : i32
      %scan3A_251 = arith.constant 128 : i32
      %scan3A_252 = arith.addi %scan3A_250, %scan3A_251 : i32
      %scan3A_253 = arith.constant 1 : i32
      %scan3A_254 = scf.for %scan3A_275 = %scan3A_250 to %scan3A_252 step %scan3A_253 iter_args(%scan3A_276 = %scan3A_249) -> (i32)  : i32 {
        %mul3A_277 = arith.constant 32 : i32
        %mul3A_278 = arith.muli %scan3A_275, %mul3A_277 : i32
        %add3A_279 = arith.constant 0 : i32
        %add3A_280 = arith.addi %mul3A_278, %add3A_279 : i32
        %get3A = arith.index_cast %add3A_280 : i32 to index
        %get3A_281 = tpu.vector_load %arg11[%get3A] {strides = array<i32>} : memref<4096xi32, #tpu.memory_space<vmem>>, vector<16xi32>,
        %eq3A_282 = vector.broadcast %add3A : i32 to vector<16xi32>
        %eq3A_283 = arith.cmpi eq, %get3A_281, %eq3A_282 : vector<16xi32>
        %mul3A_284 = arith.constant 32 : i32
        %mul3A_285 = arith.muli %scan3A_275, %mul3A_284 : i32
        %add3A_286 = arith.constant 0 : i32
        %add3A_287 = arith.addi %mul3A_285, %add3A_286 : i32
        %add3A_288 = vector.broadcast %add3A_287 : i32 to vector<16xi32>
        %add3A_289 = arith.addi %add3A_288, %iota3A : vector<16xi32>
        %and3A_290 = arith.constant 2047 : i32
        %and3A_291 = vector.broadcast %and3A_290 : i32 to vector<16xi32>
        %and3A_292 = arith.andi %add3A_289, %and3A_291 : vector<16xi32>
        %mul3A_293 = arith.constant 32 : i32
        %mul3A_294 = arith.muli %scan3A_275, %mul3A_293 : i32
        %add3A_295 = arith.constant 0 : i32
        %add3A_296 = arith.addi %mul3A_294, %add3A_295 : i32
        %get3A_297 = arith.index_cast %add3A_296 : i32 to index
        %get3A_298 = tpu.vector_load %arg12[%get3A_297] {strides = array<i32>} : memref<4096xf32, #tpu.memory_space<vmem>>, vector<16xf32>,
        %jit3A_299 = arith.constant 1 : i32
        %jit3A_300 = arith.constant 0 : i32
        %broadcast_in_dim3A_301 = vector.broadcast %jit3A_299 : i32 to vector<16xi32>
        %broadcast_in_dim3A_302 = vector.broadcast %jit3A_300 : i32 to vector<16xi32>
        %select_n3A_303 = arith.select %eq3A_283, %broadcast_in_dim3A_301, %broadcast_in_dim3A_302 : vector<16xi1>, vector<16xi32>
        %broadcast_in_dim3A_304 = arith.constant true
        %broadcast_in_dim3A_305 = vector.broadcast %broadcast_in_dim3A_304 : i1 to vector<16xi1>
        %masked_cumsum3A = tpu.scan <sum>, %select_n3A_303 masked %broadcast_in_dim3A_305 : vector<16xi32>, vector<16xi1> -> vector<16xi32>
        %add3A_306 = arith.addi %add3A_179, %scan3A_276 : i32
        %add3A_307 = vector.broadcast %add3A_306 : i32 to vector<16xi32>
        %add3A_308 = arith.addi %add3A_307, %masked_cumsum3A : vector<16xi32>
        %sub3A_309 = arith.constant 1 : i32
        %sub3A_310 = vector.broadcast %sub3A_309 : i32 to vector<16xi32>
        %sub3A_311 = arith.subi %add3A_308, %sub3A_310 : vector<16xi32>
        tpu.vector_store_idx %arg13[%sub3A_311], %and3A_292 masked %eq3A_283 : memref<6144xi32, #tpu.memory_space<vmem>>[vector<16xi32>], vector<16xi32>, vector<16xi1>
        tpu.vector_store_idx %arg14[%sub3A_311], %get3A_298 masked %eq3A_283 : memref<6144xf32, #tpu.memory_space<vmem>>[vector<16xi32>], vector<16xf32>, vector<16xi1>
        %reduce_max3A = arith.constant true
        %reduce_max3A_312 = vector.broadcast %reduce_max3A : i1 to vector<16xi1>
        %reduce_max3A_313 = arith.constant -2147483648 : i32
        %reduce_max3A_314 = vector.broadcast %reduce_max3A_313 : i32 to vector<16xi32>
        %reduce_max3A_315 = arith.xori %masked_cumsum3A, %reduce_max3A_314 : vector<16xi32>
        %reduce_max3A_316 = tpu.scan <max>, %reduce_max3A_315 masked %reduce_max3A_312 : vector<16xi32>, vector<16xi1> -> vector<16xi32>
        %reduce_max3A_317 = arith.xori %reduce_max3A_316, %reduce_max3A_314 : vector<16xi32>
        %reduce_max3A_318 = vector.extract %reduce_max3A_317[15] : i32 from vector<16xi32>
        %add3A_319 = arith.addi %scan3A_276, %reduce_max3A_318 : i32
        %mul3A_320 = arith.constant 32 : i32
        %mul3A_321 = arith.muli %scan3A_275, %mul3A_320 : i32
        %add3A_322 = arith.constant 16 : i32
        %add3A_323 = arith.addi %mul3A_321, %add3A_322 : i32
        %get3A_324 = arith.index_cast %add3A_323 : i32 to index
        %get3A_325 = tpu.vector_load %arg11[%get3A_324] {strides = array<i32>} : memref<4096xi32, #tpu.memory_space<vmem>>, vector<16xi32>,
        %eq3A_326 = vector.broadcast %add3A : i32 to vector<16xi32>
        %eq3A_327 = arith.cmpi eq, %get3A_325, %eq3A_326 : vector<16xi32>
        %mul3A_328 = arith.constant 32 : i32
        %mul3A_329 = arith.muli %scan3A_275, %mul3A_328 : i32
        %add3A_330 = arith.constant 16 : i32
        %add3A_331 = arith.addi %mul3A_329, %add3A_330 : i32
        %add3A_332 = vector.broadcast %add3A_331 : i32 to vector<16xi32>
        %add3A_333 = arith.addi %add3A_332, %iota3A : vector<16xi32>
        %and3A_334 = arith.constant 2047 : i32
        %and3A_335 = vector.broadcast %and3A_334 : i32 to vector<16xi32>
        %and3A_336 = arith.andi %add3A_333, %and3A_335 : vector<16xi32>
        %mul3A_337 = arith.constant 32 : i32
        %mul3A_338 = arith.muli %scan3A_275, %mul3A_337 : i32
        %add3A_339 = arith.constant 16 : i32
        %add3A_340 = arith.addi %mul3A_338, %add3A_339 : i32
        %get3A_341 = arith.index_cast %add3A_340 : i32 to index
        %get3A_342 = tpu.vector_load %arg12[%get3A_341] {strides = array<i32>} : memref<4096xf32, #tpu.memory_space<vmem>>, vector<16xf32>,
        %jit3A_343 = arith.constant 1 : i32
        %jit3A_344 = arith.constant 0 : i32
        %broadcast_in_dim3A_345 = vector.broadcast %jit3A_343 : i32 to vector<16xi32>
        %broadcast_in_dim3A_346 = vector.broadcast %jit3A_344 : i32 to vector<16xi32>
        %select_n3A_347 = arith.select %eq3A_327, %broadcast_in_dim3A_345, %broadcast_in_dim3A_346 : vector<16xi1>, vector<16xi32>
        %broadcast_in_dim3A_348 = arith.constant true
        %broadcast_in_dim3A_349 = vector.broadcast %broadcast_in_dim3A_348 : i1 to vector<16xi1>
        %masked_cumsum3A_350 = tpu.scan <sum>, %select_n3A_347 masked %broadcast_in_dim3A_349 : vector<16xi32>, vector<16xi1> -> vector<16xi32>
        %add3A_351 = arith.addi %add3A_179, %add3A_319 : i32
        %add3A_352 = vector.broadcast %add3A_351 : i32 to vector<16xi32>
        %add3A_353 = arith.addi %add3A_352, %masked_cumsum3A_350 : vector<16xi32>
        %sub3A_354 = arith.constant 1 : i32
        %sub3A_355 = vector.broadcast %sub3A_354 : i32 to vector<16xi32>
        %sub3A_356 = arith.subi %add3A_353, %sub3A_355 : vector<16xi32>
        tpu.vector_store_idx %arg13[%sub3A_356], %and3A_336 masked %eq3A_327 : memref<6144xi32, #tpu.memory_space<vmem>>[vector<16xi32>], vector<16xi32>, vector<16xi1>
        tpu.vector_store_idx %arg14[%sub3A_356], %get3A_342 masked %eq3A_327 : memref<6144xf32, #tpu.memory_space<vmem>>[vector<16xi32>], vector<16xf32>, vector<16xi1>
        %reduce_max3A_357 = arith.constant true
        %reduce_max3A_358 = vector.broadcast %reduce_max3A_357 : i1 to vector<16xi1>
        %reduce_max3A_359 = arith.constant -2147483648 : i32
        %reduce_max3A_360 = vector.broadcast %reduce_max3A_359 : i32 to vector<16xi32>
        %reduce_max3A_361 = arith.xori %masked_cumsum3A_350, %reduce_max3A_360 : vector<16xi32>
        %reduce_max3A_362 = tpu.scan <max>, %reduce_max3A_361 masked %reduce_max3A_358 : vector<16xi32>, vector<16xi1> -> vector<16xi32>
        %reduce_max3A_363 = arith.xori %reduce_max3A_362, %reduce_max3A_360 : vector<16xi32>
        %reduce_max3A_364 = vector.extract %reduce_max3A_363[15] : i32 from vector<16xi32>
        %add3A_365 = arith.addi %add3A_319, %reduce_max3A_364 : i32
        scf.yield %add3A_365 : i32
      }
      %scan3A_255 = arith.constant 128 : i32
      %while3A = arith.constant 0 : i32
      %while3A_256 = arith.constant 0 : i32
      %while3A_257 = arith.subi %add3A_184, %while3A : i32
      %while3A_258 = arith.addi %while3A, %while3A_257 : i32
      %while3A_259 = arith.constant 1 : i32
      %while3A_260 = arith.divsi %while3A_257, %while3A_259 : i32
      %while3A_261 = arith.muli %while3A_260, %while3A_259 : i32
      %while3A_262 = arith.addi %while3A, %while3A_261 : i32
      %while3A_263 = arith.constant 1 : i32
      %while3A_264 = scf.for %while3A_275 = %while3A to %while3A_262 step %while3A_263 iter_args(%while3A_276 = %while3A_256) -> (i32)  : i32 {
        %mul3A_277 = arith.constant 256 : i32
        %mul3A_278 = arith.muli %while3A_275, %mul3A_277 : i32
        %add3A_279 = arith.addi %add3A_179, %mul3A_278 : i32
        %multiple_of3A = tpu.assume_multiple %add3A_279, 256 : i32
        "tpu.region"() ({
          %run_scoped3A = tpu.sem_alloc : memref<!tpu.dma_semaphore, #tpu.memory_space<semaphore_mem>>
          %dma_start3A = tpu.memref_slice %arg13[%multiple_of3A] : memref<6144xi32, #tpu.memory_space<vmem>> -> memref<256xi32, #tpu.memory_space<vmem>>
          %dma_start3A_281 = tpu.memref_slice %arg7[%multiple_of3A] : memref<6144xi32, #tpu.memory_space<hbm>> -> memref<256xi32, #tpu.memory_space<hbm>>
          %dma_start3A_282 = tpu.memref_slice %arg7[%multiple_of3A] : memref<6144xi32, #tpu.memory_space<hbm>> -> memref<256xi32, #tpu.memory_space<hbm>>
          %dma_start3A_283 = tpu.memref_slice %arg13[%multiple_of3A] : memref<6144xi32, #tpu.memory_space<vmem>> -> memref<256xi32, #tpu.memory_space<vmem>>
          tpu.enqueue_dma source(%dma_start3A_283 : memref<256xi32, #tpu.memory_space<vmem>>) target(%dma_start3A_282 : memref<256xi32, #tpu.memory_space<hbm>>) target_semaphore(%run_scoped3A : memref<!tpu.dma_semaphore, #tpu.memory_space<semaphore_mem>>)
          %dma_wait3A = tpu.memref_slice %arg13[%multiple_of3A] : memref<6144xi32, #tpu.memory_space<vmem>> -> memref<256xi32, #tpu.memory_space<vmem>>
          %dma_wait3A_284 = tpu.memref_slice %arg7[%multiple_of3A] : memref<6144xi32, #tpu.memory_space<hbm>> -> memref<256xi32, #tpu.memory_space<hbm>>
          %dma_wait3A_285 = tpu.memref_slice %arg7[%multiple_of3A] : memref<6144xi32, #tpu.memory_space<hbm>> -> memref<256xi32, #tpu.memory_space<hbm>>
          %dma_wait3A_286 = tpu.memref_slice %arg13[%multiple_of3A] : memref<6144xi32, #tpu.memory_space<vmem>> -> memref<256xi32, #tpu.memory_space<vmem>>
          tpu.wait_dma2 semaphore(%run_scoped3A : memref<!tpu.dma_semaphore, #tpu.memory_space<semaphore_mem>>) src(%dma_wait3A_286 : memref<256xi32, #tpu.memory_space<vmem>>) dst(%dma_wait3A_285 : memref<256xi32, #tpu.memory_space<hbm>>)
          tpu.yield
        }) : () -> ()
        "tpu.region"() ({
          %run_scoped3A = tpu.sem_alloc : memref<!tpu.dma_semaphore, #tpu.memory_space<semaphore_mem>>
          %dma_start3A = tpu.memref_slice %arg14[%multiple_of3A] : memref<6144xf32, #tpu.memory_space<vmem>> -> memref<256xf32, #tpu.memory_space<vmem>>
          %dma_start3A_281 = tpu.memref_slice %arg8[%multiple_of3A] : memref<6144xf32, #tpu.memory_space<hbm>> -> memref<256xf32, #tpu.memory_space<hbm>>
          %dma_start3A_282 = tpu.memref_slice %arg8[%multiple_of3A] : memref<6144xf32, #tpu.memory_space<hbm>> -> memref<256xf32, #tpu.memory_space<hbm>>
          %dma_start3A_283 = tpu.memref_slice %arg14[%multiple_of3A] : memref<6144xf32, #tpu.memory_space<vmem>> -> memref<256xf32, #tpu.memory_space<vmem>>
          tpu.enqueue_dma source(%dma_start3A_283 : memref<256xf32, #tpu.memory_space<vmem>>) target(%dma_start3A_282 : memref<256xf32, #tpu.memory_space<hbm>>) target_semaphore(%run_scoped3A : memref<!tpu.dma_semaphore, #tpu.memory_space<semaphore_mem>>)
          %dma_wait3A = tpu.memref_slice %arg14[%multiple_of3A] : memref<6144xf32, #tpu.memory_space<vmem>> -> memref<256xf32, #tpu.memory_space<vmem>>
          %dma_wait3A_284 = tpu.memref_slice %arg8[%multiple_of3A] : memref<6144xf32, #tpu.memory_space<hbm>> -> memref<256xf32, #tpu.memory_space<hbm>>
          %dma_wait3A_285 = tpu.memref_slice %arg8[%multiple_of3A] : memref<6144xf32, #tpu.memory_space<hbm>> -> memref<256xf32, #tpu.memory_space<hbm>>
          %dma_wait3A_286 = tpu.memref_slice %arg14[%multiple_of3A] : memref<6144xf32, #tpu.memory_space<vmem>> -> memref<256xf32, #tpu.memory_space<vmem>>
          tpu.wait_dma2 semaphore(%run_scoped3A : memref<!tpu.dma_semaphore, #tpu.memory_space<semaphore_mem>>) src(%dma_wait3A_286 : memref<256xf32, #tpu.memory_space<vmem>>) dst(%dma_wait3A_285 : memref<256xf32, #tpu.memory_space<hbm>>)
          tpu.yield
        }) : () -> ()
        %while3A_280 = arith.constant 0 : i32
        scf.yield %while3A_280 : i32
      }
      %while3A_265 = arith.constant 1 : i32
      %while3A_266 = scf.for %while3A_275 = %while3A_262 to %while3A_258 step %while3A_265 iter_args(%while3A_276 = %while3A_264) -> (i32)  : i32 {
        %mul3A_277 = arith.constant 256 : i32
        %mul3A_278 = arith.muli %while3A_275, %mul3A_277 : i32
        %add3A_279 = arith.addi %add3A_179, %mul3A_278 : i32
        %multiple_of3A = tpu.assume_multiple %add3A_279, 256 : i32
        "tpu.region"() ({
          %run_scoped3A = tpu.sem_alloc : memref<!tpu.dma_semaphore, #tpu.memory_space<semaphore_mem>>
          %dma_start3A = tpu.memref_slice %arg13[%multiple_of3A] : memref<6144xi32, #tpu.memory_space<vmem>> -> memref<256xi32, #tpu.memory_space<vmem>>
          %dma_start3A_281 = tpu.memref_slice %arg7[%multiple_of3A] : memref<6144xi32, #tpu.memory_space<hbm>> -> memref<256xi32, #tpu.memory_space<hbm>>
          %dma_start3A_282 = tpu.memref_slice %arg7[%multiple_of3A] : memref<6144xi32, #tpu.memory_space<hbm>> -> memref<256xi32, #tpu.memory_space<hbm>>
          %dma_start3A_283 = tpu.memref_slice %arg13[%multiple_of3A] : memref<6144xi32, #tpu.memory_space<vmem>> -> memref<256xi32, #tpu.memory_space<vmem>>
          tpu.enqueue_dma source(%dma_start3A_283 : memref<256xi32, #tpu.memory_space<vmem>>) target(%dma_start3A_282 : memref<256xi32, #tpu.memory_space<hbm>>) target_semaphore(%run_scoped3A : memref<!tpu.dma_semaphore, #tpu.memory_space<semaphore_mem>>)
          %dma_wait3A = tpu.memref_slice %arg13[%multiple_of3A] : memref<6144xi32, #tpu.memory_space<vmem>> -> memref<256xi32, #tpu.memory_space<vmem>>
          %dma_wait3A_284 = tpu.memref_slice %arg7[%multiple_of3A] : memref<6144xi32, #tpu.memory_space<hbm>> -> memref<256xi32, #tpu.memory_space<hbm>>
          %dma_wait3A_285 = tpu.memref_slice %arg7[%multiple_of3A] : memref<6144xi32, #tpu.memory_space<hbm>> -> memref<256xi32, #tpu.memory_space<hbm>>
          %dma_wait3A_286 = tpu.memref_slice %arg13[%multiple_of3A] : memref<6144xi32, #tpu.memory_space<vmem>> -> memref<256xi32, #tpu.memory_space<vmem>>
          tpu.wait_dma2 semaphore(%run_scoped3A : memref<!tpu.dma_semaphore, #tpu.memory_space<semaphore_mem>>) src(%dma_wait3A_286 : memref<256xi32, #tpu.memory_space<vmem>>) dst(%dma_wait3A_285 : memref<256xi32, #tpu.memory_space<hbm>>)
          tpu.yield
        }) : () -> ()
        "tpu.region"() ({
          %run_scoped3A = tpu.sem_alloc : memref<!tpu.dma_semaphore, #tpu.memory_space<semaphore_mem>>
          %dma_start3A = tpu.memref_slice %arg14[%multiple_of3A] : memref<6144xf32, #tpu.memory_space<vmem>> -> memref<256xf32, #tpu.memory_space<vmem>>
          %dma_start3A_281 = tpu.memref_slice %arg8[%multiple_of3A] : memref<6144xf32, #tpu.memory_space<hbm>> -> memref<256xf32, #tpu.memory_space<hbm>>
          %dma_start3A_282 = tpu.memref_slice %arg8[%multiple_of3A] : memref<6144xf32, #tpu.memory_space<hbm>> -> memref<256xf32, #tpu.memory_space<hbm>>
          %dma_start3A_283 = tpu.memref_slice %arg14[%multiple_of3A] : memref<6144xf32, #tpu.memory_space<vmem>> -> memref<256xf32, #tpu.memory_space<vmem>>
          tpu.enqueue_dma source(%dma_start3A_283 : memref<256xf32, #tpu.memory_space<vmem>>) target(%dma_start3A_282 : memref<256xf32, #tpu.memory_space<hbm>>) target_semaphore(%run_scoped3A : memref<!tpu.dma_semaphore, #tpu.memory_space<semaphore_mem>>)
          %dma_wait3A = tpu.memref_slice %arg14[%multiple_of3A] : memref<6144xf32, #tpu.memory_space<vmem>> -> memref<256xf32, #tpu.memory_space<vmem>>
          %dma_wait3A_284 = tpu.memref_slice %arg8[%multiple_of3A] : memref<6144xf32, #tpu.memory_space<hbm>> -> memref<256xf32, #tpu.memory_space<hbm>>
          %dma_wait3A_285 = tpu.memref_slice %arg8[%multiple_of3A] : memref<6144xf32, #tpu.memory_space<hbm>> -> memref<256xf32, #tpu.memory_space<hbm>>
          %dma_wait3A_286 = tpu.memref_slice %arg14[%multiple_of3A] : memref<6144xf32, #tpu.memory_space<vmem>> -> memref<256xf32, #tpu.memory_space<vmem>>
          tpu.wait_dma2 semaphore(%run_scoped3A : memref<!tpu.dma_semaphore, #tpu.memory_space<semaphore_mem>>) src(%dma_wait3A_286 : memref<256xf32, #tpu.memory_space<vmem>>) dst(%dma_wait3A_285 : memref<256xf32, #tpu.memory_space<hbm>>)
          tpu.yield
        }) : () -> ()
        %while3A_280 = arith.constant 0 : i32
        scf.yield %while3A_280 : i32
      }
      %eq3A_267 = arith.constant 0 : i32
      %eq3A_268 = arith.cmpi eq, %arg0, %eq3A_267 : i32
      %eq3A_269 = arith.constant 0 : i32
      %eq3A_270 = arith.cmpi eq, %arg1, %eq3A_269 : i32
      %and3A_271 = arith.andi %eq3A_268, %eq3A_270 : i1
      %convert_element_type3A_272 = arith.extui %and3A_271 : i1 to i32
      %cond3A_273 = arith.constant 0 : i32
      %cond3A_274 = arith.cmpi ne, %convert_element_type3A_272, %cond3A_273 : i32
      scf.if %cond3A_274 {
        %add3A_275 = arith.constant 0 : i32
        %add3A_276 = arith.addi %add3A_275, %shift_right_logical3A_61 : i32
        %add3A_277 = arith.addi %add3A_276, %shift_right_logical3A_65 : i32
        %add3A_278 = arith.addi %add3A_277, %shift_right_logical3A_69 : i32
        %add3A_279 = arith.addi %add3A_278, %shift_right_logical3A_73 : i32
        %add3A_280 = arith.addi %add3A_279, %shift_right_logical3A_77 : i32
        %add3A_281 = arith.addi %add3A_280, %shift_right_logical3A_81 : i32
        %add3A_282 = arith.addi %add3A_281, %shift_right_logical3A_85 : i32
        %add3A_283 = arith.addi %add3A_282, %shift_right_logical3A_89 : i32
        %add3A_284 = arith.constant 0 : i32
        %add3A_285 = vector.broadcast %add3A_284 : i32 to vector<16xi32>
        %add3A_286 = arith.addi %add3A_285, %iota3A : vector<16xi32>
        %broadcast_in_dim3A_287 = arith.constant 0 : i32
        %broadcast_in_dim3A_288 = vector.broadcast %broadcast_in_dim3A_287 : i32 to vector<16xi32>
        %ge3A_289 = vector.broadcast %add3A_276 : i32 to vector<16xi32>
        %ge3A_290 = arith.cmpi sge, %add3A_286, %ge3A_289 : vector<16xi32>
        %jit3A_291 = arith.constant 1 : i32
        %jit3A_292 = arith.constant 0 : i32
        %broadcast_in_dim3A_293 = vector.broadcast %jit3A_291 : i32 to vector<16xi32>
        %broadcast_in_dim3A_294 = vector.broadcast %jit3A_292 : i32 to vector<16xi32>
        %select_n3A_295 = arith.select %ge3A_290, %broadcast_in_dim3A_293, %broadcast_in_dim3A_294 : vector<16xi1>, vector<16xi32>
        %add3A_296 = arith.addi %broadcast_in_dim3A_288, %select_n3A_295 : vector<16xi32>
        %ge3A_297 = vector.broadcast %add3A_277 : i32 to vector<16xi32>
        %ge3A_298 = arith.cmpi sge, %add3A_286, %ge3A_297 : vector<16xi32>
        %jit3A_299 = arith.constant 1 : i32
        %jit3A_300 = arith.constant 0 : i32
        %broadcast_in_dim3A_301 = vector.broadcast %jit3A_299 : i32 to vector<16xi32>
        %broadcast_in_dim3A_302 = vector.broadcast %jit3A_300 : i32 to vector<16xi32>
        %select_n3A_303 = arith.select %ge3A_298, %broadcast_in_dim3A_301, %broadcast_in_dim3A_302 : vector<16xi1>, vector<16xi32>
        %add3A_304 = arith.addi %add3A_296, %select_n3A_303 : vector<16xi32>
        %ge3A_305 = vector.broadcast %add3A_278 : i32 to vector<16xi32>
        %ge3A_306 = arith.cmpi sge, %add3A_286, %ge3A_305 : vector<16xi32>
        %jit3A_307 = arith.constant 1 : i32
        %jit3A_308 = arith.constant 0 : i32
        %broadcast_in_dim3A_309 = vector.broadcast %jit3A_307 : i32 to vector<16xi32>
        %broadcast_in_dim3A_310 = vector.broadcast %jit3A_308 : i32 to vector<16xi32>
        %select_n3A_311 = arith.select %ge3A_306, %broadcast_in_dim3A_309, %broadcast_in_dim3A_310 : vector<16xi1>, vector<16xi32>
        %add3A_312 = arith.addi %add3A_304, %select_n3A_311 : vector<16xi32>
        %ge3A_313 = vector.broadcast %add3A_279 : i32 to vector<16xi32>
        %ge3A_314 = arith.cmpi sge, %add3A_286, %ge3A_313 : vector<16xi32>
        %jit3A_315 = arith.constant 1 : i32
        %jit3A_316 = arith.constant 0 : i32
        %broadcast_in_dim3A_317 = vector.broadcast %jit3A_315 : i32 to vector<16xi32>
        %broadcast_in_dim3A_318 = vector.broadcast %jit3A_316 : i32 to vector<16xi32>
        %select_n3A_319 = arith.select %ge3A_314, %broadcast_in_dim3A_317, %broadcast_in_dim3A_318 : vector<16xi1>, vector<16xi32>
        %add3A_320 = arith.addi %add3A_312, %select_n3A_319 : vector<16xi32>
        %ge3A_321 = vector.broadcast %add3A_280 : i32 to vector<16xi32>
        %ge3A_322 = arith.cmpi sge, %add3A_286, %ge3A_321 : vector<16xi32>
        %jit3A_323 = arith.constant 1 : i32
        %jit3A_324 = arith.constant 0 : i32
        %broadcast_in_dim3A_325 = vector.broadcast %jit3A_323 : i32 to vector<16xi32>
        %broadcast_in_dim3A_326 = vector.broadcast %jit3A_324 : i32 to vector<16xi32>
        %select_n3A_327 = arith.select %ge3A_322, %broadcast_in_dim3A_325, %broadcast_in_dim3A_326 : vector<16xi1>, vector<16xi32>
        %add3A_328 = arith.addi %add3A_320, %select_n3A_327 : vector<16xi32>
        %ge3A_329 = vector.broadcast %add3A_281 : i32 to vector<16xi32>
        %ge3A_330 = arith.cmpi sge, %add3A_286, %ge3A_329 : vector<16xi32>
        %jit3A_331 = arith.constant 1 : i32
        %jit3A_332 = arith.constant 0 : i32
        %broadcast_in_dim3A_333 = vector.broadcast %jit3A_331 : i32 to vector<16xi32>
        %broadcast_in_dim3A_334 = vector.broadcast %jit3A_332 : i32 to vector<16xi32>
        %select_n3A_335 = arith.select %ge3A_330, %broadcast_in_dim3A_333, %broadcast_in_dim3A_334 : vector<16xi1>, vector<16xi32>
        %add3A_336 = arith.addi %add3A_328, %select_n3A_335 : vector<16xi32>
        %ge3A_337 = vector.broadcast %add3A_282 : i32 to vector<16xi32>
        %ge3A_338 = arith.cmpi sge, %add3A_286, %ge3A_337 : vector<16xi32>
        %jit3A_339 = arith.constant 1 : i32
        %jit3A_340 = arith.constant 0 : i32
        %broadcast_in_dim3A_341 = vector.broadcast %jit3A_339 : i32 to vector<16xi32>
        %broadcast_in_dim3A_342 = vector.broadcast %jit3A_340 : i32 to vector<16xi32>
        %select_n3A_343 = arith.select %ge3A_338, %broadcast_in_dim3A_341, %broadcast_in_dim3A_342 : vector<16xi1>, vector<16xi32>
        %add3A_344 = arith.addi %add3A_336, %select_n3A_343 : vector<16xi32>
        %ge3A_345 = vector.broadcast %add3A_283 : i32 to vector<16xi32>
        %ge3A_346 = arith.cmpi sge, %add3A_286, %ge3A_345 : vector<16xi32>
        %jit3A_347 = arith.constant 1 : i32
        %jit3A_348 = arith.constant 0 : i32
        %broadcast_in_dim3A_349 = vector.broadcast %jit3A_347 : i32 to vector<16xi32>
        %broadcast_in_dim3A_350 = vector.broadcast %jit3A_348 : i32 to vector<16xi32>
        %select_n3A_351 = arith.select %ge3A_346, %broadcast_in_dim3A_349, %broadcast_in_dim3A_350 : vector<16xi1>, vector<16xi32>
        %add3A_352 = arith.addi %add3A_344, %select_n3A_351 : vector<16xi32>
        %swap3A = arith.constant 0 : index
        %swap3A_353 = tpu.vector_load %arg17[%swap3A] {strides = array<i32>} : memref<32xi32, #tpu.memory_space<vmem>>, vector<16xi32>,
        tpu.vector_store %arg17[%swap3A], %add3A_352 {strides = array<i32>} : memref<32xi32, #tpu.memory_space<vmem>>, vector<16xi32>,
        %add3A_354 = arith.constant 16 : i32
        %add3A_355 = vector.broadcast %add3A_354 : i32 to vector<16xi32>
        %add3A_356 = arith.addi %add3A_355, %iota3A : vector<16xi32>
        %broadcast_in_dim3A_357 = arith.constant 0 : i32
        %broadcast_in_dim3A_358 = vector.broadcast %broadcast_in_dim3A_357 : i32 to vector<16xi32>
        %ge3A_359 = vector.broadcast %add3A_276 : i32 to vector<16xi32>
        %ge3A_360 = arith.cmpi sge, %add3A_356, %ge3A_359 : vector<16xi32>
        %jit3A_361 = arith.constant 1 : i32
        %jit3A_362 = arith.constant 0 : i32
        %broadcast_in_dim3A_363 = vector.broadcast %jit3A_361 : i32 to vector<16xi32>
        %broadcast_in_dim3A_364 = vector.broadcast %jit3A_362 : i32 to vector<16xi32>
        %select_n3A_365 = arith.select %ge3A_360, %broadcast_in_dim3A_363, %broadcast_in_dim3A_364 : vector<16xi1>, vector<16xi32>
        %add3A_366 = arith.addi %broadcast_in_dim3A_358, %select_n3A_365 : vector<16xi32>
        %ge3A_367 = vector.broadcast %add3A_277 : i32 to vector<16xi32>
        %ge3A_368 = arith.cmpi sge, %add3A_356, %ge3A_367 : vector<16xi32>
        %jit3A_369 = arith.constant 1 : i32
        %jit3A_370 = arith.constant 0 : i32
        %broadcast_in_dim3A_371 = vector.broadcast %jit3A_369 : i32 to vector<16xi32>
        %broadcast_in_dim3A_372 = vector.broadcast %jit3A_370 : i32 to vector<16xi32>
        %select_n3A_373 = arith.select %ge3A_368, %broadcast_in_dim3A_371, %broadcast_in_dim3A_372 : vector<16xi1>, vector<16xi32>
        %add3A_374 = arith.addi %add3A_366, %select_n3A_373 : vector<16xi32>
        %ge3A_375 = vector.broadcast %add3A_278 : i32 to vector<16xi32>
        %ge3A_376 = arith.cmpi sge, %add3A_356, %ge3A_375 : vector<16xi32>
        %jit3A_377 = arith.constant 1 : i32
        %jit3A_378 = arith.constant 0 : i32
        %broadcast_in_dim3A_379 = vector.broadcast %jit3A_377 : i32 to vector<16xi32>
        %broadcast_in_dim3A_380 = vector.broadcast %jit3A_378 : i32 to vector<16xi32>
        %select_n3A_381 = arith.select %ge3A_376, %broadcast_in_dim3A_379, %broadcast_in_dim3A_380 : vector<16xi1>, vector<16xi32>
        %add3A_382 = arith.addi %add3A_374, %select_n3A_381 : vector<16xi32>
        %ge3A_383 = vector.broadcast %add3A_279 : i32 to vector<16xi32>
        %ge3A_384 = arith.cmpi sge, %add3A_356, %ge3A_383 : vector<16xi32>
        %jit3A_385 = arith.constant 1 : i32
        %jit3A_386 = arith.constant 0 : i32
        %broadcast_in_dim3A_387 = vector.broadcast %jit3A_385 : i32 to vector<16xi32>
        %broadcast_in_dim3A_388 = vector.broadcast %jit3A_386 : i32 to vector<16xi32>
        %select_n3A_389 = arith.select %ge3A_384, %broadcast_in_dim3A_387, %broadcast_in_dim3A_388 : vector<16xi1>, vector<16xi32>
        %add3A_390 = arith.addi %add3A_382, %select_n3A_389 : vector<16xi32>
        %ge3A_391 = vector.broadcast %add3A_280 : i32 to vector<16xi32>
        %ge3A_392 = arith.cmpi sge, %add3A_356, %ge3A_391 : vector<16xi32>
        %jit3A_393 = arith.constant 1 : i32
        %jit3A_394 = arith.constant 0 : i32
        %broadcast_in_dim3A_395 = vector.broadcast %jit3A_393 : i32 to vector<16xi32>
        %broadcast_in_dim3A_396 = vector.broadcast %jit3A_394 : i32 to vector<16xi32>
        %select_n3A_397 = arith.select %ge3A_392, %broadcast_in_dim3A_395, %broadcast_in_dim3A_396 : vector<16xi1>, vector<16xi32>
        %add3A_398 = arith.addi %add3A_390, %select_n3A_397 : vector<16xi32>
        %ge3A_399 = vector.broadcast %add3A_281 : i32 to vector<16xi32>
        %ge3A_400 = arith.cmpi sge, %add3A_356, %ge3A_399 : vector<16xi32>
        %jit3A_401 = arith.constant 1 : i32
        %jit3A_402 = arith.constant 0 : i32
        %broadcast_in_dim3A_403 = vector.broadcast %jit3A_401 : i32 to vector<16xi32>
        %broadcast_in_dim3A_404 = vector.broadcast %jit3A_402 : i32 to vector<16xi32>
        %select_n3A_405 = arith.select %ge3A_400, %broadcast_in_dim3A_403, %broadcast_in_dim3A_404 : vector<16xi1>, vector<16xi32>
        %add3A_406 = arith.addi %add3A_398, %select_n3A_405 : vector<16xi32>
        %ge3A_407 = vector.broadcast %add3A_282 : i32 to vector<16xi32>
        %ge3A_408 = arith.cmpi sge, %add3A_356, %ge3A_407 : vector<16xi32>
        %jit3A_409 = arith.constant 1 : i32
        %jit3A_410 = arith.constant 0 : i32
        %broadcast_in_dim3A_411 = vector.broadcast %jit3A_409 : i32 to vector<16xi32>
        %broadcast_in_dim3A_412 = vector.broadcast %jit3A_410 : i32 to vector<16xi32>
        %select_n3A_413 = arith.select %ge3A_408, %broadcast_in_dim3A_411, %broadcast_in_dim3A_412 : vector<16xi1>, vector<16xi32>
        %add3A_414 = arith.addi %add3A_406, %select_n3A_413 : vector<16xi32>
        %ge3A_415 = vector.broadcast %add3A_283 : i32 to vector<16xi32>
        %ge3A_416 = arith.cmpi sge, %add3A_356, %ge3A_415 : vector<16xi32>
        %jit3A_417 = arith.constant 1 : i32
        %jit3A_418 = arith.constant 0 : i32
        %broadcast_in_dim3A_419 = vector.broadcast %jit3A_417 : i32 to vector<16xi32>
        %broadcast_in_dim3A_420 = vector.broadcast %jit3A_418 : i32 to vector<16xi32>
        %select_n3A_421 = arith.select %ge3A_416, %broadcast_in_dim3A_419, %broadcast_in_dim3A_420 : vector<16xi1>, vector<16xi32>
        %add3A_422 = arith.addi %add3A_414, %select_n3A_421 : vector<16xi32>
        %swap3A_423 = arith.constant 16 : index
        %swap3A_424 = tpu.vector_load %arg17[%swap3A_423] {strides = array<i32>} : memref<32xi32, #tpu.memory_space<vmem>>, vector<16xi32>,
        tpu.vector_store %arg17[%swap3A_423], %add3A_422 {strides = array<i32>} : memref<32xi32, #tpu.memory_space<vmem>>, vector<16xi32>,
        "tpu.region"() ({
          %run_scoped3A = tpu.sem_alloc : memref<!tpu.dma_semaphore, #tpu.memory_space<semaphore_mem>>
          tpu.enqueue_dma source(%arg17 : memref<32xi32, #tpu.memory_space<vmem>>) target(%arg9 : memref<32xi32, #tpu.memory_space<hbm>>) target_semaphore(%run_scoped3A : memref<!tpu.dma_semaphore, #tpu.memory_space<semaphore_mem>>)
          tpu.wait_dma2 semaphore(%run_scoped3A : memref<!tpu.dma_semaphore, #tpu.memory_space<semaphore_mem>>) src(%arg17 : memref<32xi32, #tpu.memory_space<vmem>>) dst(%arg9 : memref<32xi32, #tpu.memory_space<hbm>>)
          tpu.yield
        }) : () -> ()
      } else {
      }
    } else {
    }
    %barrier3A = arith.constant 0 : index
    tpu.barrier barrier_id(%barrier3A)
    %add3A_208 = arith.constant 1 : i32
    %add3A_209 = arith.addi %mul3A_186, %add3A_208 : i32
    %jit3A_210 = arith.constant 2 : i32
    %div3A_211 = arith.divsi %add3A_209, %jit3A_210 : i32
    %sign3A_212 = arith.constant 0 : i32
    %sign3A_213 = arith.cmpi sgt, %add3A_209, %sign3A_212 : i32
    %sign3A_214 = arith.extui %sign3A_213 : i1 to i32
    %sign3A_215 = arith.constant 0 : i32
    %sign3A_216 = arith.cmpi slt, %add3A_209, %sign3A_215 : i32
    %sign3A_217 = arith.extui %sign3A_216 : i1 to i32
    %sign3A_218 = arith.subi %sign3A_214, %sign3A_217 : i32
    %sign3A_219 = arith.constant 0 : i32
    %sign3A_220 = arith.cmpi sgt, %jit3A_210, %sign3A_219 : i32
    %sign3A_221 = arith.extui %sign3A_220 : i1 to i32
    %sign3A_222 = arith.constant 0 : i32
    %sign3A_223 = arith.cmpi slt, %jit3A_210, %sign3A_222 : i32
    %sign3A_224 = arith.extui %sign3A_223 : i1 to i32
    %sign3A_225 = arith.subi %sign3A_221, %sign3A_224 : i32
    %ne3A_226 = arith.cmpi ne, %sign3A_218, %sign3A_225 : i32
    %rem3A_227 = arith.remsi %add3A_209, %jit3A_210 : i32
    %ne3A_228 = arith.constant 0 : i32
    %ne3A_229 = arith.cmpi ne, %rem3A_227, %ne3A_228 : i32
    %and3A_230 = arith.andi %ne3A_226, %ne3A_229 : i1
    %sub3A_231 = arith.constant 1 : i32
    %sub3A_232 = arith.subi %div3A_211, %sub3A_231 : i32
    %select_n3A_233 = arith.select %and3A_230, %sub3A_232, %div3A_211 : i32
    %convert_element_type3A_234 = arith.extui %lt3A_0 : i1 to i32
    %cond3A_235 = arith.constant 0 : i32
    %cond3A_236 = arith.cmpi ne, %convert_element_type3A_234, %cond3A_235 : i32
    scf.if %cond3A_236 {
      %lt3A_240 = arith.constant 0 : i32
      %lt3A_241 = arith.cmpi slt, %lt3A_240, %select_n3A_233 : i32
      %convert_element_type3A_242 = arith.extui %lt3A_241 : i1 to i32
      %cond3A_243 = arith.constant 0 : i32
      %cond3A_244 = arith.constant 0 : i32
      %cond3A_245 = arith.cmpi ne, %convert_element_type3A_242, %cond3A_244 : i32
      scf.if %cond3A_245 {
        %add3A_283 = arith.addi %select_n3A_206, %cond3A_243 : i32
        %mul3A_284 = arith.constant 64 : i32
        %mul3A_285 = arith.muli %add3A_283, %mul3A_284 : i32
        %multiple_of3A = tpu.assume_multiple %mul3A_285, 64 : i32
        %dma_start3A = tpu.memref_slice %arg13[%multiple_of3A] : memref<6144xi32, #tpu.memory_space<vmem>> -> memref<64xi32, #tpu.memory_space<vmem>>
        %dma_start3A_286 = arith.constant 0 : i32
        %dma_start3A_287 = arith.constant 0 : i32
        %dma_start3A_288 = tpu.memref_slice %arg6[%dma_start3A_286, %dma_start3A_287] : memref<2048x768xf32, #tpu.memory_space<hbm>> -> memref<2048x768xf32, #tpu.memory_space<hbm>>
        tpu.enqueue_indirect_dma source(%dma_start3A_288 : memref<2048x768xf32, #tpu.memory_space<hbm>>) target(%arg15 : memref<64x768xf32, #tpu.memory_space<vmem>>) offsets(%dma_start3A : memref<64xi32, #tpu.memory_space<vmem>>) semaphore(%arg20 : memref<!tpu.dma_semaphore, #tpu.memory_space<semaphore_mem>>)
      } else {
      }
      %add3A_246 = arith.constant 1 : i32
      %add3A_247 = arith.addi %select_n3A_233, %add3A_246 : i32
      %jit3A_248 = arith.constant 2 : i32
      %div3A_249 = arith.divsi %add3A_247, %jit3A_248 : i32
      %sign3A_250 = arith.constant 0 : i32
      %sign3A_251 = arith.cmpi sgt, %add3A_247, %sign3A_250 : i32
      %sign3A_252 = arith.extui %sign3A_251 : i1 to i32
      %sign3A_253 = arith.constant 0 : i32
      %sign3A_254 = arith.cmpi slt, %add3A_247, %sign3A_253 : i32
      %sign3A_255 = arith.extui %sign3A_254 : i1 to i32
      %sign3A_256 = arith.subi %sign3A_252, %sign3A_255 : i32
      %sign3A_257 = arith.constant 0 : i32
      %sign3A_258 = arith.cmpi sgt, %jit3A_248, %sign3A_257 : i32
      %sign3A_259 = arith.extui %sign3A_258 : i1 to i32
      %sign3A_260 = arith.constant 0 : i32
      %sign3A_261 = arith.cmpi slt, %jit3A_248, %sign3A_260 : i32
      %sign3A_262 = arith.extui %sign3A_261 : i1 to i32
      %sign3A_263 = arith.subi %sign3A_259, %sign3A_262 : i32
      %ne3A_264 = arith.cmpi ne, %sign3A_256, %sign3A_263 : i32
      %rem3A_265 = arith.remsi %add3A_247, %jit3A_248 : i32
      %ne3A_266 = arith.constant 0 : i32
      %ne3A_267 = arith.cmpi ne, %rem3A_265, %ne3A_266 : i32
      %and3A_268 = arith.andi %ne3A_264, %ne3A_267 : i1
      %sub3A_269 = arith.constant 1 : i32
      %sub3A_270 = arith.subi %div3A_249, %sub3A_269 : i32
      %select_n3A_271 = arith.select %and3A_268, %sub3A_270, %div3A_249 : i32
      %while3A = arith.constant 0 : i32
      %while3A_272 = arith.constant 0 : i32
      %while3A_273 = arith.subi %select_n3A_271, %while3A : i32
      %while3A_274 = arith.addi %while3A, %while3A_273 : i32
      %while3A_275 = arith.constant 1 : i32
      %while3A_276 = arith.divsi %while3A_273, %while3A_275 : i32
      %while3A_277 = arith.muli %while3A_276, %while3A_275 : i32
      %while3A_278 = arith.addi %while3A, %while3A_277 : i32
      %while3A_279 = arith.constant 1 : i32
      %while3A_280 = scf.for %while3A_283 = %while3A to %while3A_278 step %while3A_279 iter_args(%while3A_284 = %while3A_272) -> (i32)  : i32 {
        %mul3A_285 = arith.constant 2 : i32
        %mul3A_286 = arith.muli %while3A_283, %mul3A_285 : i32
        %add3A_287 = arith.constant 1 : i32
        %add3A_288 = arith.addi %mul3A_286, %add3A_287 : i32
        %lt3A_289 = arith.cmpi slt, %add3A_288, %select_n3A_233 : i32
        %convert_element_type3A_290 = arith.extui %lt3A_289 : i1 to i32
        %cond3A_291 = arith.constant 0 : i32
        %cond3A_292 = arith.cmpi ne, %convert_element_type3A_290, %cond3A_291 : i32
        scf.if %cond3A_292 {
          %add3A_310 = arith.addi %select_n3A_206, %add3A_288 : i32
          %mul3A_311 = arith.constant 64 : i32
          %mul3A_312 = arith.muli %add3A_310, %mul3A_311 : i32
          %multiple_of3A = tpu.assume_multiple %mul3A_312, 64 : i32
          %dma_start3A = tpu.memref_slice %arg13[%multiple_of3A] : memref<6144xi32, #tpu.memory_space<vmem>> -> memref<64xi32, #tpu.memory_space<vmem>>
          %dma_start3A_313 = arith.constant 0 : i32
          %dma_start3A_314 = arith.constant 0 : i32
          %dma_start3A_315 = tpu.memref_slice %arg6[%dma_start3A_313, %dma_start3A_314] : memref<2048x768xf32, #tpu.memory_space<hbm>> -> memref<2048x768xf32, #tpu.memory_space<hbm>>
          tpu.enqueue_indirect_dma source(%dma_start3A_315 : memref<2048x768xf32, #tpu.memory_space<hbm>>) target(%arg16 : memref<64x768xf32, #tpu.memory_space<vmem>>) offsets(%dma_start3A : memref<64xi32, #tpu.memory_space<vmem>>) semaphore(%arg21 : memref<!tpu.dma_semaphore, #tpu.memory_space<semaphore_mem>>)
        } else {
        }
        %lt3A_293 = arith.cmpi slt, %mul3A_286, %select_n3A_233 : i32
        %convert_element_type3A_294 = arith.extui %lt3A_293 : i1 to i32
        %cond3A_295 = arith.constant 0 : i32
        %cond3A_296 = arith.cmpi ne, %convert_element_type3A_294, %cond3A_295 : i32
        scf.if %cond3A_296 {
          %add3A_310 = arith.addi %select_n3A_206, %mul3A_286 : i32
          %mul3A_311 = arith.constant 64 : i32
          %mul3A_312 = arith.muli %add3A_310, %mul3A_311 : i32
          %multiple_of3A = tpu.assume_multiple %mul3A_312, 64 : i32
          %dma_wait3A = tpu.memref_slice %arg13[%multiple_of3A] : memref<6144xi32, #tpu.memory_space<vmem>> -> memref<64xi32, #tpu.memory_space<vmem>>
          %dma_wait3A_313 = arith.constant 0 : i32
          %dma_wait3A_314 = arith.constant 0 : i32
          %dma_wait3A_315 = tpu.memref_slice %arg6[%dma_wait3A_313, %dma_wait3A_314] : memref<2048x768xf32, #tpu.memory_space<hbm>> -> memref<2048x768xf32, #tpu.memory_space<hbm>>
          tpu.wait_indirect_dma semaphore(%arg20 : memref<!tpu.dma_semaphore, #tpu.memory_space<semaphore_mem>>) src(%dma_wait3A_315 : memref<2048x768xf32, #tpu.memory_space<hbm>>) dst(%arg15 : memref<64x768xf32, #tpu.memory_space<vmem>>)
          "tpu.region"() ({
            %run_scoped3A = tpu.sem_alloc : memref<!tpu.dma_semaphore, #tpu.memory_space<semaphore_mem>>
            %dma_start3A = arith.constant 0 : i32
            %dma_start3A_316 = tpu.memref_slice %arg10[%multiple_of3A, %dma_start3A] : memref<6144x768xf32, #tpu.memory_space<hbm>> -> memref<64x768xf32, #tpu.memory_space<hbm>>
            %dma_start3A_317 = arith.constant 0 : i32
            %dma_start3A_318 = tpu.memref_slice %arg10[%multiple_of3A, %dma_start3A_317] : memref<6144x768xf32, #tpu.memory_space<hbm>> -> memref<64x768xf32, #tpu.memory_space<hbm>>
            tpu.enqueue_dma source(%arg15 : memref<64x768xf32, #tpu.memory_space<vmem>>) target(%dma_start3A_318 : memref<64x768xf32, #tpu.memory_space<hbm>>) target_semaphore(%run_scoped3A : memref<!tpu.dma_semaphore, #tpu.memory_space<semaphore_mem>>)
            %dma_wait3A_319 = arith.constant 0 : i32
            %dma_wait3A_320 = tpu.memref_slice %arg10[%multiple_of3A, %dma_wait3A_319] : memref<6144x768xf32, #tpu.memory_space<hbm>> -> memref<64x768xf32, #tpu.memory_space<hbm>>
            %dma_wait3A_321 = arith.constant 0 : i32
            %dma_wait3A_322 = tpu.memref_slice %arg10[%multiple_of3A, %dma_wait3A_321] : memref<6144x768xf32, #tpu.memory_space<hbm>> -> memref<64x768xf32, #tpu.memory_space<hbm>>
            tpu.wait_dma2 semaphore(%run_scoped3A : memref<!tpu.dma_semaphore, #tpu.memory_space<semaphore_mem>>) src(%arg15 : memref<64x768xf32, #tpu.memory_space<vmem>>) dst(%dma_wait3A_322 : memref<64x768xf32, #tpu.memory_space<hbm>>)
            tpu.yield
          }) : () -> ()
        } else {
        }
        %add3A_297 = arith.constant 2 : i32
        %add3A_298 = arith.addi %mul3A_286, %add3A_297 : i32
        %lt3A_299 = arith.cmpi slt, %add3A_298, %select_n3A_233 : i32
        %convert_element_type3A_300 = arith.extui %lt3A_299 : i1 to i32
        %cond3A_301 = arith.constant 0 : i32
        %cond3A_302 = arith.cmpi ne, %convert_element_type3A_300, %cond3A_301 : i32
        scf.if %cond3A_302 {
          %add3A_310 = arith.addi %select_n3A_206, %add3A_298 : i32
          %mul3A_311 = arith.constant 64 : i32
          %mul3A_312 = arith.muli %add3A_310, %mul3A_311 : i32
          %multiple_of3A = tpu.assume_multiple %mul3A_312, 64 : i32
          %dma_start3A = tpu.memref_slice %arg13[%multiple_of3A] : memref<6144xi32, #tpu.memory_space<vmem>> -> memref<64xi32, #tpu.memory_space<vmem>>
          %dma_start3A_313 = arith.constant 0 : i32
          %dma_start3A_314 = arith.constant 0 : i32
          %dma_start3A_315 = tpu.memref_slice %arg6[%dma_start3A_313, %dma_start3A_314] : memref<2048x768xf32, #tpu.memory_space<hbm>> -> memref<2048x768xf32, #tpu.memory_space<hbm>>
          tpu.enqueue_indirect_dma source(%dma_start3A_315 : memref<2048x768xf32, #tpu.memory_space<hbm>>) target(%arg15 : memref<64x768xf32, #tpu.memory_space<vmem>>) offsets(%dma_start3A : memref<64xi32, #tpu.memory_space<vmem>>) semaphore(%arg20 : memref<!tpu.dma_semaphore, #tpu.memory_space<semaphore_mem>>)
        } else {
        }
        %add3A_303 = arith.constant 1 : i32
        %add3A_304 = arith.addi %mul3A_286, %add3A_303 : i32
        %lt3A_305 = arith.cmpi slt, %add3A_304, %select_n3A_233 : i32
        %convert_element_type3A_306 = arith.extui %lt3A_305 : i1 to i32
        %cond3A_307 = arith.constant 0 : i32
        %cond3A_308 = arith.cmpi ne, %convert_element_type3A_306, %cond3A_307 : i32
        scf.if %cond3A_308 {
          %add3A_310 = arith.addi %select_n3A_206, %add3A_304 : i32
          %mul3A_311 = arith.constant 64 : i32
          %mul3A_312 = arith.muli %add3A_310, %mul3A_311 : i32
          %multiple_of3A = tpu.assume_multiple %mul3A_312, 64 : i32
          %dma_wait3A = tpu.memref_slice %arg13[%multiple_of3A] : memref<6144xi32, #tpu.memory_space<vmem>> -> memref<64xi32, #tpu.memory_space<vmem>>
          %dma_wait3A_313 = arith.constant 0 : i32
          %dma_wait3A_314 = arith.constant 0 : i32
          %dma_wait3A_315 = tpu.memref_slice %arg6[%dma_wait3A_313, %dma_wait3A_314] : memref<2048x768xf32, #tpu.memory_space<hbm>> -> memref<2048x768xf32, #tpu.memory_space<hbm>>
          tpu.wait_indirect_dma semaphore(%arg21 : memref<!tpu.dma_semaphore, #tpu.memory_space<semaphore_mem>>) src(%dma_wait3A_315 : memref<2048x768xf32, #tpu.memory_space<hbm>>) dst(%arg16 : memref<64x768xf32, #tpu.memory_space<vmem>>)
          "tpu.region"() ({
            %run_scoped3A = tpu.sem_alloc : memref<!tpu.dma_semaphore, #tpu.memory_space<semaphore_mem>>
            %dma_start3A = arith.constant 0 : i32
            %dma_start3A_316 = tpu.memref_slice %arg10[%multiple_of3A, %dma_start3A] : memref<6144x768xf32, #tpu.memory_space<hbm>> -> memref<64x768xf32, #tpu.memory_space<hbm>>
            %dma_start3A_317 = arith.constant 0 : i32
            %dma_start3A_318 = tpu.memref_slice %arg10[%multiple_of3A, %dma_start3A_317] : memref<6144x768xf32, #tpu.memory_space<hbm>> -> memref<64x768xf32, #tpu.memory_space<hbm>>
            tpu.enqueue_dma source(%arg16 : memref<64x768xf32, #tpu.memory_space<vmem>>) target(%dma_start3A_318 : memref<64x768xf32, #tpu.memory_space<hbm>>) target_semaphore(%run_scoped3A : memref<!tpu.dma_semaphore, #tpu.memory_space<semaphore_mem>>)
            %dma_wait3A_319 = arith.constant 0 : i32
            %dma_wait3A_320 = tpu.memref_slice %arg10[%multiple_of3A, %dma_wait3A_319] : memref<6144x768xf32, #tpu.memory_space<hbm>> -> memref<64x768xf32, #tpu.memory_space<hbm>>
            %dma_wait3A_321 = arith.constant 0 : i32
            %dma_wait3A_322 = tpu.memref_slice %arg10[%multiple_of3A, %dma_wait3A_321] : memref<6144x768xf32, #tpu.memory_space<hbm>> -> memref<64x768xf32, #tpu.memory_space<hbm>>
            tpu.wait_dma2 semaphore(%run_scoped3A : memref<!tpu.dma_semaphore, #tpu.memory_space<semaphore_mem>>) src(%arg16 : memref<64x768xf32, #tpu.memory_space<vmem>>) dst(%dma_wait3A_322 : memref<64x768xf32, #tpu.memory_space<hbm>>)
            tpu.yield
          }) : () -> ()
        } else {
        }
        %while3A_309 = arith.constant 0 : i32
        scf.yield %while3A_309 : i32
      }
      %while3A_281 = arith.constant 1 : i32
      %while3A_282 = scf.for %while3A_283 = %while3A_278 to %while3A_274 step %while3A_281 iter_args(%while3A_284 = %while3A_280) -> (i32)  : i32 {
        %mul3A_285 = arith.constant 2 : i32
        %mul3A_286 = arith.muli %while3A_283, %mul3A_285 : i32
        %add3A_287 = arith.constant 1 : i32
        %add3A_288 = arith.addi %mul3A_286, %add3A_287 : i32
        %lt3A_289 = arith.cmpi slt, %add3A_288, %select_n3A_233 : i32
        %convert_element_type3A_290 = arith.extui %lt3A_289 : i1 to i32
        %cond3A_291 = arith.constant 0 : i32
        %cond3A_292 = arith.cmpi ne, %convert_element_type3A_290, %cond3A_291 : i32
        scf.if %cond3A_292 {
          %add3A_310 = arith.addi %select_n3A_206, %add3A_288 : i32
          %mul3A_311 = arith.constant 64 : i32
          %mul3A_312 = arith.muli %add3A_310, %mul3A_311 : i32
          %multiple_of3A = tpu.assume_multiple %mul3A_312, 64 : i32
          %dma_start3A = tpu.memref_slice %arg13[%multiple_of3A] : memref<6144xi32, #tpu.memory_space<vmem>> -> memref<64xi32, #tpu.memory_space<vmem>>
          %dma_start3A_313 = arith.constant 0 : i32
          %dma_start3A_314 = arith.constant 0 : i32
          %dma_start3A_315 = tpu.memref_slice %arg6[%dma_start3A_313, %dma_start3A_314] : memref<2048x768xf32, #tpu.memory_space<hbm>> -> memref<2048x768xf32, #tpu.memory_space<hbm>>
          tpu.enqueue_indirect_dma source(%dma_start3A_315 : memref<2048x768xf32, #tpu.memory_space<hbm>>) target(%arg16 : memref<64x768xf32, #tpu.memory_space<vmem>>) offsets(%dma_start3A : memref<64xi32, #tpu.memory_space<vmem>>) semaphore(%arg21 : memref<!tpu.dma_semaphore, #tpu.memory_space<semaphore_mem>>)
        } else {
        }
        %lt3A_293 = arith.cmpi slt, %mul3A_286, %select_n3A_233 : i32
        %convert_element_type3A_294 = arith.extui %lt3A_293 : i1 to i32
        %cond3A_295 = arith.constant 0 : i32
        %cond3A_296 = arith.cmpi ne, %convert_element_type3A_294, %cond3A_295 : i32
        scf.if %cond3A_296 {
          %add3A_310 = arith.addi %select_n3A_206, %mul3A_286 : i32
          %mul3A_311 = arith.constant 64 : i32
          %mul3A_312 = arith.muli %add3A_310, %mul3A_311 : i32
          %multiple_of3A = tpu.assume_multiple %mul3A_312, 64 : i32
          %dma_wait3A = tpu.memref_slice %arg13[%multiple_of3A] : memref<6144xi32, #tpu.memory_space<vmem>> -> memref<64xi32, #tpu.memory_space<vmem>>
          %dma_wait3A_313 = arith.constant 0 : i32
          %dma_wait3A_314 = arith.constant 0 : i32
          %dma_wait3A_315 = tpu.memref_slice %arg6[%dma_wait3A_313, %dma_wait3A_314] : memref<2048x768xf32, #tpu.memory_space<hbm>> -> memref<2048x768xf32, #tpu.memory_space<hbm>>
          tpu.wait_indirect_dma semaphore(%arg20 : memref<!tpu.dma_semaphore, #tpu.memory_space<semaphore_mem>>) src(%dma_wait3A_315 : memref<2048x768xf32, #tpu.memory_space<hbm>>) dst(%arg15 : memref<64x768xf32, #tpu.memory_space<vmem>>)
          "tpu.region"() ({
            %run_scoped3A = tpu.sem_alloc : memref<!tpu.dma_semaphore, #tpu.memory_space<semaphore_mem>>
            %dma_start3A = arith.constant 0 : i32
            %dma_start3A_316 = tpu.memref_slice %arg10[%multiple_of3A, %dma_start3A] : memref<6144x768xf32, #tpu.memory_space<hbm>> -> memref<64x768xf32, #tpu.memory_space<hbm>>
            %dma_start3A_317 = arith.constant 0 : i32
            %dma_start3A_318 = tpu.memref_slice %arg10[%multiple_of3A, %dma_start3A_317] : memref<6144x768xf32, #tpu.memory_space<hbm>> -> memref<64x768xf32, #tpu.memory_space<hbm>>
            tpu.enqueue_dma source(%arg15 : memref<64x768xf32, #tpu.memory_space<vmem>>) target(%dma_start3A_318 : memref<64x768xf32, #tpu.memory_space<hbm>>) target_semaphore(%run_scoped3A : memref<!tpu.dma_semaphore, #tpu.memory_space<semaphore_mem>>)
            %dma_wait3A_319 = arith.constant 0 : i32
            %dma_wait3A_320 = tpu.memref_slice %arg10[%multiple_of3A, %dma_wait3A_319] : memref<6144x768xf32, #tpu.memory_space<hbm>> -> memref<64x768xf32, #tpu.memory_space<hbm>>
            %dma_wait3A_321 = arith.constant 0 : i32
            %dma_wait3A_322 = tpu.memref_slice %arg10[%multiple_of3A, %dma_wait3A_321] : memref<6144x768xf32, #tpu.memory_space<hbm>> -> memref<64x768xf32, #tpu.memory_space<hbm>>
            tpu.wait_dma2 semaphore(%run_scoped3A : memref<!tpu.dma_semaphore, #tpu.memory_space<semaphore_mem>>) src(%arg15 : memref<64x768xf32, #tpu.memory_space<vmem>>) dst(%dma_wait3A_322 : memref<64x768xf32, #tpu.memory_space<hbm>>)
            tpu.yield
          }) : () -> ()
        } else {
        }
        %add3A_297 = arith.constant 2 : i32
        %add3A_298 = arith.addi %mul3A_286, %add3A_297 : i32
        %lt3A_299 = arith.cmpi slt, %add3A_298, %select_n3A_233 : i32
        %convert_element_type3A_300 = arith.extui %lt3A_299 : i1 to i32
        %cond3A_301 = arith.constant 0 : i32
        %cond3A_302 = arith.cmpi ne, %convert_element_type3A_300, %cond3A_301 : i32
        scf.if %cond3A_302 {
          %add3A_310 = arith.addi %select_n3A_206, %add3A_298 : i32
          %mul3A_311 = arith.constant 64 : i32
          %mul3A_312 = arith.muli %add3A_310, %mul3A_311 : i32
          %multiple_of3A = tpu.assume_multiple %mul3A_312, 64 : i32
          %dma_start3A = tpu.memref_slice %arg13[%multiple_of3A] : memref<6144xi32, #tpu.memory_space<vmem>> -> memref<64xi32, #tpu.memory_space<vmem>>
          %dma_start3A_313 = arith.constant 0 : i32
          %dma_start3A_314 = arith.constant 0 : i32
          %dma_start3A_315 = tpu.memref_slice %arg6[%dma_start3A_313, %dma_start3A_314] : memref<2048x768xf32, #tpu.memory_space<hbm>> -> memref<2048x768xf32, #tpu.memory_space<hbm>>
          tpu.enqueue_indirect_dma source(%dma_start3A_315 : memref<2048x768xf32, #tpu.memory_space<hbm>>) target(%arg15 : memref<64x768xf32, #tpu.memory_space<vmem>>) offsets(%dma_start3A : memref<64xi32, #tpu.memory_space<vmem>>) semaphore(%arg20 : memref<!tpu.dma_semaphore, #tpu.memory_space<semaphore_mem>>)
        } else {
        }
        %add3A_303 = arith.constant 1 : i32
        %add3A_304 = arith.addi %mul3A_286, %add3A_303 : i32
        %lt3A_305 = arith.cmpi slt, %add3A_304, %select_n3A_233 : i32
        %convert_element_type3A_306 = arith.extui %lt3A_305 : i1 to i32
        %cond3A_307 = arith.constant 0 : i32
        %cond3A_308 = arith.cmpi ne, %convert_element_type3A_306, %cond3A_307 : i32
        scf.if %cond3A_308 {
          %add3A_310 = arith.addi %select_n3A_206, %add3A_304 : i32
          %mul3A_311 = arith.constant 64 : i32
          %mul3A_312 = arith.muli %add3A_310, %mul3A_311 : i32
          %multiple_of3A = tpu.assume_multiple %mul3A_312, 64 : i32
          %dma_wait3A = tpu.memref_slice %arg13[%multiple_of3A] : memref<6144xi32, #tpu.memory_space<vmem>> -> memref<64xi32, #tpu.memory_space<vmem>>
          %dma_wait3A_313 = arith.constant 0 : i32
          %dma_wait3A_314 = arith.constant 0 : i32
          %dma_wait3A_315 = tpu.memref_slice %arg6[%dma_wait3A_313, %dma_wait3A_314] : memref<2048x768xf32, #tpu.memory_space<hbm>> -> memref<2048x768xf32, #tpu.memory_space<hbm>>
          tpu.wait_indirect_dma semaphore(%arg21 : memref<!tpu.dma_semaphore, #tpu.memory_space<semaphore_mem>>) src(%dma_wait3A_315 : memref<2048x768xf32, #tpu.memory_space<hbm>>) dst(%arg16 : memref<64x768xf32, #tpu.memory_space<vmem>>)
          "tpu.region"() ({
            %run_scoped3A = tpu.sem_alloc : memref<!tpu.dma_semaphore, #tpu.memory_space<semaphore_mem>>
            %dma_start3A = arith.constant 0 : i32
            %dma_start3A_316 = tpu.memref_slice %arg10[%multiple_of3A, %dma_start3A] : memref<6144x768xf32, #tpu.memory_space<hbm>> -> memref<64x768xf32, #tpu.memory_space<hbm>>
            %dma_start3A_317 = arith.constant 0 : i32
            %dma_start3A_318 = tpu.memref_slice %arg10[%multiple_of3A, %dma_start3A_317] : memref<6144x768xf32, #tpu.memory_space<hbm>> -> memref<64x768xf32, #tpu.memory_space<hbm>>
            tpu.enqueue_dma source(%arg16 : memref<64x768xf32, #tpu.memory_space<vmem>>) target(%dma_start3A_318 : memref<64x768xf32, #tpu.memory_space<hbm>>) target_semaphore(%run_scoped3A : memref<!tpu.dma_semaphore, #tpu.memory_space<semaphore_mem>>)
            %dma_wait3A_319 = arith.constant 0 : i32
            %dma_wait3A_320 = tpu.memref_slice %arg10[%multiple_of3A, %dma_wait3A_319] : memref<6144x768xf32, #tpu.memory_space<hbm>> -> memref<64x768xf32, #tpu.memory_space<hbm>>
            %dma_wait3A_321 = arith.constant 0 : i32
            %dma_wait3A_322 = tpu.memref_slice %arg10[%multiple_of3A, %dma_wait3A_321] : memref<6144x768xf32, #tpu.memory_space<hbm>> -> memref<64x768xf32, #tpu.memory_space<hbm>>
            tpu.wait_dma2 semaphore(%run_scoped3A : memref<!tpu.dma_semaphore, #tpu.memory_space<semaphore_mem>>) src(%arg16 : memref<64x768xf32, #tpu.memory_space<vmem>>) dst(%dma_wait3A_322 : memref<64x768xf32, #tpu.memory_space<hbm>>)
            tpu.yield
          }) : () -> ()
        } else {
        }
        %while3A_309 = arith.constant 0 : i32
        scf.yield %while3A_309 : i32
      }
    } else {
    }
    %convert_element_type3A_237 = arith.extui %and3A : i1 to i32
    %cond3A_238 = arith.constant 0 : i32
    %cond3A_239 = arith.cmpi ne, %convert_element_type3A_237, %cond3A_238 : i32
    scf.if %cond3A_239 {
      %lt3A_240 = arith.cmpi slt, %select_n3A_233, %mul3A_186 : i32
      %convert_element_type3A_241 = arith.extui %lt3A_240 : i1 to i32
      %cond3A_242 = arith.constant 0 : i32
      %cond3A_243 = arith.cmpi ne, %convert_element_type3A_241, %cond3A_242 : i32
      scf.if %cond3A_243 {
        %add3A_282 = arith.addi %select_n3A_206, %select_n3A_233 : i32
        %mul3A_283 = arith.constant 64 : i32
        %mul3A_284 = arith.muli %add3A_282, %mul3A_283 : i32
        %multiple_of3A = tpu.assume_multiple %mul3A_284, 64 : i32
        "tpu.region"() ({
          %run_scoped3A = tpu.sem_alloc : memref<!tpu.dma_semaphore, #tpu.memory_space<semaphore_mem>>
          %dma_start3A_287 = tpu.memref_slice %arg7[%multiple_of3A] : memref<6144xi32, #tpu.memory_space<hbm>> -> memref<64xi32, #tpu.memory_space<hbm>>
          %dma_start3A_288 = tpu.memref_slice %arg7[%multiple_of3A] : memref<6144xi32, #tpu.memory_space<hbm>> -> memref<64xi32, #tpu.memory_space<hbm>>
          tpu.enqueue_dma source(%dma_start3A_288 : memref<64xi32, #tpu.memory_space<hbm>>) target(%arg18 : memref<64xi32, #tpu.memory_space<vmem>>) target_semaphore(%run_scoped3A : memref<!tpu.dma_semaphore, #tpu.memory_space<semaphore_mem>>)
          %dma_wait3A = tpu.memref_slice %arg7[%multiple_of3A] : memref<6144xi32, #tpu.memory_space<hbm>> -> memref<64xi32, #tpu.memory_space<hbm>>
          %dma_wait3A_289 = tpu.memref_slice %arg7[%multiple_of3A] : memref<6144xi32, #tpu.memory_space<hbm>> -> memref<64xi32, #tpu.memory_space<hbm>>
          tpu.wait_dma2 semaphore(%run_scoped3A : memref<!tpu.dma_semaphore, #tpu.memory_space<semaphore_mem>>) src(%dma_wait3A_289 : memref<64xi32, #tpu.memory_space<hbm>>) dst(%arg18 : memref<64xi32, #tpu.memory_space<vmem>>)
          tpu.yield
        }) : () -> ()
        %dma_start3A = arith.constant 0 : i32
        %dma_start3A_285 = arith.constant 0 : i32
        %dma_start3A_286 = tpu.memref_slice %arg6[%dma_start3A, %dma_start3A_285] : memref<2048x768xf32, #tpu.memory_space<hbm>> -> memref<2048x768xf32, #tpu.memory_space<hbm>>
        tpu.enqueue_indirect_dma source(%dma_start3A_286 : memref<2048x768xf32, #tpu.memory_space<hbm>>) target(%arg15 : memref<64x768xf32, #tpu.memory_space<vmem>>) offsets(%arg18 : memref<64xi32, #tpu.memory_space<vmem>>) semaphore(%arg20 : memref<!tpu.dma_semaphore, #tpu.memory_space<semaphore_mem>>)
      } else {
      }
      %sub3A_244 = arith.subi %mul3A_186, %select_n3A_233 : i32
      %add3A_245 = arith.constant 1 : i32
      %add3A_246 = arith.addi %sub3A_244, %add3A_245 : i32
      %jit3A_247 = arith.constant 2 : i32
      %div3A_248 = arith.divsi %add3A_246, %jit3A_247 : i32
      %sign3A_249 = arith.constant 0 : i32
      %sign3A_250 = arith.cmpi sgt, %add3A_246, %sign3A_249 : i32
      %sign3A_251 = arith.extui %sign3A_250 : i1 to i32
      %sign3A_252 = arith.constant 0 : i32
      %sign3A_253 = arith.cmpi slt, %add3A_246, %sign3A_252 : i32
      %sign3A_254 = arith.extui %sign3A_253 : i1 to i32
      %sign3A_255 = arith.subi %sign3A_251, %sign3A_254 : i32
      %sign3A_256 = arith.constant 0 : i32
      %sign3A_257 = arith.cmpi sgt, %jit3A_247, %sign3A_256 : i32
      %sign3A_258 = arith.extui %sign3A_257 : i1 to i32
      %sign3A_259 = arith.constant 0 : i32
      %sign3A_260 = arith.cmpi slt, %jit3A_247, %sign3A_259 : i32
      %sign3A_261 = arith.extui %sign3A_260 : i1 to i32
      %sign3A_262 = arith.subi %sign3A_258, %sign3A_261 : i32
      %ne3A_263 = arith.cmpi ne, %sign3A_255, %sign3A_262 : i32
      %rem3A_264 = arith.remsi %add3A_246, %jit3A_247 : i32
      %ne3A_265 = arith.constant 0 : i32
      %ne3A_266 = arith.cmpi ne, %rem3A_264, %ne3A_265 : i32
      %and3A_267 = arith.andi %ne3A_263, %ne3A_266 : i1
      %sub3A_268 = arith.constant 1 : i32
      %sub3A_269 = arith.subi %div3A_248, %sub3A_268 : i32
      %select_n3A_270 = arith.select %and3A_267, %sub3A_269, %div3A_248 : i32
      %while3A = arith.constant 0 : i32
      %while3A_271 = arith.constant 0 : i32
      %while3A_272 = arith.subi %select_n3A_270, %while3A : i32
      %while3A_273 = arith.addi %while3A, %while3A_272 : i32
      %while3A_274 = arith.constant 1 : i32
      %while3A_275 = arith.divsi %while3A_272, %while3A_274 : i32
      %while3A_276 = arith.muli %while3A_275, %while3A_274 : i32
      %while3A_277 = arith.addi %while3A, %while3A_276 : i32
      %while3A_278 = arith.constant 1 : i32
      %while3A_279 = scf.for %while3A_282 = %while3A to %while3A_277 step %while3A_278 iter_args(%while3A_283 = %while3A_271) -> (i32)  : i32 {
        %mul3A_284 = arith.constant 2 : i32
        %mul3A_285 = arith.muli %while3A_282, %mul3A_284 : i32
        %add3A_286 = arith.addi %select_n3A_233, %mul3A_285 : i32
        %add3A_287 = arith.constant 1 : i32
        %add3A_288 = arith.addi %add3A_286, %add3A_287 : i32
        %lt3A_289 = arith.cmpi slt, %add3A_288, %mul3A_186 : i32
        %convert_element_type3A_290 = arith.extui %lt3A_289 : i1 to i32
        %cond3A_291 = arith.constant 0 : i32
        %cond3A_292 = arith.cmpi ne, %convert_element_type3A_290, %cond3A_291 : i32
        scf.if %cond3A_292 {
          %add3A_310 = arith.addi %select_n3A_206, %add3A_288 : i32
          %mul3A_311 = arith.constant 64 : i32
          %mul3A_312 = arith.muli %add3A_310, %mul3A_311 : i32
          %multiple_of3A = tpu.assume_multiple %mul3A_312, 64 : i32
          "tpu.region"() ({
            %run_scoped3A = tpu.sem_alloc : memref<!tpu.dma_semaphore, #tpu.memory_space<semaphore_mem>>
            %dma_start3A_315 = tpu.memref_slice %arg7[%multiple_of3A] : memref<6144xi32, #tpu.memory_space<hbm>> -> memref<64xi32, #tpu.memory_space<hbm>>
            %dma_start3A_316 = tpu.memref_slice %arg7[%multiple_of3A] : memref<6144xi32, #tpu.memory_space<hbm>> -> memref<64xi32, #tpu.memory_space<hbm>>
            tpu.enqueue_dma source(%dma_start3A_316 : memref<64xi32, #tpu.memory_space<hbm>>) target(%arg19 : memref<64xi32, #tpu.memory_space<vmem>>) target_semaphore(%run_scoped3A : memref<!tpu.dma_semaphore, #tpu.memory_space<semaphore_mem>>)
            %dma_wait3A = tpu.memref_slice %arg7[%multiple_of3A] : memref<6144xi32, #tpu.memory_space<hbm>> -> memref<64xi32, #tpu.memory_space<hbm>>
            %dma_wait3A_317 = tpu.memref_slice %arg7[%multiple_of3A] : memref<6144xi32, #tpu.memory_space<hbm>> -> memref<64xi32, #tpu.memory_space<hbm>>
            tpu.wait_dma2 semaphore(%run_scoped3A : memref<!tpu.dma_semaphore, #tpu.memory_space<semaphore_mem>>) src(%dma_wait3A_317 : memref<64xi32, #tpu.memory_space<hbm>>) dst(%arg19 : memref<64xi32, #tpu.memory_space<vmem>>)
            tpu.yield
          }) : () -> ()
          %dma_start3A = arith.constant 0 : i32
          %dma_start3A_313 = arith.constant 0 : i32
          %dma_start3A_314 = tpu.memref_slice %arg6[%dma_start3A, %dma_start3A_313] : memref<2048x768xf32, #tpu.memory_space<hbm>> -> memref<2048x768xf32, #tpu.memory_space<hbm>>
          tpu.enqueue_indirect_dma source(%dma_start3A_314 : memref<2048x768xf32, #tpu.memory_space<hbm>>) target(%arg16 : memref<64x768xf32, #tpu.memory_space<vmem>>) offsets(%arg19 : memref<64xi32, #tpu.memory_space<vmem>>) semaphore(%arg21 : memref<!tpu.dma_semaphore, #tpu.memory_space<semaphore_mem>>)
        } else {
        }
        %lt3A_293 = arith.cmpi slt, %add3A_286, %mul3A_186 : i32
        %convert_element_type3A_294 = arith.extui %lt3A_293 : i1 to i32
        %cond3A_295 = arith.constant 0 : i32
        %cond3A_296 = arith.cmpi ne, %convert_element_type3A_294, %cond3A_295 : i32
        scf.if %cond3A_296 {
          %add3A_310 = arith.addi %select_n3A_206, %add3A_286 : i32
          %mul3A_311 = arith.constant 64 : i32
          %mul3A_312 = arith.muli %add3A_310, %mul3A_311 : i32
          %multiple_of3A = tpu.assume_multiple %mul3A_312, 64 : i32
          %dma_wait3A = arith.constant 0 : i32
          %dma_wait3A_313 = arith.constant 0 : i32
          %dma_wait3A_314 = tpu.memref_slice %arg6[%dma_wait3A, %dma_wait3A_313] : memref<2048x768xf32, #tpu.memory_space<hbm>> -> memref<2048x768xf32, #tpu.memory_space<hbm>>
          tpu.wait_indirect_dma semaphore(%arg20 : memref<!tpu.dma_semaphore, #tpu.memory_space<semaphore_mem>>) src(%dma_wait3A_314 : memref<2048x768xf32, #tpu.memory_space<hbm>>) dst(%arg15 : memref<64x768xf32, #tpu.memory_space<vmem>>)
          "tpu.region"() ({
            %run_scoped3A = tpu.sem_alloc : memref<!tpu.dma_semaphore, #tpu.memory_space<semaphore_mem>>
            %dma_start3A = arith.constant 0 : i32
            %dma_start3A_315 = tpu.memref_slice %arg10[%multiple_of3A, %dma_start3A] : memref<6144x768xf32, #tpu.memory_space<hbm>> -> memref<64x768xf32, #tpu.memory_space<hbm>>
            %dma_start3A_316 = arith.constant 0 : i32
            %dma_start3A_317 = tpu.memref_slice %arg10[%multiple_of3A, %dma_start3A_316] : memref<6144x768xf32, #tpu.memory_space<hbm>> -> memref<64x768xf32, #tpu.memory_space<hbm>>
            tpu.enqueue_dma source(%arg15 : memref<64x768xf32, #tpu.memory_space<vmem>>) target(%dma_start3A_317 : memref<64x768xf32, #tpu.memory_space<hbm>>) target_semaphore(%run_scoped3A : memref<!tpu.dma_semaphore, #tpu.memory_space<semaphore_mem>>)
            %dma_wait3A_318 = arith.constant 0 : i32
            %dma_wait3A_319 = tpu.memref_slice %arg10[%multiple_of3A, %dma_wait3A_318] : memref<6144x768xf32, #tpu.memory_space<hbm>> -> memref<64x768xf32, #tpu.memory_space<hbm>>
            %dma_wait3A_320 = arith.constant 0 : i32
            %dma_wait3A_321 = tpu.memref_slice %arg10[%multiple_of3A, %dma_wait3A_320] : memref<6144x768xf32, #tpu.memory_space<hbm>> -> memref<64x768xf32, #tpu.memory_space<hbm>>
            tpu.wait_dma2 semaphore(%run_scoped3A : memref<!tpu.dma_semaphore, #tpu.memory_space<semaphore_mem>>) src(%arg15 : memref<64x768xf32, #tpu.memory_space<vmem>>) dst(%dma_wait3A_321 : memref<64x768xf32, #tpu.memory_space<hbm>>)
            tpu.yield
          }) : () -> ()
        } else {
        }
        %add3A_297 = arith.constant 2 : i32
        %add3A_298 = arith.addi %add3A_286, %add3A_297 : i32
        %lt3A_299 = arith.cmpi slt, %add3A_298, %mul3A_186 : i32
        %convert_element_type3A_300 = arith.extui %lt3A_299 : i1 to i32
        %cond3A_301 = arith.constant 0 : i32
        %cond3A_302 = arith.cmpi ne, %convert_element_type3A_300, %cond3A_301 : i32
        scf.if %cond3A_302 {
          %add3A_310 = arith.addi %select_n3A_206, %add3A_298 : i32
          %mul3A_311 = arith.constant 64 : i32
          %mul3A_312 = arith.muli %add3A_310, %mul3A_311 : i32
          %multiple_of3A = tpu.assume_multiple %mul3A_312, 64 : i32
          "tpu.region"() ({
            %run_scoped3A = tpu.sem_alloc : memref<!tpu.dma_semaphore, #tpu.memory_space<semaphore_mem>>
            %dma_start3A_315 = tpu.memref_slice %arg7[%multiple_of3A] : memref<6144xi32, #tpu.memory_space<hbm>> -> memref<64xi32, #tpu.memory_space<hbm>>
            %dma_start3A_316 = tpu.memref_slice %arg7[%multiple_of3A] : memref<6144xi32, #tpu.memory_space<hbm>> -> memref<64xi32, #tpu.memory_space<hbm>>
            tpu.enqueue_dma source(%dma_start3A_316 : memref<64xi32, #tpu.memory_space<hbm>>) target(%arg18 : memref<64xi32, #tpu.memory_space<vmem>>) target_semaphore(%run_scoped3A : memref<!tpu.dma_semaphore, #tpu.memory_space<semaphore_mem>>)
            %dma_wait3A = tpu.memref_slice %arg7[%multiple_of3A] : memref<6144xi32, #tpu.memory_space<hbm>> -> memref<64xi32, #tpu.memory_space<hbm>>
            %dma_wait3A_317 = tpu.memref_slice %arg7[%multiple_of3A] : memref<6144xi32, #tpu.memory_space<hbm>> -> memref<64xi32, #tpu.memory_space<hbm>>
            tpu.wait_dma2 semaphore(%run_scoped3A : memref<!tpu.dma_semaphore, #tpu.memory_space<semaphore_mem>>) src(%dma_wait3A_317 : memref<64xi32, #tpu.memory_space<hbm>>) dst(%arg18 : memref<64xi32, #tpu.memory_space<vmem>>)
            tpu.yield
          }) : () -> ()
          %dma_start3A = arith.constant 0 : i32
          %dma_start3A_313 = arith.constant 0 : i32
          %dma_start3A_314 = tpu.memref_slice %arg6[%dma_start3A, %dma_start3A_313] : memref<2048x768xf32, #tpu.memory_space<hbm>> -> memref<2048x768xf32, #tpu.memory_space<hbm>>
          tpu.enqueue_indirect_dma source(%dma_start3A_314 : memref<2048x768xf32, #tpu.memory_space<hbm>>) target(%arg15 : memref<64x768xf32, #tpu.memory_space<vmem>>) offsets(%arg18 : memref<64xi32, #tpu.memory_space<vmem>>) semaphore(%arg20 : memref<!tpu.dma_semaphore, #tpu.memory_space<semaphore_mem>>)
        } else {
        }
        %add3A_303 = arith.constant 1 : i32
        %add3A_304 = arith.addi %add3A_286, %add3A_303 : i32
        %lt3A_305 = arith.cmpi slt, %add3A_304, %mul3A_186 : i32
        %convert_element_type3A_306 = arith.extui %lt3A_305 : i1 to i32
        %cond3A_307 = arith.constant 0 : i32
        %cond3A_308 = arith.cmpi ne, %convert_element_type3A_306, %cond3A_307 : i32
        scf.if %cond3A_308 {
          %add3A_310 = arith.addi %select_n3A_206, %add3A_304 : i32
          %mul3A_311 = arith.constant 64 : i32
          %mul3A_312 = arith.muli %add3A_310, %mul3A_311 : i32
          %multiple_of3A = tpu.assume_multiple %mul3A_312, 64 : i32
          %dma_wait3A = arith.constant 0 : i32
          %dma_wait3A_313 = arith.constant 0 : i32
          %dma_wait3A_314 = tpu.memref_slice %arg6[%dma_wait3A, %dma_wait3A_313] : memref<2048x768xf32, #tpu.memory_space<hbm>> -> memref<2048x768xf32, #tpu.memory_space<hbm>>
          tpu.wait_indirect_dma semaphore(%arg21 : memref<!tpu.dma_semaphore, #tpu.memory_space<semaphore_mem>>) src(%dma_wait3A_314 : memref<2048x768xf32, #tpu.memory_space<hbm>>) dst(%arg16 : memref<64x768xf32, #tpu.memory_space<vmem>>)
          "tpu.region"() ({
            %run_scoped3A = tpu.sem_alloc : memref<!tpu.dma_semaphore, #tpu.memory_space<semaphore_mem>>
            %dma_start3A = arith.constant 0 : i32
            %dma_start3A_315 = tpu.memref_slice %arg10[%multiple_of3A, %dma_start3A] : memref<6144x768xf32, #tpu.memory_space<hbm>> -> memref<64x768xf32, #tpu.memory_space<hbm>>
            %dma_start3A_316 = arith.constant 0 : i32
            %dma_start3A_317 = tpu.memref_slice %arg10[%multiple_of3A, %dma_start3A_316] : memref<6144x768xf32, #tpu.memory_space<hbm>> -> memref<64x768xf32, #tpu.memory_space<hbm>>
            tpu.enqueue_dma source(%arg16 : memref<64x768xf32, #tpu.memory_space<vmem>>) target(%dma_start3A_317 : memref<64x768xf32, #tpu.memory_space<hbm>>) target_semaphore(%run_scoped3A : memref<!tpu.dma_semaphore, #tpu.memory_space<semaphore_mem>>)
            %dma_wait3A_318 = arith.constant 0 : i32
            %dma_wait3A_319 = tpu.memref_slice %arg10[%multiple_of3A, %dma_wait3A_318] : memref<6144x768xf32, #tpu.memory_space<hbm>> -> memref<64x768xf32, #tpu.memory_space<hbm>>
            %dma_wait3A_320 = arith.constant 0 : i32
            %dma_wait3A_321 = tpu.memref_slice %arg10[%multiple_of3A, %dma_wait3A_320] : memref<6144x768xf32, #tpu.memory_space<hbm>> -> memref<64x768xf32, #tpu.memory_space<hbm>>
            tpu.wait_dma2 semaphore(%run_scoped3A : memref<!tpu.dma_semaphore, #tpu.memory_space<semaphore_mem>>) src(%arg16 : memref<64x768xf32, #tpu.memory_space<vmem>>) dst(%dma_wait3A_321 : memref<64x768xf32, #tpu.memory_space<hbm>>)
            tpu.yield
          }) : () -> ()
        } else {
        }
        %while3A_309 = arith.constant 0 : i32
        scf.yield %while3A_309 : i32
      }
      %while3A_280 = arith.constant 1 : i32
      %while3A_281 = scf.for %while3A_282 = %while3A_277 to %while3A_273 step %while3A_280 iter_args(%while3A_283 = %while3A_279) -> (i32)  : i32 {
        %mul3A_284 = arith.constant 2 : i32
        %mul3A_285 = arith.muli %while3A_282, %mul3A_284 : i32
        %add3A_286 = arith.addi %select_n3A_233, %mul3A_285 : i32
        %add3A_287 = arith.constant 1 : i32
        %add3A_288 = arith.addi %add3A_286, %add3A_287 : i32
        %lt3A_289 = arith.cmpi slt, %add3A_288, %mul3A_186 : i32
        %convert_element_type3A_290 = arith.extui %lt3A_289 : i1 to i32
        %cond3A_291 = arith.constant 0 : i32
        %cond3A_292 = arith.cmpi ne, %convert_element_type3A_290, %cond3A_291 : i32
        scf.if %cond3A_292 {
          %add3A_310 = arith.addi %select_n3A_206, %add3A_288 : i32
          %mul3A_311 = arith.constant 64 : i32
          %mul3A_312 = arith.muli %add3A_310, %mul3A_311 : i32
          %multiple_of3A = tpu.assume_multiple %mul3A_312, 64 : i32
          "tpu.region"() ({
            %run_scoped3A = tpu.sem_alloc : memref<!tpu.dma_semaphore, #tpu.memory_space<semaphore_mem>>
            %dma_start3A_315 = tpu.memref_slice %arg7[%multiple_of3A] : memref<6144xi32, #tpu.memory_space<hbm>> -> memref<64xi32, #tpu.memory_space<hbm>>
            %dma_start3A_316 = tpu.memref_slice %arg7[%multiple_of3A] : memref<6144xi32, #tpu.memory_space<hbm>> -> memref<64xi32, #tpu.memory_space<hbm>>
            tpu.enqueue_dma source(%dma_start3A_316 : memref<64xi32, #tpu.memory_space<hbm>>) target(%arg19 : memref<64xi32, #tpu.memory_space<vmem>>) target_semaphore(%run_scoped3A : memref<!tpu.dma_semaphore, #tpu.memory_space<semaphore_mem>>)
            %dma_wait3A = tpu.memref_slice %arg7[%multiple_of3A] : memref<6144xi32, #tpu.memory_space<hbm>> -> memref<64xi32, #tpu.memory_space<hbm>>
            %dma_wait3A_317 = tpu.memref_slice %arg7[%multiple_of3A] : memref<6144xi32, #tpu.memory_space<hbm>> -> memref<64xi32, #tpu.memory_space<hbm>>
            tpu.wait_dma2 semaphore(%run_scoped3A : memref<!tpu.dma_semaphore, #tpu.memory_space<semaphore_mem>>) src(%dma_wait3A_317 : memref<64xi32, #tpu.memory_space<hbm>>) dst(%arg19 : memref<64xi32, #tpu.memory_space<vmem>>)
            tpu.yield
          }) : () -> ()
          %dma_start3A = arith.constant 0 : i32
          %dma_start3A_313 = arith.constant 0 : i32
          %dma_start3A_314 = tpu.memref_slice %arg6[%dma_start3A, %dma_start3A_313] : memref<2048x768xf32, #tpu.memory_space<hbm>> -> memref<2048x768xf32, #tpu.memory_space<hbm>>
          tpu.enqueue_indirect_dma source(%dma_start3A_314 : memref<2048x768xf32, #tpu.memory_space<hbm>>) target(%arg16 : memref<64x768xf32, #tpu.memory_space<vmem>>) offsets(%arg19 : memref<64xi32, #tpu.memory_space<vmem>>) semaphore(%arg21 : memref<!tpu.dma_semaphore, #tpu.memory_space<semaphore_mem>>)
        } else {
        }
        %lt3A_293 = arith.cmpi slt, %add3A_286, %mul3A_186 : i32
        %convert_element_type3A_294 = arith.extui %lt3A_293 : i1 to i32
        %cond3A_295 = arith.constant 0 : i32
        %cond3A_296 = arith.cmpi ne, %convert_element_type3A_294, %cond3A_295 : i32
        scf.if %cond3A_296 {
          %add3A_310 = arith.addi %select_n3A_206, %add3A_286 : i32
          %mul3A_311 = arith.constant 64 : i32
          %mul3A_312 = arith.muli %add3A_310, %mul3A_311 : i32
          %multiple_of3A = tpu.assume_multiple %mul3A_312, 64 : i32
          %dma_wait3A = arith.constant 0 : i32
          %dma_wait3A_313 = arith.constant 0 : i32
          %dma_wait3A_314 = tpu.memref_slice %arg6[%dma_wait3A, %dma_wait3A_313] : memref<2048x768xf32, #tpu.memory_space<hbm>> -> memref<2048x768xf32, #tpu.memory_space<hbm>>
          tpu.wait_indirect_dma semaphore(%arg20 : memref<!tpu.dma_semaphore, #tpu.memory_space<semaphore_mem>>) src(%dma_wait3A_314 : memref<2048x768xf32, #tpu.memory_space<hbm>>) dst(%arg15 : memref<64x768xf32, #tpu.memory_space<vmem>>)
          "tpu.region"() ({
            %run_scoped3A = tpu.sem_alloc : memref<!tpu.dma_semaphore, #tpu.memory_space<semaphore_mem>>
            %dma_start3A = arith.constant 0 : i32
            %dma_start3A_315 = tpu.memref_slice %arg10[%multiple_of3A, %dma_start3A] : memref<6144x768xf32, #tpu.memory_space<hbm>> -> memref<64x768xf32, #tpu.memory_space<hbm>>
            %dma_start3A_316 = arith.constant 0 : i32
            %dma_start3A_317 = tpu.memref_slice %arg10[%multiple_of3A, %dma_start3A_316] : memref<6144x768xf32, #tpu.memory_space<hbm>> -> memref<64x768xf32, #tpu.memory_space<hbm>>
            tpu.enqueue_dma source(%arg15 : memref<64x768xf32, #tpu.memory_space<vmem>>) target(%dma_start3A_317 : memref<64x768xf32, #tpu.memory_space<hbm>>) target_semaphore(%run_scoped3A : memref<!tpu.dma_semaphore, #tpu.memory_space<semaphore_mem>>)
            %dma_wait3A_318 = arith.constant 0 : i32
            %dma_wait3A_319 = tpu.memref_slice %arg10[%multiple_of3A, %dma_wait3A_318] : memref<6144x768xf32, #tpu.memory_space<hbm>> -> memref<64x768xf32, #tpu.memory_space<hbm>>
            %dma_wait3A_320 = arith.constant 0 : i32
            %dma_wait3A_321 = tpu.memref_slice %arg10[%multiple_of3A, %dma_wait3A_320] : memref<6144x768xf32, #tpu.memory_space<hbm>> -> memref<64x768xf32, #tpu.memory_space<hbm>>
            tpu.wait_dma2 semaphore(%run_scoped3A : memref<!tpu.dma_semaphore, #tpu.memory_space<semaphore_mem>>) src(%arg15 : memref<64x768xf32, #tpu.memory_space<vmem>>) dst(%dma_wait3A_321 : memref<64x768xf32, #tpu.memory_space<hbm>>)
            tpu.yield
          }) : () -> ()
        } else {
        }
        %add3A_297 = arith.constant 2 : i32
        %add3A_298 = arith.addi %add3A_286, %add3A_297 : i32
        %lt3A_299 = arith.cmpi slt, %add3A_298, %mul3A_186 : i32
        %convert_element_type3A_300 = arith.extui %lt3A_299 : i1 to i32
        %cond3A_301 = arith.constant 0 : i32
        %cond3A_302 = arith.cmpi ne, %convert_element_type3A_300, %cond3A_301 : i32
        scf.if %cond3A_302 {
          %add3A_310 = arith.addi %select_n3A_206, %add3A_298 : i32
          %mul3A_311 = arith.constant 64 : i32
          %mul3A_312 = arith.muli %add3A_310, %mul3A_311 : i32
          %multiple_of3A = tpu.assume_multiple %mul3A_312, 64 : i32
          "tpu.region"() ({
            %run_scoped3A = tpu.sem_alloc : memref<!tpu.dma_semaphore, #tpu.memory_space<semaphore_mem>>
            %dma_start3A_315 = tpu.memref_slice %arg7[%multiple_of3A] : memref<6144xi32, #tpu.memory_space<hbm>> -> memref<64xi32, #tpu.memory_space<hbm>>
            %dma_start3A_316 = tpu.memref_slice %arg7[%multiple_of3A] : memref<6144xi32, #tpu.memory_space<hbm>> -> memref<64xi32, #tpu.memory_space<hbm>>
            tpu.enqueue_dma source(%dma_start3A_316 : memref<64xi32, #tpu.memory_space<hbm>>) target(%arg18 : memref<64xi32, #tpu.memory_space<vmem>>) target_semaphore(%run_scoped3A : memref<!tpu.dma_semaphore, #tpu.memory_space<semaphore_mem>>)
            %dma_wait3A = tpu.memref_slice %arg7[%multiple_of3A] : memref<6144xi32, #tpu.memory_space<hbm>> -> memref<64xi32, #tpu.memory_space<hbm>>
            %dma_wait3A_317 = tpu.memref_slice %arg7[%multiple_of3A] : memref<6144xi32, #tpu.memory_space<hbm>> -> memref<64xi32, #tpu.memory_space<hbm>>
            tpu.wait_dma2 semaphore(%run_scoped3A : memref<!tpu.dma_semaphore, #tpu.memory_space<semaphore_mem>>) src(%dma_wait3A_317 : memref<64xi32, #tpu.memory_space<hbm>>) dst(%arg18 : memref<64xi32, #tpu.memory_space<vmem>>)
            tpu.yield
          }) : () -> ()
          %dma_start3A = arith.constant 0 : i32
          %dma_start3A_313 = arith.constant 0 : i32
          %dma_start3A_314 = tpu.memref_slice %arg6[%dma_start3A, %dma_start3A_313] : memref<2048x768xf32, #tpu.memory_space<hbm>> -> memref<2048x768xf32, #tpu.memory_space<hbm>>
          tpu.enqueue_indirect_dma source(%dma_start3A_314 : memref<2048x768xf32, #tpu.memory_space<hbm>>) target(%arg15 : memref<64x768xf32, #tpu.memory_space<vmem>>) offsets(%arg18 : memref<64xi32, #tpu.memory_space<vmem>>) semaphore(%arg20 : memref<!tpu.dma_semaphore, #tpu.memory_space<semaphore_mem>>)
        } else {
        }
        %add3A_303 = arith.constant 1 : i32
        %add3A_304 = arith.addi %add3A_286, %add3A_303 : i32
        %lt3A_305 = arith.cmpi slt, %add3A_304, %mul3A_186 : i32
        %convert_element_type3A_306 = arith.extui %lt3A_305 : i1 to i32
        %cond3A_307 = arith.constant 0 : i32
        %cond3A_308 = arith.cmpi ne, %convert_element_type3A_306, %cond3A_307 : i32
        scf.if %cond3A_308 {
          %add3A_310 = arith.addi %select_n3A_206, %add3A_304 : i32
          %mul3A_311 = arith.constant 64 : i32
          %mul3A_312 = arith.muli %add3A_310, %mul3A_311 : i32
          %multiple_of3A = tpu.assume_multiple %mul3A_312, 64 : i32
          %dma_wait3A = arith.constant 0 : i32
          %dma_wait3A_313 = arith.constant 0 : i32
          %dma_wait3A_314 = tpu.memref_slice %arg6[%dma_wait3A, %dma_wait3A_313] : memref<2048x768xf32, #tpu.memory_space<hbm>> -> memref<2048x768xf32, #tpu.memory_space<hbm>>
          tpu.wait_indirect_dma semaphore(%arg21 : memref<!tpu.dma_semaphore, #tpu.memory_space<semaphore_mem>>) src(%dma_wait3A_314 : memref<2048x768xf32, #tpu.memory_space<hbm>>) dst(%arg16 : memref<64x768xf32, #tpu.memory_space<vmem>>)
          "tpu.region"() ({
            %run_scoped3A = tpu.sem_alloc : memref<!tpu.dma_semaphore, #tpu.memory_space<semaphore_mem>>
            %dma_start3A = arith.constant 0 : i32
            %dma_start3A_315 = tpu.memref_slice %arg10[%multiple_of3A, %dma_start3A] : memref<6144x768xf32, #tpu.memory_space<hbm>> -> memref<64x768xf32, #tpu.memory_space<hbm>>
            %dma_start3A_316 = arith.constant 0 : i32
            %dma_start3A_317 = tpu.memref_slice %arg10[%multiple_of3A, %dma_start3A_316] : memref<6144x768xf32, #tpu.memory_space<hbm>> -> memref<64x768xf32, #tpu.memory_space<hbm>>
            tpu.enqueue_dma source(%arg16 : memref<64x768xf32, #tpu.memory_space<vmem>>) target(%dma_start3A_317 : memref<64x768xf32, #tpu.memory_space<hbm>>) target_semaphore(%run_scoped3A : memref<!tpu.dma_semaphore, #tpu.memory_space<semaphore_mem>>)
            %dma_wait3A_318 = arith.constant 0 : i32
            %dma_wait3A_319 = tpu.memref_slice %arg10[%multiple_of3A, %dma_wait3A_318] : memref<6144x768xf32, #tpu.memory_space<hbm>> -> memref<64x768xf32, #tpu.memory_space<hbm>>
            %dma_wait3A_320 = arith.constant 0 : i32
            %dma_wait3A_321 = tpu.memref_slice %arg10[%multiple_of3A, %dma_wait3A_320] : memref<6144x768xf32, #tpu.memory_space<hbm>> -> memref<64x768xf32, #tpu.memory_space<hbm>>
            tpu.wait_dma2 semaphore(%run_scoped3A : memref<!tpu.dma_semaphore, #tpu.memory_space<semaphore_mem>>) src(%arg16 : memref<64x768xf32, #tpu.memory_space<vmem>>) dst(%dma_wait3A_321 : memref<64x768xf32, #tpu.memory_space<hbm>>)
            tpu.yield
          }) : () -> ()
        } else {
        }
        %while3A_309 = arith.constant 0 : i32
        scf.yield %while3A_309 : i32
      }
    } else {
    }
    return
  }
}

module attributes {stable_mosaic.version = 14 : i64} {
  func.func @_gate_body(%arg0: memref<2048x768xf32, #tpu.memory_space<vmem>>, %arg1: memref<768x1536xf32, #tpu.memory_space<vmem>>, %arg2: memref<1536x1xf32, #tpu.memory_space<vmem>>, %arg3: memref<1536x8xf32, #tpu.memory_space<vmem>>, %arg4: memref<8x1xf32, #tpu.memory_space<vmem>>, %arg5: memref<1x2048xi32, #tpu.memory_space<vmem>>, %arg6: memref<1x2048xi32, #tpu.memory_space<vmem>>, %arg7: memref<1x2048xf32, #tpu.memory_space<vmem>>, %arg8: memref<1x2048xf32, #tpu.memory_space<vmem>>) attributes {dimension_semantics = [], scalar_prefetch = 0 : i64, scratch_operands = 0 : i64, tpu.core_type = #tpu.core_type<tc>} {
    %get3A = arith.constant 0 : index
    %get3A_0 = arith.constant 0 : index
    %get3A_1 = vector.load %arg0[%get3A, %get3A_0] : memref<2048x768xf32, #tpu.memory_space<vmem>>, vector<2048x768xf32>
    %transpose3A = tpu.transpose %get3A_1, [1, 0] : vector<2048x768xf32> -> vector<768x2048xf32>
    %get3A_2 = arith.constant 0 : index
    %get3A_3 = arith.constant 0 : index
    %get3A_4 = vector.load %arg1[%get3A_2, %get3A_3] : memref<768x1536xf32, #tpu.memory_space<vmem>>, vector<768x1536xf32>
    %dot_general3A = arith.constant dense<0.000000e+00> : vector<1536x2048xf32>
    %dot_general3A_5 = tpu.matmul %get3A_4, %transpose3A, %dot_general3A {dimension_numbers = #tpu.dot_dimension_numbers<[0], [0], [1], [1], [0, 1, 1, 1], [], []>, transpose_lhs_hint = false} : vector<768x1536xf32>, vector<768x2048xf32>, vector<1536x2048xf32> -> vector<1536x2048xf32>
    %get3A_6 = arith.constant 0 : index
    %get3A_7 = arith.constant 0 : index
    %get3A_8 = vector.load %arg2[%get3A_6, %get3A_7] : memref<1536x1xf32, #tpu.memory_space<vmem>>, vector<1536x1xf32>
    %add3A = vector.broadcast %get3A_8 : vector<1536x1xf32> to vector<1536x2048xf32>
    %add3A_9 = arith.addf %dot_general3A_5, %add3A : vector<1536x2048xf32>
    %logistic3A = arith.negf %add3A_9 : vector<1536x2048xf32>
    %logistic3A_10 = math.exp %logistic3A : vector<1536x2048xf32>
    %logistic3A_11 = arith.constant 1.000000e+00 : f32
    %logistic3A_12 = vector.broadcast %logistic3A_11 : f32 to vector<1536x2048xf32>
    %logistic3A_13 = arith.addf %logistic3A_12, %logistic3A_10 : vector<1536x2048xf32>
    %logistic3A_14 = arith.divf %logistic3A_12, %logistic3A_13 : vector<1536x2048xf32>
    %mul3A = arith.mulf %add3A_9, %logistic3A_14 : vector<1536x2048xf32>
    %get3A_15 = arith.constant 0 : index
    %get3A_16 = arith.constant 0 : index
    %get3A_17 = vector.load %arg3[%get3A_15, %get3A_16] : memref<1536x8xf32, #tpu.memory_space<vmem>>, vector<1536x8xf32>
    %dot_general3A_18 = arith.constant dense<0.000000e+00> : vector<8x2048xf32>
    %dot_general3A_19 = tpu.matmul %get3A_17, %mul3A, %dot_general3A_18 {dimension_numbers = #tpu.dot_dimension_numbers<[0], [0], [1], [1], [0, 1, 1, 1], [], []>, transpose_lhs_hint = false} : vector<1536x8xf32>, vector<1536x2048xf32>, vector<8x2048xf32> -> vector<8x2048xf32>
    %get3A_20 = arith.constant 0 : index
    %get3A_21 = arith.constant 0 : index
    %get3A_22 = vector.load %arg4[%get3A_20, %get3A_21] : memref<8x1xf32, #tpu.memory_space<vmem>>, vector<8x1xf32>
    %add3A_23 = vector.broadcast %get3A_22 : vector<8x1xf32> to vector<8x2048xf32>
    %add3A_24 = arith.addf %dot_general3A_19, %add3A_23 : vector<8x2048xf32>
    %slice3A = vector.extract_strided_slice %add3A_24 {offsets = [0, 0], sizes = [1, 2048], strides = [1, 1]} : vector<8x2048xf32> to vector<1x2048xf32>
    %broadcast_in_dim3A = arith.constant -3.000000e+38 : f32
    %broadcast_in_dim3A_25 = vector.broadcast %broadcast_in_dim3A : f32 to vector<1x2048xf32>
    %broadcast_in_dim3A_26 = arith.constant 0 : i32
    %broadcast_in_dim3A_27 = vector.broadcast %broadcast_in_dim3A_26 : i32 to vector<1x2048xi32>
    %broadcast_in_dim3A_28 = arith.constant 0 : i32
    %broadcast_in_dim3A_29 = vector.broadcast %broadcast_in_dim3A_28 : i32 to vector<1x2048xi32>
    %slice3A_30 = vector.extract_strided_slice %add3A_24 {offsets = [1, 0], sizes = [1, 2048], strides = [1, 1]} : vector<8x2048xf32> to vector<1x2048xf32>
    %gt3A = arith.cmpf ogt, %slice3A_30, %slice3A : vector<1x2048xf32>
    %gt3A_31 = arith.cmpf ogt, %slice3A_30, %broadcast_in_dim3A_25 : vector<1x2048xf32>
    %jit3A = arith.constant 1 : i32
    %broadcast_in_dim3A_32 = vector.broadcast %jit3A : i32 to vector<1x2048xi32>
    %select_n3A = arith.select %gt3A_31, %broadcast_in_dim3A_32, %broadcast_in_dim3A_29 : vector<1x2048xi1>, vector<1x2048xi32>
    %select_n3A_33 = arith.select %gt3A, %broadcast_in_dim3A_27, %select_n3A : vector<1x2048xi1>, vector<1x2048xi32>
    %select_n3A_34 = arith.select %gt3A_31, %slice3A_30, %broadcast_in_dim3A_25 : vector<1x2048xi1>, vector<1x2048xf32>
    %select_n3A_35 = arith.select %gt3A, %slice3A, %select_n3A_34 : vector<1x2048xi1>, vector<1x2048xf32>
    %jit3A_36 = arith.constant 1 : i32
    %broadcast_in_dim3A_37 = vector.broadcast %jit3A_36 : i32 to vector<1x2048xi32>
    %select_n3A_38 = arith.select %gt3A, %broadcast_in_dim3A_37, %broadcast_in_dim3A_27 : vector<1x2048xi1>, vector<1x2048xi32>
    %select_n3A_39 = arith.select %gt3A, %slice3A_30, %slice3A : vector<1x2048xi1>, vector<1x2048xf32>
    %slice3A_40 = vector.extract_strided_slice %add3A_24 {offsets = [2, 0], sizes = [1, 2048], strides = [1, 1]} : vector<8x2048xf32> to vector<1x2048xf32>
    %gt3A_41 = arith.cmpf ogt, %slice3A_40, %select_n3A_39 : vector<1x2048xf32>
    %gt3A_42 = arith.cmpf ogt, %slice3A_40, %select_n3A_35 : vector<1x2048xf32>
    %jit3A_43 = arith.constant 2 : i32
    %broadcast_in_dim3A_44 = vector.broadcast %jit3A_43 : i32 to vector<1x2048xi32>
    %select_n3A_45 = arith.select %gt3A_42, %broadcast_in_dim3A_44, %select_n3A_33 : vector<1x2048xi1>, vector<1x2048xi32>
    %select_n3A_46 = arith.select %gt3A_41, %select_n3A_38, %select_n3A_45 : vector<1x2048xi1>, vector<1x2048xi32>
    %select_n3A_47 = arith.select %gt3A_42, %slice3A_40, %select_n3A_35 : vector<1x2048xi1>, vector<1x2048xf32>
    %select_n3A_48 = arith.select %gt3A_41, %select_n3A_39, %select_n3A_47 : vector<1x2048xi1>, vector<1x2048xf32>
    %jit3A_49 = arith.constant 2 : i32
    %broadcast_in_dim3A_50 = vector.broadcast %jit3A_49 : i32 to vector<1x2048xi32>
    %select_n3A_51 = arith.select %gt3A_41, %broadcast_in_dim3A_50, %select_n3A_38 : vector<1x2048xi1>, vector<1x2048xi32>
    %select_n3A_52 = arith.select %gt3A_41, %slice3A_40, %select_n3A_39 : vector<1x2048xi1>, vector<1x2048xf32>
    %slice3A_53 = vector.extract_strided_slice %add3A_24 {offsets = [3, 0], sizes = [1, 2048], strides = [1, 1]} : vector<8x2048xf32> to vector<1x2048xf32>
    %gt3A_54 = arith.cmpf ogt, %slice3A_53, %select_n3A_52 : vector<1x2048xf32>
    %gt3A_55 = arith.cmpf ogt, %slice3A_53, %select_n3A_48 : vector<1x2048xf32>
    %jit3A_56 = arith.constant 3 : i32
    %broadcast_in_dim3A_57 = vector.broadcast %jit3A_56 : i32 to vector<1x2048xi32>
    %select_n3A_58 = arith.select %gt3A_55, %broadcast_in_dim3A_57, %select_n3A_46 : vector<1x2048xi1>, vector<1x2048xi32>
    %select_n3A_59 = arith.select %gt3A_54, %select_n3A_51, %select_n3A_58 : vector<1x2048xi1>, vector<1x2048xi32>
    %select_n3A_60 = arith.select %gt3A_55, %slice3A_53, %select_n3A_48 : vector<1x2048xi1>, vector<1x2048xf32>
    %select_n3A_61 = arith.select %gt3A_54, %select_n3A_52, %select_n3A_60 : vector<1x2048xi1>, vector<1x2048xf32>
    %jit3A_62 = arith.constant 3 : i32
    %broadcast_in_dim3A_63 = vector.broadcast %jit3A_62 : i32 to vector<1x2048xi32>
    %select_n3A_64 = arith.select %gt3A_54, %broadcast_in_dim3A_63, %select_n3A_51 : vector<1x2048xi1>, vector<1x2048xi32>
    %select_n3A_65 = arith.select %gt3A_54, %slice3A_53, %select_n3A_52 : vector<1x2048xi1>, vector<1x2048xf32>
    %slice3A_66 = vector.extract_strided_slice %add3A_24 {offsets = [4, 0], sizes = [1, 2048], strides = [1, 1]} : vector<8x2048xf32> to vector<1x2048xf32>
    %gt3A_67 = arith.cmpf ogt, %slice3A_66, %select_n3A_65 : vector<1x2048xf32>
    %gt3A_68 = arith.cmpf ogt, %slice3A_66, %select_n3A_61 : vector<1x2048xf32>
    %jit3A_69 = arith.constant 4 : i32
    %broadcast_in_dim3A_70 = vector.broadcast %jit3A_69 : i32 to vector<1x2048xi32>
    %select_n3A_71 = arith.select %gt3A_68, %broadcast_in_dim3A_70, %select_n3A_59 : vector<1x2048xi1>, vector<1x2048xi32>
    %select_n3A_72 = arith.select %gt3A_67, %select_n3A_64, %select_n3A_71 : vector<1x2048xi1>, vector<1x2048xi32>
    %select_n3A_73 = arith.select %gt3A_68, %slice3A_66, %select_n3A_61 : vector<1x2048xi1>, vector<1x2048xf32>
    %select_n3A_74 = arith.select %gt3A_67, %select_n3A_65, %select_n3A_73 : vector<1x2048xi1>, vector<1x2048xf32>
    %jit3A_75 = arith.constant 4 : i32
    %broadcast_in_dim3A_76 = vector.broadcast %jit3A_75 : i32 to vector<1x2048xi32>
    %select_n3A_77 = arith.select %gt3A_67, %broadcast_in_dim3A_76, %select_n3A_64 : vector<1x2048xi1>, vector<1x2048xi32>
    %select_n3A_78 = arith.select %gt3A_67, %slice3A_66, %select_n3A_65 : vector<1x2048xi1>, vector<1x2048xf32>
    %slice3A_79 = vector.extract_strided_slice %add3A_24 {offsets = [5, 0], sizes = [1, 2048], strides = [1, 1]} : vector<8x2048xf32> to vector<1x2048xf32>
    %gt3A_80 = arith.cmpf ogt, %slice3A_79, %select_n3A_78 : vector<1x2048xf32>
    %gt3A_81 = arith.cmpf ogt, %slice3A_79, %select_n3A_74 : vector<1x2048xf32>
    %jit3A_82 = arith.constant 5 : i32
    %broadcast_in_dim3A_83 = vector.broadcast %jit3A_82 : i32 to vector<1x2048xi32>
    %select_n3A_84 = arith.select %gt3A_81, %broadcast_in_dim3A_83, %select_n3A_72 : vector<1x2048xi1>, vector<1x2048xi32>
    %select_n3A_85 = arith.select %gt3A_80, %select_n3A_77, %select_n3A_84 : vector<1x2048xi1>, vector<1x2048xi32>
    %select_n3A_86 = arith.select %gt3A_81, %slice3A_79, %select_n3A_74 : vector<1x2048xi1>, vector<1x2048xf32>
    %select_n3A_87 = arith.select %gt3A_80, %select_n3A_78, %select_n3A_86 : vector<1x2048xi1>, vector<1x2048xf32>
    %jit3A_88 = arith.constant 5 : i32
    %broadcast_in_dim3A_89 = vector.broadcast %jit3A_88 : i32 to vector<1x2048xi32>
    %select_n3A_90 = arith.select %gt3A_80, %broadcast_in_dim3A_89, %select_n3A_77 : vector<1x2048xi1>, vector<1x2048xi32>
    %select_n3A_91 = arith.select %gt3A_80, %slice3A_79, %select_n3A_78 : vector<1x2048xi1>, vector<1x2048xf32>
    %slice3A_92 = vector.extract_strided_slice %add3A_24 {offsets = [6, 0], sizes = [1, 2048], strides = [1, 1]} : vector<8x2048xf32> to vector<1x2048xf32>
    %gt3A_93 = arith.cmpf ogt, %slice3A_92, %select_n3A_91 : vector<1x2048xf32>
    %gt3A_94 = arith.cmpf ogt, %slice3A_92, %select_n3A_87 : vector<1x2048xf32>
    %jit3A_95 = arith.constant 6 : i32
    %broadcast_in_dim3A_96 = vector.broadcast %jit3A_95 : i32 to vector<1x2048xi32>
    %select_n3A_97 = arith.select %gt3A_94, %broadcast_in_dim3A_96, %select_n3A_85 : vector<1x2048xi1>, vector<1x2048xi32>
    %select_n3A_98 = arith.select %gt3A_93, %select_n3A_90, %select_n3A_97 : vector<1x2048xi1>, vector<1x2048xi32>
    %select_n3A_99 = arith.select %gt3A_94, %slice3A_92, %select_n3A_87 : vector<1x2048xi1>, vector<1x2048xf32>
    %select_n3A_100 = arith.select %gt3A_93, %select_n3A_91, %select_n3A_99 : vector<1x2048xi1>, vector<1x2048xf32>
    %jit3A_101 = arith.constant 6 : i32
    %broadcast_in_dim3A_102 = vector.broadcast %jit3A_101 : i32 to vector<1x2048xi32>
    %select_n3A_103 = arith.select %gt3A_93, %broadcast_in_dim3A_102, %select_n3A_90 : vector<1x2048xi1>, vector<1x2048xi32>
    %select_n3A_104 = arith.select %gt3A_93, %slice3A_92, %select_n3A_91 : vector<1x2048xi1>, vector<1x2048xf32>
    %slice3A_105 = vector.extract_strided_slice %add3A_24 {offsets = [7, 0], sizes = [1, 2048], strides = [1, 1]} : vector<8x2048xf32> to vector<1x2048xf32>
    %gt3A_106 = arith.cmpf ogt, %slice3A_105, %select_n3A_104 : vector<1x2048xf32>
    %gt3A_107 = arith.cmpf ogt, %slice3A_105, %select_n3A_100 : vector<1x2048xf32>
    %jit3A_108 = arith.constant 7 : i32
    %broadcast_in_dim3A_109 = vector.broadcast %jit3A_108 : i32 to vector<1x2048xi32>
    %select_n3A_110 = arith.select %gt3A_107, %broadcast_in_dim3A_109, %select_n3A_98 : vector<1x2048xi1>, vector<1x2048xi32>
    %select_n3A_111 = arith.select %gt3A_106, %select_n3A_103, %select_n3A_110 : vector<1x2048xi1>, vector<1x2048xi32>
    %select_n3A_112 = arith.select %gt3A_107, %slice3A_105, %select_n3A_100 : vector<1x2048xi1>, vector<1x2048xf32>
    %select_n3A_113 = arith.select %gt3A_106, %select_n3A_104, %select_n3A_112 : vector<1x2048xi1>, vector<1x2048xf32>
    %jit3A_114 = arith.constant 7 : i32
    %broadcast_in_dim3A_115 = vector.broadcast %jit3A_114 : i32 to vector<1x2048xi32>
    %select_n3A_116 = arith.select %gt3A_106, %broadcast_in_dim3A_115, %select_n3A_103 : vector<1x2048xi1>, vector<1x2048xi32>
    %select_n3A_117 = arith.select %gt3A_106, %slice3A_105, %select_n3A_104 : vector<1x2048xi1>, vector<1x2048xf32>
    %sub3A = arith.subf %select_n3A_113, %select_n3A_117 : vector<1x2048xf32>
    %exp3A = math.exp %sub3A : vector<1x2048xf32>
    %add3A_118 = arith.constant 1.000000e+00 : f32
    %add3A_119 = vector.broadcast %add3A_118 : f32 to vector<1x2048xf32>
    %add3A_120 = arith.addf %add3A_119, %exp3A : vector<1x2048xf32>
    %div3A = arith.constant 1.000000e+00 : f32
    %div3A_121 = vector.broadcast %div3A : f32 to vector<1x2048xf32>
    %div3A_122 = arith.divf %div3A_121, %add3A_120 : vector<1x2048xf32>
    %swap3A = arith.constant 0 : index
    %swap3A_123 = arith.constant 0 : index
    %swap3A_124 = vector.load %arg5[%swap3A, %swap3A_123] : memref<1x2048xi32, #tpu.memory_space<vmem>>, vector<1x2048xi32>
    tpu.vector_store %arg5[%swap3A, %swap3A_123], %select_n3A_116 {strides = array<i32>} : memref<1x2048xi32, #tpu.memory_space<vmem>>, vector<1x2048xi32>,
    %swap3A_125 = arith.constant 0 : index
    %swap3A_126 = arith.constant 0 : index
    %swap3A_127 = vector.load %arg6[%swap3A_125, %swap3A_126] : memref<1x2048xi32, #tpu.memory_space<vmem>>, vector<1x2048xi32>
    tpu.vector_store %arg6[%swap3A_125, %swap3A_126], %select_n3A_111 {strides = array<i32>} : memref<1x2048xi32, #tpu.memory_space<vmem>>, vector<1x2048xi32>,
    %swap3A_128 = arith.constant 0 : index
    %swap3A_129 = arith.constant 0 : index
    %swap3A_130 = vector.load %arg7[%swap3A_128, %swap3A_129] : memref<1x2048xf32, #tpu.memory_space<vmem>>, vector<1x2048xf32>
    tpu.vector_store %arg7[%swap3A_128, %swap3A_129], %div3A_122 {strides = array<i32>} : memref<1x2048xf32, #tpu.memory_space<vmem>>, vector<1x2048xf32>,
    %sub3A_131 = arith.constant 1.000000e+00 : f32
    %sub3A_132 = vector.broadcast %sub3A_131 : f32 to vector<1x2048xf32>
    %sub3A_133 = arith.subf %sub3A_132, %div3A_122 : vector<1x2048xf32>
    %swap3A_134 = arith.constant 0 : index
    %swap3A_135 = arith.constant 0 : index
    %swap3A_136 = vector.load %arg8[%swap3A_134, %swap3A_135] : memref<1x2048xf32, #tpu.memory_space<vmem>>, vector<1x2048xf32>
    tpu.vector_store %arg8[%swap3A_134, %swap3A_135], %sub3A_133 {strides = array<i32>} : memref<1x2048xf32, #tpu.memory_space<vmem>>, vector<1x2048xf32>,
    return
  }
}

module attributes {stable_mosaic.version = 14 : i64} {
  func.func @_group_body(%arg0: i32, %arg1: memref<32xi32, #tpu.memory_space<smem>>, %arg2: memref<256x768xf32, #tpu.memory_space<vmem>>, %arg3: memref<768x3072xf32, #tpu.memory_space<vmem>>, %arg4: memref<3072xf32, #tpu.memory_space<vmem>>, %arg5: memref<1x3072x768xf32, #tpu.memory_space<vmem>>, %arg6: memref<8x768xf32, #tpu.memory_space<vmem>>, %arg7: memref<1x1x256xi32, #tpu.memory_space<vmem>>, %arg8: memref<1x1x256xf32, #tpu.memory_space<vmem>>, %arg9: memref<2048x768xf32, #tpu.memory_space<vmem>>) attributes {dimension_semantics = [#tpu.dimension_semantics<arbitrary>], iteration_bounds = array<i64: 24>, scalar_prefetch = 1 : i64, scratch_operands = 0 : i64, tpu.core_type = #tpu.core_type<tc>, window_params = [{transform_indices = @transform_0, window_bounds = array<i64: 256, 768>}, {pipeline_mode = #tpu.pipeline_mode<synchronous>, transform_indices = @transform_1, window_bounds = array<i64: 768, 3072>}, {pipeline_mode = #tpu.pipeline_mode<synchronous>, transform_indices = @transform_2, window_bounds = array<i64: 3072>}, {transform_indices = @transform_3, window_bounds = array<i64: 1, 3072, 768>}, {pipeline_mode = #tpu.pipeline_mode<synchronous>, transform_indices = @transform_4, window_bounds = array<i64: 8, 768>}, {transform_indices = @transform_5, window_bounds = array<i64: 1, 1, 256>}, {transform_indices = @transform_6, window_bounds = array<i64: 1, 1, 256>}, {pipeline_mode = #tpu.pipeline_mode<synchronous>, transform_indices = @transform_7, window_bounds = array<i64: 2048, 768>}]} {
    %get3A = arith.index_cast %arg0 : i32 to index
    %get3A_0 = memref.load %arg1[%get3A] : memref<32xi32, #tpu.memory_space<smem>>
    %eq3A = arith.constant 0 : i32
    %eq3A_1 = arith.cmpi eq, %arg0, %eq3A : i32
    %convert_element_type3A = arith.extui %eq3A_1 : i1 to i32
    %cond3A = arith.constant 0 : i32
    %cond3A_2 = arith.cmpi ne, %convert_element_type3A, %cond3A : i32
    scf.if %cond3A_2 {
      %broadcast_in_dim3A = arith.constant 0.000000e+00 : f32
      %broadcast_in_dim3A_7 = vector.broadcast %broadcast_in_dim3A : f32 to vector<2048x768xf32>
      %swap3A = arith.constant 0 : index
      %swap3A_8 = arith.constant 0 : index
      %swap3A_9 = vector.load %arg9[%swap3A, %swap3A_8] : memref<2048x768xf32, #tpu.memory_space<vmem>>, vector<2048x768xf32>
      tpu.vector_store %arg9[%swap3A, %swap3A_8], %broadcast_in_dim3A_7 {strides = array<i32>} : memref<2048x768xf32, #tpu.memory_space<vmem>>, vector<2048x768xf32>,
    } else {
    }
    %lt3A = arith.constant 8 : i32
    %lt3A_3 = arith.cmpi slt, %get3A_0, %lt3A : i32
    %convert_element_type3A_4 = arith.extui %lt3A_3 : i1 to i32
    %cond3A_5 = arith.constant 0 : i32
    %cond3A_6 = arith.cmpi ne, %convert_element_type3A_4, %cond3A_5 : i32
    scf.if %cond3A_6 {
      %get3A_7 = arith.constant 0 : index
      %get3A_8 = arith.constant 0 : index
      %get3A_9 = vector.load %arg2[%get3A_7, %get3A_8] : memref<256x768xf32, #tpu.memory_space<vmem>>, vector<256x768xf32>
      %get3A_10 = arith.constant 0 : index
      %get3A_11 = arith.constant 0 : index
      %get3A_12 = vector.load %arg3[%get3A_10, %get3A_11] : memref<768x3072xf32, #tpu.memory_space<vmem>>, vector<768x3072xf32>
      %dot_general3A = arith.constant dense<0.000000e+00> : vector<256x3072xf32>
      %dot_general3A_13 = tpu.matmul %get3A_9, %get3A_12, %dot_general3A {dimension_numbers = #tpu.dot_dimension_numbers<[1], [0], [0], [1], [0, 0, 1, 1], [], []>, transpose_lhs_hint = false} : vector<256x768xf32>, vector<768x3072xf32>, vector<256x3072xf32> -> vector<256x3072xf32>
      %get3A_14 = arith.constant 0 : index
      %get3A_15 = vector.load %arg4[%get3A_14] : memref<3072xf32, #tpu.memory_space<vmem>>, vector<3072xf32>
      %broadcast_in_dim3A = vector.shape_cast %get3A_15 : vector<3072xf32> to vector<1x3072xf32>
      %add3A = vector.broadcast %broadcast_in_dim3A : vector<1x3072xf32> to vector<256x3072xf32>
      %add3A_16 = arith.addf %dot_general3A_13, %add3A : vector<256x3072xf32>
      %logistic3A = arith.negf %add3A_16 : vector<256x3072xf32>
      %logistic3A_17 = math.exp %logistic3A : vector<256x3072xf32>
      %logistic3A_18 = arith.constant 1.000000e+00 : f32
      %logistic3A_19 = vector.broadcast %logistic3A_18 : f32 to vector<256x3072xf32>
      %logistic3A_20 = arith.addf %logistic3A_19, %logistic3A_17 : vector<256x3072xf32>
      %logistic3A_21 = arith.divf %logistic3A_19, %logistic3A_20 : vector<256x3072xf32>
      %mul3A = arith.mulf %add3A_16, %logistic3A_21 : vector<256x3072xf32>
      %get3A_22 = arith.constant 0 : index
      %get3A_23 = arith.constant 0 : index
      %get3A_24 = arith.constant 0 : index
      %get3A_25 = vector.load %arg5[%get3A_22, %get3A_23, %get3A_24] : memref<1x3072x768xf32, #tpu.memory_space<vmem>>, vector<1x3072x768xf32>
      %get3A_26 = vector.shape_cast %get3A_25 : vector<1x3072x768xf32> to vector<3072x768xf32>
      %dot_general3A_27 = arith.constant dense<0.000000e+00> : vector<256x768xf32>
      %dot_general3A_28 = tpu.matmul %mul3A, %get3A_26, %dot_general3A_27 {dimension_numbers = #tpu.dot_dimension_numbers<[1], [0], [0], [1], [0, 0, 1, 1], [], []>, transpose_lhs_hint = false} : vector<256x3072xf32>, vector<3072x768xf32>, vector<256x768xf32> -> vector<256x768xf32>
      %iota3A = tpu.iota {dimensions = array<i32: 1>} : vector<1x8xi32>
      %eq3A_29 = vector.broadcast %get3A_0 : i32 to vector<1x8xi32>
      %eq3A_30 = arith.cmpi eq, %iota3A, %eq3A_29 : vector<1x8xi32>
      %convert_element_type3A_31 = arith.extui %eq3A_30 : vector<1x8xi1> to vector<1x8xi32>
      %convert_element_type3A_32 = arith.sitofp %convert_element_type3A_31 : vector<1x8xi32> to vector<1x8xf32>
      %get3A_33 = arith.constant 0 : index
      %get3A_34 = arith.constant 0 : index
      %get3A_35 = vector.load %arg6[%get3A_33, %get3A_34] : memref<8x768xf32, #tpu.memory_space<vmem>>, vector<8x768xf32>
      %dot_general3A_36 = arith.constant dense<0.000000e+00> : vector<1x768xf32>
      %dot_general3A_37 = tpu.matmul %convert_element_type3A_32, %get3A_35, %dot_general3A_36 {dimension_numbers = #tpu.dot_dimension_numbers<[1], [0], [0], [1], [0, 0, 1, 1], [], []>, transpose_lhs_hint = false} : vector<1x8xf32>, vector<8x768xf32>, vector<1x768xf32> -> vector<1x768xf32>
      %add3A_38 = vector.broadcast %dot_general3A_37 : vector<1x768xf32> to vector<256x768xf32>
      %add3A_39 = arith.addf %dot_general3A_28, %add3A_38 : vector<256x768xf32>
      %get3A_40 = arith.constant 0 : index
      %get3A_41 = arith.constant 0 : index
      %get3A_42 = arith.constant 0 : index
      %get3A_43 = vector.load %arg7[%get3A_40, %get3A_41, %get3A_42] : memref<1x1x256xi32, #tpu.memory_space<vmem>>, vector<1x1x256xi32>
      %reshape3A = vector.shape_cast %get3A_43 : vector<1x1x256xi32> to vector<1x256xi32>
      %get3A_44 = arith.constant 0 : index
      %get3A_45 = arith.constant 0 : index
      %get3A_46 = arith.constant 0 : index
      %get3A_47 = vector.load %arg8[%get3A_44, %get3A_45, %get3A_46] : memref<1x1x256xf32, #tpu.memory_space<vmem>>, vector<1x1x256xf32>
      %reshape3A_48 = vector.shape_cast %get3A_47 : vector<1x1x256xf32> to vector<1x256xf32>
      %iota3A_49 = tpu.iota {dimensions = array<i32: 0>} : vector<2048x256xi32>
      %eq3A_50 = vector.broadcast %reshape3A : vector<1x256xi32> to vector<2048x256xi32>
      %eq3A_51 = arith.cmpi eq, %iota3A_49, %eq3A_50 : vector<2048x256xi32>
      %broadcast_in_dim3A_52 = vector.shape_cast %reshape3A_48 : vector<1x256xf32> to vector<1x256xf32>
      %broadcast_in_dim3A_53 = vector.broadcast %broadcast_in_dim3A_52 : vector<1x256xf32> to vector<2048x256xf32>
      %jit3A = arith.constant 0.000000e+00 : f32
      %broadcast_in_dim3A_54 = vector.broadcast %jit3A : f32 to vector<2048x256xf32>
      %select_n3A = arith.select %eq3A_51, %broadcast_in_dim3A_53, %broadcast_in_dim3A_54 : vector<2048x256xi1>, vector<2048x256xf32>
      %get3A_55 = arith.constant 0 : index
      %get3A_56 = arith.constant 0 : index
      %get3A_57 = vector.load %arg9[%get3A_55, %get3A_56] : memref<2048x768xf32, #tpu.memory_space<vmem>>, vector<2048x768xf32>
      %dot_general3A_58 = arith.constant dense<0.000000e+00> : vector<2048x768xf32>
      %dot_general3A_59 = tpu.matmul %select_n3A, %add3A_39, %dot_general3A_58 {dimension_numbers = #tpu.dot_dimension_numbers<[1], [0], [0], [1], [0, 0, 1, 1], [], []>, transpose_lhs_hint = false} : vector<2048x256xf32>, vector<256x768xf32>, vector<2048x768xf32> -> vector<2048x768xf32>
      %add3A_60 = arith.addf %get3A_57, %dot_general3A_59 : vector<2048x768xf32>
      %swap3A = arith.constant 0 : index
      %swap3A_61 = arith.constant 0 : index
      %swap3A_62 = vector.load %arg9[%swap3A, %swap3A_61] : memref<2048x768xf32, #tpu.memory_space<vmem>>, vector<2048x768xf32>
      tpu.vector_store %arg9[%swap3A, %swap3A_61], %add3A_60 {strides = array<i32>} : memref<2048x768xf32, #tpu.memory_space<vmem>>, vector<2048x768xf32>,
    } else {
    }
    return
  }
  func.func @transform_0(%arg0: i32, %arg1: memref<32xi32, #tpu.memory_space<smem>>) -> (i32, i32) {
    %get3A = arith.index_cast %arg0 : i32 to index
    %get3A_0 = memref.load %arg1[%get3A] : memref<32xi32, #tpu.memory_space<smem>>
    %lt3A = arith.constant 8 : i32
    %lt3A_1 = arith.cmpi slt, %get3A_0, %lt3A : i32
    %jit3A = arith.constant 0 : i32
    %select_n3A = arith.select %lt3A_1, %arg0, %jit3A : i32
    %c0_i32 = arith.constant 0 : i32
    %c0_i32_2 = arith.constant 0 : i32
    return %select_n3A, %c0_i32 : i32, i32
  }
  func.func @transform_1(%arg0: i32, %arg1: memref<32xi32, #tpu.memory_space<smem>>) -> (i32, i32) {
    %c0_i32 = arith.constant 0 : i32
    %c0_i32_0 = arith.constant 0 : i32
    %c0_i32_1 = arith.constant 0 : i32
    return %c0_i32, %c0_i32_0 : i32, i32
  }
  func.func @transform_2(%arg0: i32, %arg1: memref<32xi32, #tpu.memory_space<smem>>) -> i32 {
    %c0_i32 = arith.constant 0 : i32
    %c0_i32_0 = arith.constant 0 : i32
    return %c0_i32 : i32
  }
  func.func @transform_3(%arg0: i32, %arg1: memref<32xi32, #tpu.memory_space<smem>>) -> (i32, i32, i32) {
    %get3A = arith.index_cast %arg0 : i32 to index
    %get3A_0 = memref.load %arg1[%get3A] : memref<32xi32, #tpu.memory_space<smem>>
    %min3A = arith.constant 7 : i32
    %min3A_1 = arith.minsi %get3A_0, %min3A : i32
    %c0_i32 = arith.constant 0 : i32
    %c0_i32_2 = arith.constant 0 : i32
    %c0_i32_3 = arith.constant 0 : i32
    return %min3A_1, %c0_i32, %c0_i32_2 : i32, i32, i32
  }
  func.func @transform_4(%arg0: i32, %arg1: memref<32xi32, #tpu.memory_space<smem>>) -> (i32, i32) {
    %c0_i32 = arith.constant 0 : i32
    %c0_i32_0 = arith.constant 0 : i32
    %c0_i32_1 = arith.constant 0 : i32
    return %c0_i32, %c0_i32_0 : i32, i32
  }
  func.func @transform_5(%arg0: i32, %arg1: memref<32xi32, #tpu.memory_space<smem>>) -> (i32, i32, i32) {
    %c0_i32 = arith.constant 0 : i32
    %c0_i32_0 = arith.constant 0 : i32
    %c0_i32_1 = arith.constant 0 : i32
    return %arg0, %c0_i32, %c0_i32_0 : i32, i32, i32
  }
  func.func @transform_6(%arg0: i32, %arg1: memref<32xi32, #tpu.memory_space<smem>>) -> (i32, i32, i32) {
    %c0_i32 = arith.constant 0 : i32
    %c0_i32_0 = arith.constant 0 : i32
    %c0_i32_1 = arith.constant 0 : i32
    return %arg0, %c0_i32, %c0_i32_0 : i32, i32, i32
  }
  func.func @transform_7(%arg0: i32, %arg1: memref<32xi32, #tpu.memory_space<smem>>) -> (i32, i32) {
    %c0_i32 = arith.constant 0 : i32
    %c0_i32_0 = arith.constant 0 : i32
    %c0_i32_1 = arith.constant 0 : i32
    return %c0_i32, %c0_i32_0 : i32, i32
  }
}

</mosaic_0001>

<sc_bundles>
// kernel: kernel.5.cloned.1.call-start
scs
__scs_entry_jumppad:
0x0: {  	(pc) =	sbr.rel $0x88, $3  }
0x1: {  	(tag) =	ssettag $0x0;
	lr =	simm.s32 $0x1  }
0x2: {  	[smem:$0x3F98] =	sst lr;
	_ =	strace $0xD0000000  }
0x3: {  	_ = 	snop  }
0x4: {  	_ = 	snop  }
0x5: {  	_ = 	snop  }
0x6: {  	_ = 	snop  }
0x7: {  	_ = 	snop  }
__scs_overlays_trampoline_lowered:
0x8: {  	[smem:$0x3FA7] =	sst s0  }
0x9: {  	[smem:$0x3FA8] =	sst s1  }
0xa: {  	[smem:$0x3FA9] =	sst s2  }
0xb: {  	[smem:$0x3FAA] =	sst s3  }
0xc: {  	[smem:$0x3FAB] =	sst s4  }
0xd: {  	[smem:$0x3FAC] =	sst s5  }
0xe: {  	[smem:$0x3FAD] =	sst s6  }
0xf: {  	[smem:$0x3FAE] =	sst s7  }
0x10: {  	[smem:$0x3FAF] =	sst s8  }
0x11: {  	[smem:$0x3FB0] =	sst s9;
	s0 =	simm.s32 @!p0 $0x0  }
0x12: {  	s1 =	sld [smem:$0x3F96];
	s0 =	simm.s32 @p0 $0x1  }
0x13: {  	[smem:$0x3FB1] =	sst s0;
	s0 =	simm.s32 @!p1 $0x0  }
0x14: {  	s2 =	sld [smem:$0x3F95];
	s0 =	simm.s32 @p1 $0x1  }
0x15: {  	[smem:$0x3FB2] =	sst s0;
	s0 =	simm.s32 @!p2 $0x0  }
0x16: {  	s3 =	sld [smem:$0x3FDB];
	s0 =	simm.s32 @p2 $0x1  }
0x17: {  	s4 =	simm.s32 $0x1BF5;
	[smem:$0x3FB4] =	sst s0  }
0x18: {  	s0 =	sld [smem:$0x3F97];
	_ =	swait.ge [sflag:s4], $0x0  }
0x19: {  	s7 =	sld [smem:$0x3F98]  }
0x1a: {  	s8 =	sadd.s32 $0xFFFFE003, lr  }
0x1b: {  	s9 =	sadd.s32 $0xFFFFFEF7, lr;
	s5 =	simm.s32 $0xFFFFFFFF;
	p2 =	slt.u32 s8, $0xFFFFF086  }
0x1c: {  	p1 =	slt.u32 s9, $0xF7A;
	s5 =	simm.s32 @!p2 $0x0  }
0x1d: {  	s5 =	simm.s32 @p1 $0x1;
	p0 =	seq.s32 s7, s2  }
0x1e: {  	s7 =	smul.u32 @!p0 $0xF7A, s2;
	p2 =	seq.s32 @!p0 s5, $0x0  }
0x1f: {  	s9 =	smul.u32 $0xF7A, s1;
	s8 =	simm.s32 @!p0 $0x1BF5;
	p2 =	por !p2, p0  }
0x20: {  	[sflag:s8] =	ssyncset.s32 @!p0 $0xFFFFF086;
	s6 =	sadd.s32 @!p0 s3, s7;
	s7 =	simm.s32 @!p0 $0x108  }
0x21: {  	s3 =	sadd.s32 s3, s9;
	s6 =	sadd.s32 @!p0 $0x88, s6;
	s7 =	simm.s32 @p2 $0x1082  }
0x22: {  	[simem:s7], [sflag:s8] =	dma.local @!p0 [hbm:s6], $0xF7A  }
0x23: {  	s9 =	sor.u32 $0xD0000000, s2;
	s6 =	simm.s32 $0x108;
	_ =	swait.ge @!p0 [sflag:s8], $0x0  }
0x24: {  	s3 =	sadd.s32 $0x88, s3;
	s6 =	simm.s32 @!p1 $0x1082;
	[sflag:s4] =	ssyncset.s32 $0xFFFFF086  }
0x25: {  	[simem:s6], [sflag:s4] =	dma.local [hbm:s3], $0xF7A  }
0x26: {  	[smem:$0x3F98] =	sst s1;
	(tag) =	ssettag s2;
	_ =	strace s9  }
0x27: {  	s1 =	sld [smem:$0x3FA8]  }
0x28: {  	s2 =	sld [smem:$0x3FA9]  }
0x29: {  	s4 =	sld [smem:$0x3FAB]  }
0x2a: {  	p0 =	seq.s32 s5, $0x0;
	s5 =	sld [smem:$0x3FAC]  }
0x2b: {  	s6 =	sld [smem:$0x3FAD]  }
0x2c: {  	s7 =	sld [smem:$0x3FAE]  }
0x2d: {  	s3 =	simm.s32 $0x108;
	s8 =	sld [smem:$0x3FAF]  }
0x2e: {  	s3 =	simm.s32 @!p0 $0x1082;
	s9 =	sld [smem:$0x3FB0]  }
0x2f: {  	lr =	sadd.s32 s0, s3;
	s0 =	sld [smem:$0x3FA7]  }
0x30: {  	s3 =	sld [smem:$0x3FAA]  }
0x31: {  	[smem:$0x3FB3] =	sst s10  }
0x32: {  	s10 =	sld [smem:$0x3FB1];
	_ =	sdelay $0x3  }
0x33: {  	p0 =	seq.s32 s10, $0x1;
	s10 =	sld [smem:$0x3FB3];
	_ =	sdelay $0x3  }
0x34: {  	[smem:$0x3FB3] =	sst s10  }
0x35: {  	s10 =	sld [smem:$0x3FB2];
	_ =	sdelay $0x3  }
0x36: {  	p1 =	seq.s32 s10, $0x1;
	s10 =	sld [smem:$0x3FB3];
	_ =	sdelay $0x3  }
0x37: {  	[smem:$0x3FB3] =	sst s10  }
0x38: {  	s10 =	sld [smem:$0x3FB4]  }
0x39: {  	_ = 	snop;
	(pc) =	sbr.ind lr, $3  }
0x3a: {  	_ = 	snop  }
0x3b: {  	_ = 	snop  }
0x3c: {  	p2 =	seq.s32 s10, $0x1;
	s10 =	sld [smem:$0x3FB3]  }
0x3d: {  	_ =	shalt  }
0x3e: {  	_ =	shalt  }
0x3f: {  	_ =	shalt  }
0x40: {  	_ =	shalt  }
0x41: {  	_ =	shalt  }
0x42: {  	_ =	shalt  }
0x43: {  	_ =	shalt  }
0x44: {  	_ =	shalt  }
0x45: {  	_ =	shalt  }
0x46: {  	_ =	shalt  }
0x47: {  	_ =	shalt  }
0x48: {  	_ =	shalt  }
0x49: {  	_ =	shalt  }
0x4a: {  	_ =	shalt  }
0x4b: {  	_ =	shalt  }
0x4c: {  	_ =	shalt  }
0x4d: {  	_ =	shalt  }
0x4e: {  	_ =	shalt  }
0x4f: {  	_ =	shalt  }
0x50: {  	_ =	shalt  }
0x51: {  	_ =	shalt  }
0x52: {  	_ =	shalt  }
0x53: {  	_ =	shalt  }
0x54: {  	_ =	shalt  }
0x55: {  	_ =	shalt  }
0x56: {  	_ =	shalt  }
0x57: {  	_ =	shalt  }
0x58: {  	_ =	shalt  }
0x59: {  	_ =	shalt  }
0x5a: {  	_ =	shalt  }
0x5b: {  	_ =	shalt  }
0x5c: {  	_ =	shalt  }
0x5d: {  	_ =	shalt  }
0x5e: {  	_ =	shalt  }
0x5f: {  	_ =	shalt  }
0x60: {  	_ =	shalt  }
0x61: {  	_ =	shalt  }
0x62: {  	_ =	shalt  }
0x63: {  	_ =	shalt  }
0x64: {  	_ =	shalt  }
0x65: {  	_ =	shalt  }
0x66: {  	_ =	shalt  }
0x67: {  	_ =	shalt  }
0x68: {  	_ =	shalt  }
0x69: {  	_ =	shalt  }
0x6a: {  	_ =	shalt  }
0x6b: {  	_ =	shalt  }
0x6c: {  	_ =	shalt  }
0x6d: {  	_ =	shalt  }
0x6e: {  	_ =	shalt  }
0x6f: {  	_ =	shalt  }
0x70: {  	_ =	shalt  }
0x71: {  	_ =	shalt  }
0x72: {  	_ =	shalt  }
0x73: {  	_ =	shalt  }
0x74: {  	_ =	shalt  }
0x75: {  	_ =	shalt  }
0x76: {  	_ =	shalt  }
0x77: {  	_ =	shalt  }
0x78: {  	_ =	shalt  }
0x79: {  	_ =	shalt  }
0x7a: {  	_ =	shalt  }
0x7b: {  	_ =	shalt  }
0x7c: {  	_ =	shalt  }
0x7d: {  	_ =	shalt  }
0x7e: {  	_ =	shalt  }
0x7f: {  	_ =	shalt  }
0x80: {  	_ =	shalt  }
0x81: {  	_ =	shalt  }
0x82: {  	_ =	shalt  }
0x83: {  	_ =	shalt  }
0x84: {  	_ =	shalt  }
0x85: {  	_ =	shalt  }
0x86: {  	_ =	shalt  }
0x87: {  	_ =	shalt  }
.Lfunc_end0:
.L_simem_size_0:
called_computation_lowered:
.L_overlay_start_0:
0x88: {  	s2 =	sld [smem:$0x3FD9]  }
0x89: {  	s3 =	sld [smem:$0x3FFE];
	_ =	sdelay $0x1  }
0x8a: {  	s1 =	srdreg.scid  }
0x8b: {  	s0 =	sand.u32 $0x1, s1  }
0x8c: {  	s17 =	sshll.u32 s0, $0xA;
	s2 =	sadd.s32 s3, s2  }
0x8d: {  	s2 =	sadd.s32 s2, s17  }
0x8e: {  	[smem:$0x3FBF] =	sst s2  }
0x8f: {  	_ = 	snop  }
0x90: {  	s2 =	sld [smem:$0x3FC9]  }
0x91: {  	s18 =	sld [smem:$0x3FD0];
	(tm) =	ssettm $0x1  }
0x92: {  	s4 =	sld [smem:$0x3FFB];
	_ =	sdelay $0x3  }
0x93: {  	_ =	strace s4  }
0x94: {  	s4 =	sld [smem:$0x3FFC];
	_ =	sdelay $0x3  }
0x95: {  	_ =	strace s4  }
0x96: {  	s4 =	sld [smem:$0x3FFD];
	_ =	sdelay $0x3  }
0x97: {  	_ =	strace s4  }
0x98: {  	_ =	strace $0x8FFFFFFF  }
0x99: {  	s19 =	sld [smem:$0x3FDB];
	_ =	sdelay $0x1  }
0x9a: {  	s5 =	simm.s32 $_scs_section_size  }
0x9b: {  	s6 =	simm.s32 $_size__tile_overlayer_lowered;
	s7 =	simm.s32 $_tile_overlayer_lowered  }
0x9c: {  	s22 =	simm.s32 $0x1BFF;
	s21 =	sshll.u32 s7, $0x1;
	s4 =	sadd.s32 s5, s19  }
0x9d: {  	s8 =	simm.s32 $0x0;
	s20 =	sshll.u32 s6, $0x1;
	s6 =	sadd.s32 s21, s4  }
0x9e: {  	[timem:s8], [sflag:s22] =	dma.local [hbm:s6], s20  }
0x9f: {  	_ =	swait.ge [sflag:s22], s20  }
0xa0: {  	s5 =	ssub.s32 $0x0, s20;
	[sflag:s22] =	ssyncset.done $0x0  }
0xa1: {  	[sflag:s22] =	ssyncadd.s32 s5;
	_ =	sdelay $0x1  }
0xa2: {  	s23 =	simm.s32 $0x1B8B  }
0xa3: {  	_ =	swait.ge [sflag:s23], $0x1  }
0xa4: {  	[sflag:s23] =	ssyncset.done $0x0  }
0xa5: {  	s25 =	simm.s32 $0x1B8E;
	s24 =	sld [smem:$0x3FFE];
	[sflag:s23] =	ssyncadd.s32 $0xFFFFFFFF  }
0xa6: {  	s26 =	simm.s32 $execute0_lowered;
	[smem:$0x3FD2] =	sst s25  }
0xa7: {  	s6 =	sshll.u32 s26, $0x1;
	_ =	strace $0x80000046;
	[dreg:$0x1] =	wrdreg $0xFFFFFFFF  }
0xa8: {  	s28 =	simm.s32 $_size_execute0_lowered;
	s4 =	sadd.s32 s4, s6;
	[dreg:$0x0] =	wrdreg $0x0  }
0xa9: {  	s6 =	sshll.u32 s28, $0x1;
	[dreg:$0x2] =	wrdreg s4  }
0xaa: {  	[dreg:$0x3] =	wrdreg s6  }
0xab: {  	[dreg:$0x4] =	wrdreg $0xC0  }
0xac: {  	_ =	task [dreg:s8], $0x5FFFF  }
0xad: {  	[dreg:$0x1] =	wrdreg $0xFFFFFFFF  }
0xae: {  	[dreg:$0x0] =	wrdreg $0x60  }
0xaf: {  	[dreg:$0x2] =	wrdreg s24  }
0xb0: {  	[dreg:$0x3] =	wrdreg s2  }
0xb1: {  	[dreg:$0x4] =	wrdreg s18  }
0xb2: {  	[dreg:$0x5] =	wrdreg $0x9  }
0xb3: {  	_ =	task.clear_ibuf [dreg:s8], $0x6FFFF;
	_ =	strace $0x90000046  }
0xb4: {  	s29 =	simm.s32 $0x9;
	_ =	strace $0x80000048  }
0xb5: {  	_ =	swait.ge [sflag:s29], $0x1  }
0xb6: {  	[sflag:s29] =	ssyncadd.s32 $0xFFFFFFFF  }
0xb7: {  	_ =	strace $0x90000048  }
0xb8: {  	_ =	sfence  }
0xb9: {  	s30 =	sld [smem:$0x0];
	_ =	sdelay $0x2  }
0xba: {  	s31 =	sshll.u32 s1, $0xD;
	s1 =	sshrl.u32 s1, $0x2  }
0xbb: {  	s3 =	sand.u32 $0x4000, s31;
	s1 =	sadd.s32 s1, s30  }
0xbc: {  	s0 =	sor.u32 s3, s0;
	s1 =	sshll.u32 s1, $0x11  }
0xbd: {  	s0 =	sor.u32 s1, s0  }
0xbe: {  	s0 =	sadd.s32 $0x8F2B, s0  }
0xbf: {  	[sflag:s0] =	ssyncadd.remote.s32 $0x1  }
0xc0: {  	_ =	sfence.sel $0xFFFF  }
0xc1: {  	[dreg:$0x0] =	wrdreg $0xFFFFFFFF;
	(pc) =	sbr.abs _section_cstart, $3  }
0xc2: {  	[dreg:$0x1] =	wrdreg $0xFFFFFFFF  }
0xc3: {  	_ =	task.clear_ibuf [dreg:s8], $0x2FFFF;
	_ =	strace $0x9FFFFFFF  }
0xc4: {  	(tm) =	ssettm $0x7FFFFFFF  }
0xc5: {  	_ =	shalt  }
tec
execute0_lowered:
.L_overlay_start_1:
0x0: {  	(tag) =	ssettag $0x1  }
0x1: {  	s0 =	rddreg [dreg:$0x0]  }
0x2: {  	s1 =	rddreg [dreg:$0x1]  }
0x3: {  	s2 =	rddreg [dreg:$0x2]  }
0x4: {  	s3 =	simm.s32 $0x0;
	s28 =	srdreg.scid;
	s10 =	stileid.u32  }
0x5: {  	[smem:$0x7FF] =	sst s3;
	s4 =	sadd.s32 $0x2C00, s0;
	s6 =	sshll.u32 s10, $0x1  }
0x6: {  	_ =	strace $0x80000047;
	[dreg:$0x5] =	wrdreg s4;
	s4 =	sand.u32 $0x1, s28  }
0x7: {  	p0 =	slt.u32 s10, $0x8;
	s8 =	sadd.s32 $0xFFFFFFF0, s6;
	s29 =	ssub.s32 $0x2, s4  }
0x8: {  	s5 =	sadd.s32 $0x3800, s0;
	s8 =	smov.u32 @p0 s6;
	s7 =	sshrl.u32 s29, $0x1  }
0x9: {  	[dreg:$0x8] =	wrdreg s5;
	s31 =	sor.u32 s4, s8;
	s5 =	ssub.s32 s29, s7  }
0xa: {  	p0 =	seq.s32 s31, $0x7;
	s5 =	smax.u32 s5, $0x1  }
0xb: {  	[dreg:$0x9] =	wrdreg s5;
	s5 =	simm.s32 @!p0 $0x0  }
0xc: {  	s5 =	simm.s32 @p0 $0x1;
	p0 =	sgt.s32 s31, $0x7  }
0xd: {  	[smem:$0x7EF] =	sst s5;
	s5 =	simm.s32 @!p0 $0x0  }
0xe: {  	s5 =	simm.s32 @p0 $0x1;
	p0 =	seq.s32 s31, $0x6  }
0xf: {  	[smem:$0x7F0] =	sst s5;
	s5 =	simm.s32 @!p0 $0x0  }
0x10: {  	s5 =	simm.s32 @p0 $0x1;
	p0 =	sgt.s32 s31, $0x6  }
0x11: {  	[smem:$0x7F1] =	sst s5;
	s5 =	simm.s32 @!p0 $0x0  }
0x12: {  	s5 =	simm.s32 @p0 $0x1;
	p0 =	seq.s32 s31, $0x5  }
0x13: {  	s4 =	sor.u32 s10, s4;
	[smem:$0x7F2] =	sst s5;
	s5 =	simm.s32 @!p0 $0x0  }
0x14: {  	s5 =	simm.s32 @p0 $0x1;
	p0 =	sne.s32 s4, $0x0  }
0x15: {  	s30 =	sand.u32 $0xC, s10;
	s4 =	simm.s32 @!p0 $0x0  }
0x16: {  	s4 =	simm.s32 @p0 $0x1;
	p0 =	sne.s32 s30, $0x8  }
0x17: {  	s15 =	simm.s32 $0x3;
	[smem:$0x7F4] =	sst s4;
	s4 =	simm.s32 @!p0 $0x0  }
0x18: {  	s19 =	simm.s32 $0x2000;
	s4 =	simm.s32 @p0 $0x1;
	p0 =	sgt.s32 s31, $0x5  }
0x19: {  	s20 =	simm.s32 $0x3800;
	[smem:$0x7F5] =	sst s4;
	s4 =	simm.s32 @!p0 $0x0  }
0x1a: {  	s24 =	sadd.s32 $0x3200, s0;
	s4 =	simm.s32 @p0 $0x1;
	p0 =	seq.s32 s31, $0x4  }
0x1b: {  	s25 =	sadd.s32 $0x2E00, s0;
	[smem:$0x7F6] =	sst s4;
	s4 =	simm.s32 @!p0 $0x0  }
0x1c: {  	s26 =	sadd.s32 $0x3000, s0;
	s4 =	simm.s32 @p0 $0x1;
	p0 =	sgt.s32 s31, $0x4  }
0x1d: {  	s9 =	sadd.s32 $0x3400, s0;
	[smem:$0x7F7] =	sst s4;
	s4 =	simm.s32 @!p0 $0x0  }
0x1e: {  	s11 =	sadd.s32 $0x3A00, s0;
	s4 =	simm.s32 @p0 $0x1;
	p0 =	seq.s32 s31, $0x3  }
0x1f: {  	s12 =	sadd.s32 $0x100, s1;
	[smem:$0x7F8] =	sst s4;
	s4 =	simm.s32 @!p0 $0x0  }
0x20: {  	[dreg:$0x6] =	wrdreg s25;
	s4 =	simm.s32 @p0 $0x1;
	p0 =	sgt.s32 s31, $0x3  }
0x21: {  	s13 =	sadd.s32 $0x200, s1;
	[smem:$0x7F9] =	sst s4;
	s4 =	simm.s32 @!p0 $0x0  }
0x22: {  	[dreg:$0x7] =	wrdreg s26;
	s4 =	simm.s32 @p0 $0x1;
	p0 =	seq.s32 s31, $0x2  }
0x23: {  	p3 =	slt.u32 s10, $0x4;
	[smem:$0x7FA] =	sst s4;
	s4 =	simm.s32 @!p0 $0x0  }
0x24: {  	s25 =	simm.s32 $0x4;
	s4 =	simm.s32 @p0 $0x1;
	p0 =	sgt.s32 s31, $0x2  }
.Ltmp0:
0x25: {  	[smem:$0x7FB] =	sst s4;
	s4 =	simm.s32 @!p0 $0x0;
	(pc) =	sbr.rel .LBB2_1-.Ltmp0, $4  }
0x26: {  	v0 =	vlaneseq.u32;
	[dreg:$0x4] =	wrdreg s24;
	s4 =	simm.s32 @p0 $0x1;
	p0 =	seq.s32 s31, $0x1  }
0x27: {  	v2 =	vimm.s32 $0x0;
	vm0 =	vmmov $0xffff;
	v3 =	vadd.s32 $0x1, v0;
	s26 =	simm.s32 $0x0;
	[smem:$0x7FC] =	sst s4;
	s4 =	simm.s32 @!p0 $0x0  }
0x28: {  	v4 =	vadd.s32 $0x11, v0;
	v5 =	vand.u32 $0x7, v0;
	v6 =	vshrl.u32 v0, $0x3;
	p1 =	seq.s32 s31, $0x0;
	[smem:$0x7F3] =	sst s5;
	s4 =	simm.s32 @p0 $0x1  }
0x29: {  	v7 =	vor.u32 $0x8, v0;
	v6 =	vmul.u32 $0x8, v6;
	p2 =	sgt.s32 s31, $0x0;
	v1 =	vmov s31;
	p0 =	sgt.s32 s31, $0x1;
	[smem:$0x7FD] =	sst s4  }
.LBB2_33:
0x2a: {  	s26 =	sadd.s32 $0x1, s26;
	s0 =	rddreg [dreg:$0x9]  }
0x2b: {  	p4 =	sne.s32 s26, s0  }
.Ltmp1:
0x2c: {  	_ = 	snop;
	(pc) =	sbr.rel @!p4 .LBB2_34-.Ltmp1, $1  }
0x2d: {  	_ =	sdelay $0x3  }
.LBB2_1:
0x2e: {  	[tilespmem:s3], [sflag:$0x3] =	stream.linear.gather [hbm4b:s24+s3], $0x800, $0x38;
	[tilespmem:$0x1D180] =	vst v63  }
0x2f: {  	_ =	swait.ge [sflag:s15], $0x800  }
0x30: {  	[sflag:s15] =	ssyncset.done $0x0  }
0x31: {  	s4 =	simm.s32 $0x800;
	s0 =	rddreg [dreg:$0x5];
	[sflag:s15] =	ssyncadd.s32 $0xFFFFF800  }
0x32: {  	[tilespmem:s4], [sflag:$0x3] =	stream.linear.gather [hbm4b:s0+s3], $0x800, $0x38;
	[tilespmem:$0x1D180] =	vst v63  }
0x33: {  	_ =	swait.ge [sflag:s15], $0x800  }
0x34: {  	[sflag:s15] =	ssyncset.done $0x0  }
0x35: {  	s28 =	simm.s32 $0x1000;
	s23 =	rddreg [dreg:$0x6];
	[sflag:s15] =	ssyncadd.s32 $0xFFFFF800  }
0x36: {  	[tilespmem:s28], [sflag:$0x3] =	stream.linear.gather [hbm4b:s23+s3], $0x800, $0x38;
	[tilespmem:$0x1D180] =	vst v63  }
0x37: {  	_ =	swait.ge [sflag:s15], $0x800  }
0x38: {  	[sflag:s15] =	ssyncset.done $0x0  }
0x39: {  	s30 =	simm.s32 $0x1800;
	s29 =	rddreg [dreg:$0x7];
	[sflag:s15] =	ssyncadd.s32 $0xFFFFF800  }
0x3a: {  	[tilespmem:s30], [sflag:$0x3] =	stream.linear.gather [hbm4b:s29+s3], $0x800, $0x38;
	[tilespmem:$0x1D180] =	vst v63  }
0x3b: {  	_ =	swait.ge [sflag:s15], $0x800  }
0x3c: {  	[sflag:s15] =	ssyncset.done $0x0  }
0x3d: {  	s31 =	simm.s32 $0x0;
	[sflag:s15] =	ssyncadd.s32 $0xFFFFF800  }
0x3e: {  	v8 =	vld [tilespmem:s31+$0x10];
	_ =	sdelay $0x1  }
0x3f: {  	v9 =	vld [tilespmem:s31+$0x0]  }
0x40: {  	v15 =	vimm.s32 $0x0;
	v14 =	vimm.s32 $0x0  }
0x41: {  	v13 =	vimm.s32 $0x0;
	v12 =	vimm.s32 $0x0;
	v11 =	vimm.s32 $0x0  }
0x42: {  	v10 =	vimm.s32 $0x0;
	vm2 =	veq.s32 v8, $0x0;
	vm12 =	veq.s32 v8, $0x1  }
0x43: {  	vm13 =	veq.s32 v8, $0x2;
	vm14 =	veq.s32 v8, $0x3;
	vm15 =	veq.s32 v8, $0x4  }
0x44: {  	vm8 =	veq.s32 v8, $0x5;
	vm6 =	veq.s32 v9, $0x0;
	vm10 =	veq.s32 v8, $0x6  }
0x45: {  	vm1 =	veq.s32 v8, $0x7;
	vm11 =	veq.s32 v9, $0x1;
	vm9 =	veq.s32 v9, $0x2  }
0x46: {  	vm7 =	veq.s32 v9, $0x3;
	vm5 =	veq.s32 v9, $0x4;
	vm4 =	veq.s32 v9, $0x5  }
0x47: {  	vm3 =	veq.s32 v9, $0x6;
	v8 =	vimm.s32 $0x0;
	v20 =	vsel vm2, $0x1, v2  }
0x48: {  	v19 =	vsel vm12, $0x1, v2;
	vm2 =	veq.s32 v9, $0x7;
	v18 =	vsel vm13, $0x1, v2  }
0x49: {  	s0 =	simm.s32 $0x80;
	v17 =	vsel vm14, $0x1, v2;
	v16 =	vsel vm15, $0x1, v2;
	v9 =	vimm.s32 $0x0  }
.LBB2_2:
0x4a: {  	p4 =	sne.s32 s0, $0x3F80;
	v21 =	vsel vm8, $0x1, v2;
	v22 =	vsel vm10, $0x1, v2;
	v23 =	vsel vm1, $0x1, v2  }
0x4b: {  	v24 =	vsel vm6, $0x1, v2;
	v25 =	vsel vm11, $0x1, v2;
	v26 =	vsel vm9, $0x1, v2  }
0x4c: {  	v27 =	vsel vm7, $0x1, v2;
	v28 =	vsel vm5, $0x1, v2;
	v29 =	vsel vm4, $0x1, v2  }
0x4d: {  	s4 =	sshra.s32 s0, $0x2;
	v15 =	vadd.s32 v24, v15;
	v14 =	vadd.s32 v25, v14;
	v24 =	vsel vm3, $0x1, v2  }
0x4e: {  	v15 =	vadd.s32 v20, v15;
	v14 =	vadd.s32 v19, v14;
	v19 =	vsel vm2, $0x1, v2;
	v25 =	vld [tilespmem:s4+$0x10]  }
0x4f: {  	v13 =	vadd.s32 v26, v13;
	v12 =	vadd.s32 v27, v12;
	v11 =	vadd.s32 v28, v11  }
0x50: {  	v13 =	vadd.s32 v18, v13;
	v12 =	vadd.s32 v17, v12;
	v11 =	vadd.s32 v16, v11;
	v26 =	vld [tilespmem:s4+$0x0]  }
0x51: {  	v10 =	vadd.s32 v29, v10;
	v9 =	vadd.s32 v24, v9;
	v8 =	vadd.s32 v19, v8  }
0x52: {  	v10 =	vadd.s32 v21, v10;
	v9 =	vadd.s32 v22, v9;
	v8 =	vadd.s32 v23, v8  }
0x53: {  	vm2 =	veq.s32 v25, $0x0;
	vm12 =	veq.s32 v25, $0x1;
	vm13 =	veq.s32 v25, $0x2  }
0x54: {  	vm14 =	veq.s32 v25, $0x3;
	vm15 =	veq.s32 v25, $0x4;
	vm8 =	veq.s32 v25, $0x5  }
.Ltmp2:
0x55: {  	vm10 =	veq.s32 v25, $0x6;
	vm1 =	veq.s32 v25, $0x7;
	vm6 =	veq.s32 v26, $0x0;
	(pc) =	sbr.rel @p4 .LBB2_2-.Ltmp2, $4  }
0x56: {  	vm11 =	veq.s32 v26, $0x1;
	vm9 =	veq.s32 v26, $0x2;
	vm7 =	veq.s32 v26, $0x3  }
0x57: {  	vm5 =	veq.s32 v26, $0x4;
	vm4 =	veq.s32 v26, $0x5;
	vm3 =	veq.s32 v26, $0x6  }
0x58: {  	v20 =	vsel vm2, $0x1, v2;
	v19 =	vsel vm12, $0x1, v2;
	vm2 =	veq.s32 v26, $0x7  }
0x59: {  	s0 =	sadd.s32 $0x80, s0;
	v18 =	vsel vm13, $0x1, v2;
	v17 =	vsel vm14, $0x1, v2;
	v16 =	vsel vm15, $0x1, v2  }
0x5a: {  	v21 =	vsel vm8, $0x1, v2;
	v22 =	vsel vm6, $0x1, v2  }
0x5b: {  	v23 =	vsel vm10, $0x1, v2;
	v24 =	vsel vm11, $0x1, v2;
	v15 =	vadd.s32 v22, v15  }
0x5c: {  	v53 =	vsel vm9, $0x1, v2;
	v14 =	vadd.s32 v24, v14;
	v15 =	vadd.s32 v20, v15  }
0x5d: {  	v54 =	vsel vm7, $0x1, v2;
	v13 =	vadd.s32 v53, v13;
	v14 =	vadd.s32 v19, v14;
	(xrf0) =	vadd.scan.msk.s32 $0xffff, v15  }
0x5e: {  	v55 =	vsel vm5, $0x1, v2;
	v12 =	vadd.s32 v54, v12;
	v13 =	vadd.s32 v18, v13;
	(xrf0) =	vadd.scan.msk.s32 $0xffff, v14  }
0x5f: {  	v56 =	vsel vm4, $0x1, v2;
	v57 =	vsel vm3, $0x1, v2;
	v12 =	vadd.s32 v17, v12;
	(xrf0) =	vadd.scan.msk.s32 $0xffff, v13  }
0x60: {  	v58 =	vsel vm2, $0x1, v2;
	v59 =	vsel vm1, $0x1, v2;
	v11 =	vadd.s32 v55, v11;
	(xrf0) =	vadd.scan.msk.s32 $0xffff, v12  }
0x61: {  	v10 =	vadd.s32 v56, v10;
	v8 =	vadd.s32 v58, v8;
	v11 =	vadd.s32 v16, v11  }
0x62: {  	v9 =	vadd.s32 v57, v9;
	v10 =	vadd.s32 v21, v10;
	v8 =	vadd.s32 v59, v8;
	(xrf0) =	vadd.scan.msk.s32 $0xffff, v11  }
0x63: {  	v9 =	vadd.s32 v23, v9;
	(xrf0) =	vadd.scan.msk.s32 $0xffff, v10;
	v60, _, _ =	vpop (xrf0)  }
0x64: {  	(xrf0) =	vadd.scan.msk.s32 $0xffff, v9;
	(v2sf) =	vpush v60, $0xF;
	v61, _, _ =	vpop (xrf0)  }
0x65: {  	(xrf0) =	vadd.scan.msk.s32 $0xffff, v8;
	v8, _, _ =	vpop (xrf0);
	(v2sf) =	vpush v61, $0xF  }
0x66: {  	v62, _, _ =	vpop (xrf0);
	(v2sf) =	vpush v8, $0xF  }
0x67: {  	(v2sf) =	vpush v62, $0xF;
	_ =	sdelay $0x2  }
0x68: {  	v8, _, _ =	vpop (xrf0)  }
0x69: {  	(v2sf) =	vpush v8, $0xF  }
0x6a: {  	v63, _, _ =	vpop (xrf0)  }
0x6b: {  	v8, _, _ =	vpop (xrf0);
	(v2sf) =	vpush v63, $0xF  }
0x6c: {  	(v2sf) =	vpush v8, $0xF;
	_ =	sdelay $0x1  }
0x6d: {  	s30 =	sld [smem:$0x7FD];
	v8, _, _ =	vpop (xrf0)  }
0x6e: {  	(v2sf) =	vpush v8, $0xF;
	_ =	sdelay $0x1  }
0x6f: {  	p4 =	seq.s32 s30, $0x1;
	s0 =	spop (v2sf)  }
0x70: {  	s30 =	sld [smem:$0x7FC];
	s4 =	spop (v2sf);
	s0 =	sadd.s32 $0xFF, s0  }
0x71: {  	s5 =	spop (v2sf);
	s4 =	sadd.s32 $0xFF, s4;
	s29 =	sshrl.u32 s0, $0x8  }
0x72: {  	s0 =	sand.u32 $0xFFFFFF00, s0;
	s6 =	spop (v2sf);
	s28 =	sshrl.u32 s4, $0x8  }
0x73: {  	s5 =	sadd.s32 $0xFF, s5;
	s0 =	simm.s32 @!p2 $0x0;
	s4 =	sand.u32 $0xFFFFFF00, s4  }
0x74: {  	s22 =	sshrl.u32 s5, $0x8;
	[dreg:$0x10] =	wrdreg s28;
	s4 =	simm.s32 @!p0 $0x0  }
0x75: {  	s28 =	simm.s32 @!p4 $0x0;
	s5 =	sand.u32 $0xFFFFFF00, s5;
	p4 =	seq.s32 s30, $0x1  }
0x76: {  	s7 =	spop (v2sf);
	s0 =	sadd.s32 s0, s4;
	s5 =	simm.s32 @!p4 $0x0  }
0x77: {  	s6 =	sadd.s32 $0xFF, s6;
	s0 =	sadd.s32 s5, s0;
	s5 =	sld [smem:$0x7FB]  }
0x78: {  	s10 =	spop (v2sf);
	s18 =	sadd.s32 $0xFF, s7;
	s31 =	sshrl.u32 s6, $0x8  }
0x79: {  	s7 =	smov.u32 s29;
	s30 =	smov.u32 s22;
	s16 =	spop (v2sf)  }
0x7a: {  	p4 =	seq.s32 s5, $0x1;
	s5 =	sand.u32 $0xFFFFFF00, s6;
	s6 =	sld [smem:$0x7FA]  }
0x7b: {  	s23 =	sshrl.u32 s18, $0x8;
	s10 =	sadd.s32 $0xFF, s10;
	s7 =	simm.s32 @!p1 $0x0  }
0x7c: {  	[dreg:$0xf] =	wrdreg s31;
	s17 =	spop (v2sf);
	s30 =	simm.s32 @!p4 $0x0  }
0x7d: {  	p4 =	seq.s32 s6, $0x1;
	s6 =	sand.u32 $0xFFFFFF00, s18;
	s18 =	sld [smem:$0x7F8]  }
0x7e: {  	s21 =	sshrl.u32 s10, $0x8;
	s16 =	sadd.s32 $0xFF, s16;
	s5 =	simm.s32 @!p4 $0x0  }
0x7f: {  	s4 =	sadd.s32 s7, s28;
	[dreg:$0xe] =	wrdreg s23;
	s0 =	sadd.s32 s5, s0  }
0x80: {  	s5 =	sand.u32 $0xFFFFFF00, s10;
	s10 =	sld [smem:$0x7F6];
	p4 =	seq.s32 s18, $0x1  }
0x81: {  	s17 =	sadd.s32 $0xFF, s17;
	s14 =	sshrl.u32 s16, $0x8;
	s6 =	simm.s32 @!p4 $0x0  }
0x82: {  	[dreg:$0xd] =	wrdreg s21;
	s8 =	sshrl.u32 s17, $0x8;
	s0 =	sadd.s32 s6, s0  }
0x83: {  	p4 =	seq.s32 s10, $0x1;
	s6 =	sand.u32 $0xFFFFFF00, s16;
	s16 =	sld [smem:$0x7F2]  }
0x84: {  	s4 =	sadd.s32 s30, s4;
	s18 =	sld [smem:$0x7F9];
	s5 =	simm.s32 @!p4 $0x0  }
0x85: {  	s5 =	sadd.s32 s5, s0;
	s0 =	smov.u32 s23;
	s23 =	sld [smem:$0x7F0]  }
0x86: {  	s10 =	sand.u32 $0xFFFFFF00, s17;
	s17 =	sld [smem:$0x7F3];
	p4 =	seq.s32 s16, $0x1  }
0x87: {  	s16 =	sld [smem:$0x7F7];
	s6 =	simm.s32 @!p4 $0x0;
	p4 =	seq.s32 s18, $0x1  }
0x88: {  	s31 =	simm.s32 @!p4 $0x0;
	s5 =	sadd.s32 s6, s5;
	p4 =	seq.s32 s23, $0x1  }
0x89: {  	s6 =	smov.u32 s21;
	s21 =	smov.u32 s14;
	s10 =	simm.s32 @!p4 $0x0  }
0x8a: {  	s4 =	sadd.s32 s31, s4;
	p4 =	seq.s32 s16, $0x1;
	s16 =	sld [smem:$0x7F1]  }
0x8b: {  	s0 =	simm.s32 @!p4 $0x0;
	s23 =	sadd.s32 s10, s5;
	p4 =	seq.s32 s17, $0x1  }
0x8c: {  	s17 =	sld [smem:$0x7EF];
	s4 =	sadd.s32 s0, s4;
	s6 =	simm.s32 @!p4 $0x0  }
.Ltmp3:
0x8d: {  	s18 =	sshra.s32 s23, $0x1F;
	s4 =	sadd.s32 s6, s4;
	(pc) =	sbr.rel @!p3 .LBB2_4-.Ltmp3, $4  }
0x8e: {  	p4 =	seq.s32 s16, $0x1;
	s16 =	smov.u32 s8;
	s5 =	sshrl.u32 s18, $0x1A  }
0x8f: {  	s21 =	simm.s32 @!p4 $0x0;
	p4 =	seq.s32 s17, $0x1;
	s5 =	sadd.s32 s5, s23  }
0x90: {  	s4 =	sadd.s32 s21, s4;
	s16 =	simm.s32 @!p4 $0x0;
	s18 =	sshra.s32 s5, $0x6  }
0x91: {  	s10 =	sadd.s32 s16, s4;
	[dreg:$0xa] =	wrdreg s18  }
0x92: {  	p4 =	sne.s32 s10, $0x0  }
0x93: {  	s4 =	sshll.u32 @p4 s10, $0x8  }
0x94: {  	v8 =	vimm.s32 @p4 $0x0;
	s4 =	sadd.s32 @p4 s4, s23  }
0x95: {  	v9 =	vimm.f32 @p4 $0.0e+00;
	[tilespmem:s4+$0x1F00] =	vst @p4 v8  }
0x96: {  	[tilespmem:s4+$0x3700] =	vst @p4 v9  }
0x97: {  	[tilespmem:s4+$0x1F10] =	vst @p4 v8  }
0x98: {  	[tilespmem:s4+$0x3710] =	vst @p4 v9  }
0x99: {  	[tilespmem:s4+$0x1F20] =	vst @p4 v8  }
0x9a: {  	[tilespmem:s4+$0x3720] =	vst @p4 v9  }
0x9b: {  	[tilespmem:s4+$0x1F30] =	vst @p4 v8  }
0x9c: {  	[tilespmem:s4+$0x3730] =	vst @p4 v9  }
0x9d: {  	[tilespmem:s4+$0x1F40] =	vst @p4 v8  }
0x9e: {  	[tilespmem:s4+$0x3740] =	vst @p4 v9  }
0x9f: {  	[tilespmem:s4+$0x1F50] =	vst @p4 v8  }
0xa0: {  	[tilespmem:s4+$0x3750] =	vst @p4 v9  }
0xa1: {  	[tilespmem:s4+$0x1F60] =	vst @p4 v8  }
0xa2: {  	[tilespmem:s4+$0x3760] =	vst @p4 v9  }
0xa3: {  	[tilespmem:s4+$0x1F70] =	vst @p4 v8  }
0xa4: {  	[tilespmem:s4+$0x3770] =	vst @p4 v9  }
0xa5: {  	[tilespmem:s4+$0x1F80] =	vst @p4 v8  }
0xa6: {  	[tilespmem:s4+$0x3780] =	vst @p4 v9  }
0xa7: {  	[tilespmem:s4+$0x1F90] =	vst @p4 v8  }
0xa8: {  	[tilespmem:s4+$0x3790] =	vst @p4 v9  }
0xa9: {  	[tilespmem:s4+$0x1FA0] =	vst @p4 v8  }
0xaa: {  	[tilespmem:s4+$0x37A0] =	vst @p4 v9  }
0xab: {  	[tilespmem:s4+$0x1FB0] =	vst @p4 v8  }
0xac: {  	[tilespmem:s4+$0x37B0] =	vst @p4 v9  }
0xad: {  	[tilespmem:s4+$0x1FC0] =	vst @p4 v8  }
0xae: {  	[tilespmem:s4+$0x37C0] =	vst @p4 v9  }
0xaf: {  	[tilespmem:s4+$0x1FD0] =	vst @p4 v8  }
0xb0: {  	[tilespmem:s4+$0x37D0] =	vst @p4 v9  }
0xb1: {  	[tilespmem:s4+$0x1FE0] =	vst @p4 v8  }
0xb2: {  	[tilespmem:s4+$0x37E0] =	vst @p4 v9  }
0xb3: {  	[tilespmem:s4+$0x1FF0] =	vst @p4 v8  }
0xb4: {  	s18 =	simm.s32 $0x10;
	[tilespmem:s4+$0x37F0] =	vst @p4 v9  }
0xb5: {  	v8 =	vld [tilespmem:s18+$0xFFFFFFF0];
	_ =	sdelay $0x4  }
0xb6: {  	vm1 =	veq.s32 v8, v1  }
0xb7: {  	v8 =	vsel vm1, $0x1, v2  }
0xb8: {  	(xrf0) =	vadd.scan.msk.s32 $0xffff, v8;
	_ =	sdelay $0x1  }
0xb9: {  	s17 =	sadd.s32 $0x0, s23  }
0xba: {  	v8 =	vmov s17  }
0xbb: {  	v8 =	vadd.s32 $0xFFFFFFFF, v8  }
0xbc: {  	v8 =	vbroadcast v8, $0x0  }
0xbd: {  	v56, _, _ =	vpop (xrf0)  }
0xbe: {  	s24 =	simm.s32 $0x1010;
	v8 =	vadd.s32 v56, v8;
	v9 =	vxor.u32 $0x80000000, v56  }
0xbf: {  	v10 =	vld [tilespmem:s24+$0xFFFFFFF0];
	(xrf0) =	vmax.scan.msk.u32 $0xffff, v9  }
0xc0: {  	s5 =	simm.s32 $0x0  }
0xc1: {  	v57 =	vor.u32 s5, v0  }
0xc2: {  	v9 =	vand.u32 $0x7EF, v57  }
0xc3: {  	[tilespmem:v8+s19+$0x0] =	vst.idx.msk vm1, v9  }
0xc4: {  	[tilespmem:v8+s20+$0x0] =	vst.idx.msk vm1, v10  }
0xc5: {  	v8 =	vld [tilespmem:s18+$0x0];
	v58, _, _ =	vpop (xrf0)  }
0xc6: {  	(v2sf) =	vpush v58, $0xF;
	_ =	sdelay $0x3  }
0xc7: {  	vm1 =	veq.s32 v8, v1  }
0xc8: {  	v8 =	vsel vm1, $0x1, v2  }
0xc9: {  	(xrf0) =	vadd.scan.msk.s32 $0xffff, v8;
	_ =	sdelay $0x5  }
0xca: {  	v8, _, _ =	vpop (xrf0)  }
0xcb: {  	v59 =	vxor.u32 $0x80000000, v8  }
0xcc: {  	(xrf0) =	vmax.scan.msk.u32 $0xffff, v59  }
0xcd: {  	s5 =	spop (v2sf)  }
0xce: {  	s4 =	sadd.s32 $0x0, s5  }
0xcf: {  	s5 =	sadd.s32 $0x80000000, s4  }
0xd0: {  	s4 =	sadd.s32 s23, s5  }
0xd1: {  	v60 =	vmov s4  }
0xd2: {  	v9 =	vadd.s32 $0xFFFFFFFF, v60;
	v61, _, _ =	vpop (xrf0)  }
0xd3: {  	v9 =	vbroadcast v9, $0x0;
	(v2sf) =	vpush v61, $0xF;
	_ =	sdelay $0x1  }
0xd4: {  	v8 =	vadd.s32 v8, v9  }
0xd5: {  	v62 =	vld [tilespmem:s24+$0x0]  }
0xd6: {  	[dreg:$0xb] =	wrdreg s8;
	s8 =	simm.s32 $0x10  }
0xd7: {  	v63 =	vor.u32 s8, v0  }
0xd8: {  	v10 =	vand.u32 $0x7FF, v63  }
0xd9: {  	[tilespmem:v8+s19+$0x0] =	vst.idx.msk vm1, v10  }
0xda: {  	s18 =	simm.s32 $0x30;
	[tilespmem:v8+s20+$0x0] =	vst.idx.msk vm1, v62  }
0xdb: {  	v8 =	vld [tilespmem:s18+$0xFFFFFFF0];
	_ =	sdelay $0x4  }
0xdc: {  	vm1 =	veq.s32 v8, v1  }
0xdd: {  	[dreg:$0xc] =	wrdreg s14;
	v8 =	vsel vm1, $0x1, v2;
	s14 =	spop (v2sf)  }
0xde: {  	s17 =	simm.s32 $0x20;
	s4 =	simm.s32 $0x40;
	(xrf0) =	vadd.scan.msk.s32 $0xffff, v8;
	s5 =	sadd.s32 s14, s5  }
.LBB2_15:
0xdf: {  	p4 =	seq.s32 s4, $0xFE0;
	s8 =	sadd.s32 $0x80000000, s5;
	s24 =	sadd.s32 $0x20, s24  }
0xe0: {  	s5 =	smov.u32 s4;
	s4 =	sadd.s32 $0x20, s4;
	s14 =	sadd.s32 s23, s8  }
0xe1: {  	v8 =	vmov s14  }
0xe2: {  	v8 =	vadd.s32 $0xFFFFFFFF, v8  }
0xe3: {  	v8 =	vbroadcast v8, $0x0  }
0xe4: {  	v9, _, _ =	vpop (xrf0)  }
0xe5: {  	v8 =	vadd.s32 v9, v8;
	v9 =	vxor.u32 $0x80000000, v9  }
0xe6: {  	v10 =	vld [tilespmem:s24+$0xFFFFFFF0];
	(xrf0) =	vmax.scan.msk.u32 $0xffff, v9;
	_ =	sdelay $0x1  }
0xe7: {  	v9 =	vor.u32 s17, v0  }
0xe8: {  	v9 =	vand.u32 $0x7EF, v9  }
0xe9: {  	[tilespmem:v8+s19+$0x0] =	vst.idx.msk vm1, v9  }
0xea: {  	[tilespmem:v8+s20+$0x0] =	vst.idx.msk vm1, v10  }
0xeb: {  	v8 =	vld [tilespmem:s18+$0x0];
	v9, _, _ =	vpop (xrf0)  }
0xec: {  	(v2sf) =	vpush v9, $0xF;
	_ =	sdelay $0x3  }
0xed: {  	vm1 =	veq.s32 v8, v1  }
0xee: {  	v8 =	vsel vm1, $0x1, v2  }
0xef: {  	(xrf0) =	vadd.scan.msk.s32 $0xffff, v8;
	_ =	sdelay $0x5  }
0xf0: {  	v8, _, _ =	vpop (xrf0)  }
0xf1: {  	v9 =	vxor.u32 $0x80000000, v8  }
0xf2: {  	(xrf0) =	vmax.scan.msk.u32 $0xffff, v9  }
0xf3: {  	s14 =	spop (v2sf)  }
0xf4: {  	s8 =	sadd.s32 s14, s8  }
0xf5: {  	s8 =	sadd.s32 $0x80000000, s8  }
0xf6: {  	s14 =	sadd.s32 s23, s8  }
0xf7: {  	v9 =	vmov s14  }
0xf8: {  	v9 =	vadd.s32 $0xFFFFFFFF, v9;
	v10, _, _ =	vpop (xrf0)  }
0xf9: {  	v9 =	vbroadcast v9, $0x0;
	(v2sf) =	vpush v10, $0xF;
	_ =	sdelay $0x1  }
0xfa: {  	v8 =	vadd.s32 v8, v9  }
0xfb: {  	v9 =	vld [tilespmem:s24+$0x0]  }
0xfc: {  	s14 =	sadd.s32 $0x10, s17;
	s17 =	smov.u32 s5  }
0xfd: {  	v10 =	vor.u32 s14, v0  }
0xfe: {  	v10 =	vand.u32 $0x7FF, v10  }
0xff: {  	[tilespmem:v8+s19+$0x0] =	vst.idx.msk vm1, v10  }
0x100: {  	s18 =	sadd.s32 $0x20, s18;
	[tilespmem:v8+s20+$0x0] =	vst.idx.msk vm1, v9  }
0x101: {  	v8 =	vld [tilespmem:s18+$0xFFFFFFF0];
	_ =	sdelay $0x2  }
.Ltmp4:
0x102: {  	(pc) =	sbr.rel @!p4 .LBB2_15-.Ltmp4, $4  }
0x103: {  	_ = 	snop  }
0x104: {  	vm1 =	veq.s32 v8, v1  }
0x105: {  	v8 =	vsel vm1, $0x1, v2;
	s5 =	spop (v2sf)  }
0x106: {  	(xrf0) =	vadd.scan.msk.s32 $0xffff, v8;
	s5 =	sadd.s32 s5, s8  }
0x107: {  	s4 =	sadd.s32 $0x80000000, s5  }
0x108: {  	s5 =	sadd.s32 s23, s4  }
0x109: {  	v8 =	vmov s5  }
0x10a: {  	v8 =	vadd.s32 $0xFFFFFFFF, v8  }
0x10b: {  	v8 =	vbroadcast v8, $0x0  }
0x10c: {  	v9, _, _ =	vpop (xrf0)  }
0x10d: {  	s14 =	sadd.s32 $0x20, s24;
	v8 =	vadd.s32 v9, v8  }
0x10e: {  	v10 =	vld [tilespmem:s14+$0xFFFFFFF0];
	_ =	sdelay $0x1  }
0x10f: {  	v11 =	vor.u32 s17, v0  }
0x110: {  	v11 =	vand.u32 $0x7EF, v11  }
0x111: {  	[tilespmem:v8+s19+$0x0] =	vst.idx.msk vm1, v11  }
0x112: {  	[tilespmem:v8+s20+$0x0] =	vst.idx.msk vm1, v10  }
0x113: {  	v8 =	vxor.u32 $0x80000000, v9;
	v58 =	vld [tilespmem:s18+$0x0]  }
0x114: {  	(xrf0) =	vmax.scan.msk.u32 $0xffff, v8;
	_ =	sdelay $0x3  }
0x115: {  	vm1 =	veq.s32 v58, v1  }
0x116: {  	v8 =	vsel vm1, $0x1, v2  }
0x117: {  	v59, _, _ =	vpop (xrf0);
	(xrf0) =	vadd.scan.msk.s32 $0xffff, v8  }
0x118: {  	(v2sf) =	vpush v59, $0xF;
	_ =	sdelay $0x4  }
0x119: {  	v8, _, _ =	vpop (xrf0)  }
0x11a: {  	v60 =	vxor.u32 $0x80000000, v8  }
0x11b: {  	(xrf0) =	vmax.scan.msk.u32 $0xffff, v60;
	_ =	sdelay $0x5  }
0x11c: {  	v9, _, _ =	vpop (xrf0)  }
0x11d: {  	(v2sf) =	vpush v9, $0xF  }
0x11e: {  	s8 =	spop (v2sf)  }
0x11f: {  	s4 =	sadd.s32 s8, s4  }
0x120: {  	s4 =	sadd.s32 $0x80000000, s4  }
0x121: {  	s4 =	sadd.s32 s23, s4  }
0x122: {  	v61 =	vmov s4  }
0x123: {  	v9 =	vadd.s32 $0xFFFFFFFF, v61  }
0x124: {  	v9 =	vbroadcast v9, $0x0;
	_ =	sdelay $0x1  }
0x125: {  	v8 =	vadd.s32 v8, v9  }
0x126: {  	v62 =	vld [tilespmem:s14+$0x0]  }
0x127: {  	s18 =	sadd.s32 $0x10, s17  }
0x128: {  	v63 =	vor.u32 s18, v0  }
0x129: {  	v10 =	vand.u32 $0x7FF, v63  }
0x12a: {  	[tilespmem:v8+s19+$0x0] =	vst.idx.msk vm1, v10  }
0x12b: {  	[tilespmem:v8+s20+$0x0] =	vst.idx.msk vm1, v62;
	s24 =	spop (v2sf)  }
0x12c: {  	p4 =	seq.s32 s10, $0x0  }
.Ltmp5:
0x12d: {  	_ = 	snop;
	(pc) =	sbr.rel @p4 .LBB2_10-.Ltmp5, $3  }
0x12e: {  	_ =	sdelay $0x1  }
0x12f: {  	s24 =	rddreg [dreg:$0x4]  }
0x130: {  	s14 =	rddreg [dreg:$0xb]  }
0x131: {  	p5 =	sgt.u32 s10, $0x1  }
.Ltmp6:
0x132: {  	_ = 	snop;
	(pc) =	sbr.rel @!p5 .LBB2_9-.Ltmp6, $4  }
0x133: {  	_ = 	snop  }
0x134: {  	s4 =	sshll.u32 s23, $0x2  }
0x135: {  	s17 =	sshrl.u32 s23, $0x3;
	s5 =	sshra.s32 s4, $0x2  }
0x136: {  	p6 =	por $0x0, $0x0;
	s4 =	sadd.s32 $0x3800, s5;
	s5 =	sadd.s32 $0x2000, s5  }
0x137: {  	s8 =	sadd.s32 s2, s17  }
0x138: {  	[hbm4b:s8+s3] =	stream.linear.scatter [tilespmem:s5], [sflag:$0x3], $0x100, $0x38;
	[tilespmem:$0x1D180] =	vst v63  }
0x139: {  	p5 =	sgt.u32 s10, $0x2;
	_ =	swait.ge [sflag:s15], $0x100  }
.Ltmp7:
0x13a: {  	s18 =	sadd.s32 s9, s17;
	[sflag:s15] =	ssyncset.done $0x0;
	(pc) =	sbr.rel @!p5 .LBB2_9-.Ltmp7, $4  }
0x13b: {  	s23 =	sadd.s32 $0x100, s23;
	p6 =	por $0x1, $0x1;
	[sflag:s15] =	ssyncadd.s32 $0xFFFFFF00  }
0x13c: {  	[hbm4b:s18+s3] =	stream.linear.scatter [tilespmem:s4], [sflag:$0x3], $0x100, $0x38;
	[tilespmem:$0x1D180] =	vst v63  }
0x13d: {  	s5 =	sadd.s32 $0x100, s5;
	s17 =	sshrl.u32 s23, $0x3;
	_ =	swait.ge [sflag:s15], $0x100  }
0x13e: {  	s18 =	simm.s32 $0x2;
	s4 =	sadd.s32 $0x100, s4;
	[sflag:s15] =	ssyncset.done $0x0  }
.LBB2_8:
0x13f: {  	s18 =	sadd.s32 $0x1, s18;
	s8 =	sadd.s32 s2, s17;
	[sflag:s15] =	ssyncadd.s32 $0xFFFFFF00  }
0x140: {  	[hbm4b:s8+s3] =	stream.linear.scatter [tilespmem:s5], [sflag:$0x3], $0x100, $0x38;
	[tilespmem:$0x1D180] =	vst v63  }
0x141: {  	p5 =	slt.u32 s18, s10;
	_ =	swait.ge [sflag:s15], $0x100  }
.Ltmp8:
0x142: {  	[sflag:s15] =	ssyncset.done $0x0;
	(pc) =	sbr.rel @p5 .LBB2_8-.Ltmp8, $4  }
0x143: {  	s8 =	sadd.s32 s9, s17;
	[sflag:s15] =	ssyncadd.s32 $0xFFFFFF00  }
0x144: {  	[hbm4b:s8+s3] =	stream.linear.scatter [tilespmem:s4], [sflag:$0x3], $0x100, $0x38;
	[tilespmem:$0x1D180] =	vst v63  }
0x145: {  	s23 =	sadd.s32 $0x100, s23;
	s5 =	sadd.s32 $0x100, s5;
	_ =	swait.ge [sflag:s15], $0x100  }
0x146: {  	s17 =	sshrl.u32 s23, $0x3;
	s4 =	sadd.s32 $0x100, s4;
	[sflag:s15] =	ssyncset.done $0x0  }
.LBB2_9:
0x147: {  	s8 =	sadd.s32 s2, s17;
	[sflag:s15] =	ssyncadd.s32 @p6 $0xFFFFFF00  }
0x148: {  	[hbm4b:s8+s3] =	stream.linear.scatter [tilespmem:s5], [sflag:$0x3], $0x100, $0x38;
	[tilespmem:$0x1D180] =	vst v63  }
0x149: {  	_ =	swait.ge [sflag:s15], $0x100  }
0x14a: {  	[sflag:s15] =	ssyncset.done $0x0  }
0x14b: {  	s23 =	sadd.s32 s9, s17;
	[sflag:s15] =	ssyncadd.s32 $0xFFFFFF00  }
0x14c: {  	[hbm4b:s23+s3] =	stream.linear.scatter [tilespmem:s4], [sflag:$0x3], $0x100, $0x38;
	[tilespmem:$0x1D180] =	vst v63  }
0x14d: {  	_ =	swait.ge [sflag:s15], $0x100  }
0x14e: {  	[sflag:s15] =	ssyncset.done $0x0  }
0x14f: {  	[sflag:s15] =	ssyncadd.s32 $0xFFFFFF00  }
.LBB2_10:
0x150: {  	s4 =	sld [smem:$0x7F4];
	_ =	sdelay $0x2  }
0x151: {  	p5 =	seq.s32 s4, $0x1  }
.Ltmp9:
0x152: {  	_ = 	snop;
	(pc) =	sbr.rel @p5 .LBB2_12-.Ltmp9, $1  }
0x153: {  	_ =	sdelay $0x3  }
0x154: {  	s4 =	rddreg [dreg:$0x10]  }
0x155: {  	s4 =	sadd.s32 s29, s4  }
0x156: {  	v8 =	vmov s29;
	s5 =	sadd.s32 s22, s4;
	v9 =	vmov s4  }
0x157: {  	vm1 =	vlt.u32 v8, v3;
	s29 =	rddreg [dreg:$0xf];
	vm2 =	vlt.u32 v9, v3;
	v10 =	vmov s5  }
0x158: {  	s8 =	rddreg [dreg:$0xe];
	v11 =	vsel vm1, $0x1, v2;
	s4 =	sadd.s32 s29, s5;
	v12 =	vsel vm2, $0x1, v2;
	vm1 =	vlt.u32 v10, v3  }
0x159: {  	s17 =	rddreg [dreg:$0xd];
	s5 =	sadd.s32 s8, s4;
	v13 =	vmov s4;
	v11 =	vadd.s32 v11, v12;
	v54 =	vsel vm1, $0x1, v2  }
0x15a: {  	s18 =	rddreg [dreg:$0xc];
	s4 =	sadd.s32 s17, s5;
	vm1 =	vlt.u32 v13, v3;
	v55 =	vmov s5;
	v11 =	vadd.s32 v54, v11  }
0x15b: {  	s5 =	sadd.s32 s18, s4;
	v14 =	vsel vm1, $0x1, v2;
	vm1 =	vlt.u32 v55, v3;
	v15 =	vmov s4  }
0x15c: {  	s22 =	sadd.s32 s14, s5;
	v16 =	vsel vm1, $0x1, v2;
	vm1 =	vlt.s32 v15, v3;
	v17 =	vmov s5  }
0x15d: {  	v18 =	vsel vm1, $0x1, v2;
	vm1 =	vlt.s32 v17, v3;
	v19 =	vmov s22  }
0x15e: {  	v11 =	vadd.s32 v14, v11;
	v56 =	vsel vm1, $0x1, v2;
	vm1 =	vlt.s32 v19, v3  }
0x15f: {  	v11 =	vadd.s32 v16, v11;
	v57 =	vsel vm1, $0x1, v2;
	vm1 =	vlt.u32 v8, v4  }
0x160: {  	v8 =	vadd.s32 v18, v11;
	v58 =	vsel vm1, $0x1, v2;
	vm1 =	vlt.u32 v9, v4  }
0x161: {  	v8 =	vadd.s32 v56, v8;
	v9 =	vsel vm1, $0x1, v2;
	vm1 =	vlt.u32 v10, v4  }
0x162: {  	v9 =	vadd.s32 v58, v9;
	v10 =	vsel vm1, $0x1, v2;
	vm1 =	vlt.u32 v13, v4  }
0x163: {  	v9 =	vadd.s32 v10, v9;
	v59 =	vsel vm1, $0x1, v2;
	vm1 =	vlt.u32 v55, v4  }
0x164: {  	v9 =	vadd.s32 v59, v9;
	v60 =	vsel vm1, $0x1, v2;
	vm1 =	vlt.s32 v15, v4  }
0x165: {  	v9 =	vadd.s32 v60, v9;
	v61 =	vsel vm1, $0x1, v2;
	vm1 =	vlt.s32 v17, v4  }
0x166: {  	v9 =	vadd.s32 v61, v9;
	v62 =	vsel vm1, $0x1, v2;
	vm1 =	vlt.s32 v19, v4  }
0x167: {  	v8 =	vadd.s32 v57, v8;
	v9 =	vadd.s32 v62, v9;
	v63 =	vsel vm1, $0x1, v2  }
0x168: {  	[tilespmem:$0x1D000] =	vst v8;
	v8 =	vadd.s32 v63, v9  }
0x169: {  	s23 =	rddreg [dreg:$0x8];
	s29 =	simm.s32 $0x1D000;
	[tilespmem:$0x1D010] =	vst v8  }
0x16a: {  	[hbm4b:s23+s3] =	stream.linear.scatter [tilespmem:s29], [sflag:$0x3], $0x80, $0x38;
	[tilespmem:$0x1D180] =	vst v63  }
0x16b: {  	_ =	swait.ge [sflag:s15], $0x80  }
0x16c: {  	[sflag:s15] =	ssyncset.done $0x0  }
0x16d: {  	[sflag:s15] =	ssyncadd.s32 $0xFFFFFF80  }
.LBB2_12:
.Ltmp10:
0x16e: {  	(pc) =	sbr.rel @p4 .LBB2_13-.Ltmp10, $2  }
0x16f: {  	_ =	sdelay $0x1  }
0x170: {  	[bflag:$0x0] =	sbarrier.arrive $0xFFFF;
	_ =	sdelay $0x1  }
0x171: {  	s8 =	rddreg [dreg:$0xa]  }
0x172: {  	s4 =	sshll.u32 s8, $0x8  }
0x173: {  	s14 =	sshra.s32 s4, $0x2  }
0x174: {  	v8 =	vld [tilespmem:s14+$0x2000];
	_ =	sdelay $0x4  }
0x175: {  	v9 =	vshrl.u32 v8, $0x3  }
0x176: {  	v9 =	vmul.u32 $0x30, v9  }
0x177: {  	v8 =	vand.u32 $0x7, v8  }
0x178: {  	v8 =	vor.u32 v8, v9  }
0x179: {  	v9 =	vperm.xlane v8, v5;
	_ =	sdelay $0x1  }
0x17a: {  	v9 =	vadd.s32 v6, v9;
	_ =	sdelay $0x3  }
0x17b: {  	s29 =	simm.s32 $0x5000;
	s4 =	simm.s32 $0x0;
	v8 =	vperm.xlane v8, v7  }
0x17c: {  	[tilespmem:s29], [sflag:$0x1] =	stream.indirect_vreg.gather [hbm4b:s1+s4], $0x80, v9, vm0, $0xb8;
	[tilespmem:$0x1D180] =	vst v63  }
0x17d: {  	s5 =	simm.s32 $0x5800;
	v8 =	vadd.s32 v6, v8  }
0x17e: {  	[tilespmem:s5], [sflag:$0x1] =	stream.indirect_vreg.gather [hbm4b:s12+s4], $0x80, v9, vm0, $0xb8;
	[tilespmem:$0x1D180] =	vst v63  }
0x17f: {  	s22 =	simm.s32 $0x6000  }
0x180: {  	[tilespmem:s22], [sflag:$0x1] =	stream.indirect_vreg.gather [hbm4b:s13+s4], $0x80, v9, vm0, $0xb8;
	[tilespmem:$0x1D180] =	vst v63  }
0x181: {  	s23 =	simm.s32 $0x6800  }
0x182: {  	[tilespmem:s23], [sflag:$0x1] =	stream.indirect_vreg.gather [hbm4b:s1+s4], $0x80, v8, vm0, $0xb8;
	[tilespmem:$0x1D180] =	vst v63  }
0x183: {  	s17 =	simm.s32 $0x7000  }
0x184: {  	[tilespmem:s17], [sflag:$0x1] =	stream.indirect_vreg.gather [hbm4b:s12+s4], $0x80, v8, vm0, $0xb8;
	[tilespmem:$0x1D180] =	vst v63  }
0x185: {  	s18 =	simm.s32 $0x7800  }
0x186: {  	[tilespmem:s18], [sflag:$0x1] =	stream.indirect_vreg.gather [hbm4b:s13+s4], $0x80, v8, vm0, $0xb8;
	[tilespmem:$0x1D180] =	vst v63  }
0x187: {  	v8 =	vld [tilespmem:s14+$0x2010];
	_ =	sdelay $0x4  }
0x188: {  	v61 =	vshrl.u32 v8, $0x3  }
0x189: {  	v9 =	vmul.u32 $0x30, v61  }
0x18a: {  	v8 =	vand.u32 $0x7, v8  }
0x18b: {  	v8 =	vor.u32 v8, v9  }
0x18c: {  	v9 =	vperm.xlane v8, v5;
	_ =	sdelay $0x1  }
0x18d: {  	v9 =	vadd.s32 v6, v9;
	_ =	sdelay $0x3  }
0x18e: {  	s22 =	simm.s32 $0x8000;
	v8 =	vperm.xlane v8, v7  }
0x18f: {  	[tilespmem:s22], [sflag:$0x1] =	stream.indirect_vreg.gather [hbm4b:s1+s4], $0x80, v9, vm0, $0xb8;
	[tilespmem:$0x1D180] =	vst v63  }
0x190: {  	s23 =	simm.s32 $0x8800;
	v8 =	vadd.s32 v6, v8  }
0x191: {  	[tilespmem:s23], [sflag:$0x1] =	stream.indirect_vreg.gather [hbm4b:s12+s4], $0x80, v9, vm0, $0xb8;
	[tilespmem:$0x1D180] =	vst v63  }
0x192: {  	s17 =	simm.s32 $0x9000  }
0x193: {  	[tilespmem:s17], [sflag:$0x1] =	stream.indirect_vreg.gather [hbm4b:s13+s4], $0x80, v9, vm0, $0xb8;
	[tilespmem:$0x1D180] =	vst v63  }
0x194: {  	s18 =	simm.s32 $0x9800  }
0x195: {  	[tilespmem:s18], [sflag:$0x1] =	stream.indirect_vreg.gather [hbm4b:s1+s4], $0x80, v8, vm0, $0xb8;
	[tilespmem:$0x1D180] =	vst v63  }
0x196: {  	s22 =	simm.s32 $0xA000  }
0x197: {  	[tilespmem:s22], [sflag:$0x1] =	stream.indirect_vreg.gather [hbm4b:s12+s4], $0x80, v8, vm0, $0xb8;
	[tilespmem:$0x1D180] =	vst v63  }
0x198: {  	s23 =	simm.s32 $0xA800  }
0x199: {  	[tilespmem:s23], [sflag:$0x1] =	stream.indirect_vreg.gather [hbm4b:s13+s4], $0x80, v8, vm0, $0xb8;
	[tilespmem:$0x1D180] =	vst v63  }
0x19a: {  	v8 =	vld [tilespmem:s14+$0x2020];
	_ =	sdelay $0x4  }
0x19b: {  	v62 =	vshrl.u32 v8, $0x3  }
0x19c: {  	v9 =	vmul.u32 $0x30, v62  }
0x19d: {  	v8 =	vand.u32 $0x7, v8  }
0x19e: {  	v8 =	vor.u32 v8, v9  }
0x19f: {  	v9 =	vperm.xlane v8, v5;
	_ =	sdelay $0x1  }
0x1a0: {  	v9 =	vadd.s32 v6, v9;
	_ =	sdelay $0x3  }
0x1a1: {  	s17 =	simm.s32 $0xB000;
	v8 =	vperm.xlane v8, v7  }
0x1a2: {  	[tilespmem:s17], [sflag:$0x1] =	stream.indirect_vreg.gather [hbm4b:s1+s4], $0x80, v9, vm0, $0xb8;
	[tilespmem:$0x1D180] =	vst v63  }
0x1a3: {  	s18 =	simm.s32 $0xB800;
	v8 =	vadd.s32 v6, v8  }
0x1a4: {  	[tilespmem:s18], [sflag:$0x1] =	stream.indirect_vreg.gather [hbm4b:s12+s4], $0x80, v9, vm0, $0xb8;
	[tilespmem:$0x1D180] =	vst v63  }
0x1a5: {  	s22 =	simm.s32 $0xC000  }
0x1a6: {  	[tilespmem:s22], [sflag:$0x1] =	stream.indirect_vreg.gather [hbm4b:s13+s4], $0x80, v9, vm0, $0xb8;
	[tilespmem:$0x1D180] =	vst v63  }
0x1a7: {  	s23 =	simm.s32 $0xC800  }
0x1a8: {  	[tilespmem:s23], [sflag:$0x1] =	stream.indirect_vreg.gather [hbm4b:s1+s4], $0x80, v8, vm0, $0xb8;
	[tilespmem:$0x1D180] =	vst v63  }
0x1a9: {  	s17 =	simm.s32 $0xD000  }
0x1aa: {  	[tilespmem:s17], [sflag:$0x1] =	stream.indirect_vreg.gather [hbm4b:s12+s4], $0x80, v8, vm0, $0xb8;
	[tilespmem:$0x1D180] =	vst v63  }
0x1ab: {  	s18 =	simm.s32 $0xD800  }
0x1ac: {  	[tilespmem:s18], [sflag:$0x1] =	stream.indirect_vreg.gather [hbm4b:s13+s4], $0x80, v8, vm0, $0xb8;
	[tilespmem:$0x1D180] =	vst v63  }
0x1ad: {  	v8 =	vld [tilespmem:s14+$0x2030];
	_ =	sdelay $0x4  }
0x1ae: {  	v63 =	vshrl.u32 v8, $0x3  }
0x1af: {  	v9 =	vmul.u32 $0x30, v63  }
0x1b0: {  	v8 =	vand.u32 $0x7, v8  }
0x1b1: {  	v8 =	vor.u32 v8, v9  }
0x1b2: {  	v9 =	vperm.xlane v8, v5;
	_ =	sdelay $0x1  }
0x1b3: {  	v9 =	vadd.s32 v6, v9;
	_ =	sdelay $0x3  }
0x1b4: {  	s22 =	simm.s32 $0xE000;
	v8 =	vperm.xlane v8, v7  }
0x1b5: {  	[tilespmem:s22], [sflag:$0x1] =	stream.indirect_vreg.gather [hbm4b:s1+s4], $0x80, v9, vm0, $0xb8;
	[tilespmem:$0x1D180] =	vst v63  }
0x1b6: {  	s23 =	simm.s32 $0xE800;
	v8 =	vadd.s32 v6, v8  }
0x1b7: {  	[tilespmem:s23], [sflag:$0x1] =	stream.indirect_vreg.gather [hbm4b:s12+s4], $0x80, v9, vm0, $0xb8;
	[tilespmem:$0x1D180] =	vst v63  }
0x1b8: {  	s17 =	simm.s32 $0xF000  }
0x1b9: {  	[tilespmem:s17], [sflag:$0x1] =	stream.indirect_vreg.gather [hbm4b:s13+s4], $0x80, v9, vm0, $0xb8;
	[tilespmem:$0x1D180] =	vst v63  }
0x1ba: {  	s18 =	simm.s32 $0xF800  }
0x1bb: {  	[tilespmem:s18], [sflag:$0x1] =	stream.indirect_vreg.gather [hbm4b:s1+s4], $0x80, v8, vm0, $0xb8;
	[tilespmem:$0x1D180] =	vst v63  }
.Ltmp11:
0x1bc: {  	_ = 	snop;
	(pc) =	sbr.rel .LBB2_18-.Ltmp11, $4  }
0x1bd: {  	s8 =	sshll.u32 s8, $0x3;
	s5 =	sshll.u32 s10, $0x1;
	s22 =	simm.s32 $0x10000  }
0x1be: {  	[tilespmem:s22], [sflag:$0x1] =	stream.indirect_vreg.gather [hbm4b:s12+s4], $0x80, v8, vm0, $0xb8;
	[tilespmem:$0x1D180] =	vst v63  }
0x1bf: {  	s14 =	sadd.s32 $0x2060, s14;
	s23 =	simm.s32 $0x10800;
	s17 =	simm.s32 $0x2  }
0x1c0: {  	[tilespmem:s23], [sflag:$0x1] =	stream.indirect_vreg.gather [hbm4b:s13+s4], $0x80, v8, vm0, $0xb8;
	[tilespmem:$0x1D180] =	vst v63  }
.LBB2_22:
0x1c1: {  	s22 =	sadd.s32 @!p4 $0x8, s8  }
0x1c2: {  	s18 =	simm.s32 @!p4 $0x2;
	s22 =	sand.u32 @!p4 $0xFFFFF8, s22  }
0x1c3: {  	_ =	swait.ge @!p4 [sflag:s18], $0xC000;
	s22 =	smul.u32 @!p4 $0x300, s22  }
0x1c4: {  	s23 =	simm.s32 @!p4 $0x11000;
	[sflag:s18] =	ssyncset.done @!p4 $0x0  }
0x1c5: {  	[sflag:s18] =	ssyncadd.s32 @!p4 $0xFFFF4000;
	s18 =	sadd.s32 @!p4 s11, s22;
	s22 =	simm.s32 @!p4 $0x0  }
0x1c6: {  	[hbm4b:s18+s22] =	stream.linear.scatter @!p4 [tilespmem:s23], [sflag:$0x3], $0xC000, $0x38;
	[tilespmem:$0x1D180] =	vst v63  }
0x1c7: {  	s18 =	simm.s32 @!p4 $0x3  }
0x1c8: {  	_ =	swait.ge @!p4 [sflag:s18], $0xC000  }
0x1c9: {  	s4 =	sadd.s32 $0x1, s4;
	[sflag:s18] =	ssyncset.done @!p4 $0x0  }
0x1ca: {  	[sflag:s18] =	ssyncadd.s32 @!p4 $0xFFFF4000;
	p4 =	slt.u32 s4, s10  }
.Ltmp12:
0x1cb: {  	_ = 	snop;
	(pc) =	sbr.rel @!p4 .LBB2_23-.Ltmp12, $2  }
0x1cc: {  	_ =	sdelay $0x2  }
0x1cd: {  	s8 =	sadd.s32 $0x10, s8;
	s17 =	sadd.s32 $0x2, s17;
	s14 =	sadd.s32 $0x80, s14  }
.LBB2_18:
0x1ce: {  	s18 =	sadd.s32 $0xFFFFFFFF, s17  }
0x1cf: {  	p4 =	sge.u32 s18, s5  }
.Ltmp13:
0x1d0: {  	_ = 	snop;
	(pc) =	sbr.rel @p4 .LBB2_20-.Ltmp13, $1  }
0x1d1: {  	_ =	sdelay $0x3  }
0x1d2: {  	v8 =	vld [tilespmem:s14+$0xFFFFFFE0];
	_ =	sdelay $0x4  }
0x1d3: {  	v9 =	vshrl.u32 v8, $0x3  }
0x1d4: {  	v9 =	vmul.u32 $0x30, v9  }
0x1d5: {  	v8 =	vand.u32 $0x7, v8  }
0x1d6: {  	v8 =	vor.u32 v8, v9  }
0x1d7: {  	v9 =	vperm.xlane v8, v5;
	_ =	sdelay $0x1  }
0x1d8: {  	v9 =	vadd.s32 v6, v9;
	_ =	sdelay $0x3  }
0x1d9: {  	s18 =	simm.s32 $0x11000;
	v8 =	vperm.xlane v8, v7  }
0x1da: {  	[tilespmem:s18], [sflag:$0x2] =	stream.indirect_vreg.gather [hbm4b:s1+s3], $0x80, v9, vm0, $0xb8;
	[tilespmem:$0x1D180] =	vst v63  }
0x1db: {  	s23 =	simm.s32 $0x11800;
	v8 =	vadd.s32 v6, v8  }
0x1dc: {  	[tilespmem:s23], [sflag:$0x2] =	stream.indirect_vreg.gather [hbm4b:s12+s3], $0x80, v9, vm0, $0xb8;
	[tilespmem:$0x1D180] =	vst v63  }
0x1dd: {  	s22 =	simm.s32 $0x12000  }
0x1de: {  	[tilespmem:s22], [sflag:$0x2] =	stream.indirect_vreg.gather [hbm4b:s13+s3], $0x80, v9, vm0, $0xb8;
	[tilespmem:$0x1D180] =	vst v63  }
0x1df: {  	s23 =	simm.s32 $0x12800  }
0x1e0: {  	[tilespmem:s23], [sflag:$0x2] =	stream.indirect_vreg.gather [hbm4b:s1+s3], $0x80, v8, vm0, $0xb8;
	[tilespmem:$0x1D180] =	vst v63  }
0x1e1: {  	s22 =	simm.s32 $0x13000  }
0x1e2: {  	[tilespmem:s22], [sflag:$0x2] =	stream.indirect_vreg.gather [hbm4b:s12+s3], $0x80, v8, vm0, $0xb8;
	[tilespmem:$0x1D180] =	vst v63  }
0x1e3: {  	s23 =	simm.s32 $0x13800  }
0x1e4: {  	[tilespmem:s23], [sflag:$0x2] =	stream.indirect_vreg.gather [hbm4b:s13+s3], $0x80, v8, vm0, $0xb8;
	[tilespmem:$0x1D180] =	vst v63  }
0x1e5: {  	v8 =	vld [tilespmem:s14+$0xFFFFFFF0];
	_ =	sdelay $0x4  }
0x1e6: {  	v61 =	vshrl.u32 v8, $0x3  }
0x1e7: {  	v9 =	vmul.u32 $0x30, v61  }
0x1e8: {  	v8 =	vand.u32 $0x7, v8  }
0x1e9: {  	v8 =	vor.u32 v8, v9  }
0x1ea: {  	v9 =	vperm.xlane v8, v5;
	_ =	sdelay $0x1  }
0x1eb: {  	v9 =	vadd.s32 v6, v9;
	_ =	sdelay $0x3  }
0x1ec: {  	s22 =	simm.s32 $0x14000;
	v8 =	vperm.xlane v8, v7  }
0x1ed: {  	[tilespmem:s22], [sflag:$0x2] =	stream.indirect_vreg.gather [hbm4b:s1+s3], $0x80, v9, vm0, $0xb8;
	[tilespmem:$0x1D180] =	vst v63  }
0x1ee: {  	s23 =	simm.s32 $0x14800;
	v8 =	vadd.s32 v6, v8  }
0x1ef: {  	[tilespmem:s23], [sflag:$0x2] =	stream.indirect_vreg.gather [hbm4b:s12+s3], $0x80, v9, vm0, $0xb8;
	[tilespmem:$0x1D180] =	vst v63  }
0x1f0: {  	s22 =	simm.s32 $0x15000  }
0x1f1: {  	[tilespmem:s22], [sflag:$0x2] =	stream.indirect_vreg.gather [hbm4b:s13+s3], $0x80, v9, vm0, $0xb8;
	[tilespmem:$0x1D180] =	vst v63  }
0x1f2: {  	s23 =	simm.s32 $0x15800  }
0x1f3: {  	[tilespmem:s23], [sflag:$0x2] =	stream.indirect_vreg.gather [hbm4b:s1+s3], $0x80, v8, vm0, $0xb8;
	[tilespmem:$0x1D180] =	vst v63  }
0x1f4: {  	s22 =	simm.s32 $0x16000  }
0x1f5: {  	[tilespmem:s22], [sflag:$0x2] =	stream.indirect_vreg.gather [hbm4b:s12+s3], $0x80, v8, vm0, $0xb8;
	[tilespmem:$0x1D180] =	vst v63  }
0x1f6: {  	s23 =	simm.s32 $0x16800  }
0x1f7: {  	[tilespmem:s23], [sflag:$0x2] =	stream.indirect_vreg.gather [hbm4b:s13+s3], $0x80, v8, vm0, $0xb8;
	[tilespmem:$0x1D180] =	vst v63  }
0x1f8: {  	v8 =	vld [tilespmem:s14+$0x0];
	_ =	sdelay $0x4  }
0x1f9: {  	v62 =	vshrl.u32 v8, $0x3  }
0x1fa: {  	v9 =	vmul.u32 $0x30, v62  }
0x1fb: {  	v8 =	vand.u32 $0x7, v8  }
0x1fc: {  	v8 =	vor.u32 v8, v9  }
0x1fd: {  	v9 =	vperm.xlane v8, v5;
	_ =	sdelay $0x1  }
0x1fe: {  	v9 =	vadd.s32 v6, v9;
	_ =	sdelay $0x3  }
0x1ff: {  	s22 =	simm.s32 $0x17000;
	v8 =	vperm.xlane v8, v7  }
0x200: {  	[tilespmem:s22], [sflag:$0x2] =	stream.indirect_vreg.gather [hbm4b:s1+s3], $0x80, v9, vm0, $0xb8;
	[tilespmem:$0x1D180] =	vst v63  }
0x201: {  	s23 =	simm.s32 $0x17800;
	v8 =	vadd.s32 v6, v8  }
0x202: {  	[tilespmem:s23], [sflag:$0x2] =	stream.indirect_vreg.gather [hbm4b:s12+s3], $0x80, v9, vm0, $0xb8;
	[tilespmem:$0x1D180] =	vst v63  }
0x203: {  	s22 =	simm.s32 $0x18000  }
0x204: {  	[tilespmem:s22], [sflag:$0x2] =	stream.indirect_vreg.gather [hbm4b:s13+s3], $0x80, v9, vm0, $0xb8;
	[tilespmem:$0x1D180] =	vst v63  }
0x205: {  	s23 =	simm.s32 $0x18800  }
0x206: {  	[tilespmem:s23], [sflag:$0x2] =	stream.indirect_vreg.gather [hbm4b:s1+s3], $0x80, v8, vm0, $0xb8;
	[tilespmem:$0x1D180] =	vst v63  }
0x207: {  	s22 =	simm.s32 $0x19000  }
0x208: {  	[tilespmem:s22], [sflag:$0x2] =	stream.indirect_vreg.gather [hbm4b:s12+s3], $0x80, v8, vm0, $0xb8;
	[tilespmem:$0x1D180] =	vst v63  }
0x209: {  	s23 =	simm.s32 $0x19800  }
0x20a: {  	[tilespmem:s23], [sflag:$0x2] =	stream.indirect_vreg.gather [hbm4b:s13+s3], $0x80, v8, vm0, $0xb8;
	[tilespmem:$0x1D180] =	vst v63  }
0x20b: {  	v8 =	vld [tilespmem:s14+$0x10];
	_ =	sdelay $0x4  }
0x20c: {  	v63 =	vshrl.u32 v8, $0x3  }
0x20d: {  	v9 =	vmul.u32 $0x30, v63  }
0x20e: {  	v8 =	vand.u32 $0x7, v8  }
0x20f: {  	v8 =	vor.u32 v8, v9  }
0x210: {  	v9 =	vperm.xlane v8, v5;
	_ =	sdelay $0x1  }
0x211: {  	v9 =	vadd.s32 v6, v9;
	_ =	sdelay $0x3  }
0x212: {  	s22 =	simm.s32 $0x1A000;
	v8 =	vperm.xlane v8, v7  }
0x213: {  	[tilespmem:s22], [sflag:$0x2] =	stream.indirect_vreg.gather [hbm4b:s1+s3], $0x80, v9, vm0, $0xb8;
	[tilespmem:$0x1D180] =	vst v63  }
0x214: {  	s23 =	simm.s32 $0x1A800;
	v8 =	vadd.s32 v6, v8  }
0x215: {  	[tilespmem:s23], [sflag:$0x2] =	stream.indirect_vreg.gather [hbm4b:s12+s3], $0x80, v9, vm0, $0xb8;
	[tilespmem:$0x1D180] =	vst v63  }
0x216: {  	s22 =	simm.s32 $0x1B000  }
0x217: {  	[tilespmem:s22], [sflag:$0x2] =	stream.indirect_vreg.gather [hbm4b:s13+s3], $0x80, v9, vm0, $0xb8;
	[tilespmem:$0x1D180] =	vst v63  }
0x218: {  	s23 =	simm.s32 $0x1B800  }
0x219: {  	[tilespmem:s23], [sflag:$0x2] =	stream.indirect_vreg.gather [hbm4b:s1+s3], $0x80, v8, vm0, $0xb8;
	[tilespmem:$0x1D180] =	vst v63  }
0x21a: {  	s22 =	simm.s32 $0x1C000  }
0x21b: {  	[tilespmem:s22], [sflag:$0x2] =	stream.indirect_vreg.gather [hbm4b:s12+s3], $0x80, v8, vm0, $0xb8;
	[tilespmem:$0x1D180] =	vst v63  }
0x21c: {  	s23 =	simm.s32 $0x1C800  }
0x21d: {  	[tilespmem:s23], [sflag:$0x2] =	stream.indirect_vreg.gather [hbm4b:s13+s3], $0x80, v8, vm0, $0xb8;
	[tilespmem:$0x1D180] =	vst v63  }
.LBB2_20:
0x21e: {  	s18 =	sadd.s32 $0xFFFFFFFE, s17  }
0x21f: {  	p5 =	sge.u32 s18, s5  }
0x220: {  	s18 =	simm.s32 @!p5 $0x1;
	s22 =	sand.u32 @!p5 $0xFFFFF8, s8  }
0x221: {  	_ =	swait.ge @!p5 [sflag:s18], $0xC000;
	s22 =	smul.u32 @!p5 $0x300, s22  }
0x222: {  	p6 =	sge.u32 s17, s5;
	s23 =	simm.s32 @!p5 $0x5000;
	[sflag:s18] =	ssyncset.done @!p5 $0x0  }
0x223: {  	[sflag:s18] =	ssyncadd.s32 @!p5 $0xFFFF4000;
	s18 =	sadd.s32 @!p5 s11, s22;
	s22 =	simm.s32 @!p5 $0x0  }
0x224: {  	[hbm4b:s18+s22] =	stream.linear.scatter @!p5 [tilespmem:s23], [sflag:$0x4], $0xC000, $0x38;
	[tilespmem:$0x1D180] =	vst v63  }
.Ltmp14:
0x225: {  	_ = 	snop;
	(pc) =	sbr.rel @p6 .LBB2_22-.Ltmp14, $4  }
0x226: {  	s18 =	simm.s32 @!p5 $0x4  }
0x227: {  	_ =	swait.ge @!p5 [sflag:s18], $0xC000  }
0x228: {  	[sflag:s18] =	ssyncset.done @!p5 $0x0  }
0x229: {  	[sflag:s18] =	ssyncadd.s32 @!p5 $0xFFFF4000  }
0x22a: {  	v8 =	vld [tilespmem:s14+$0x20];
	_ =	sdelay $0x4  }
0x22b: {  	v9 =	vshrl.u32 v8, $0x3  }
0x22c: {  	v9 =	vmul.u32 $0x30, v9  }
0x22d: {  	v8 =	vand.u32 $0x7, v8  }
0x22e: {  	v8 =	vor.u32 v8, v9  }
0x22f: {  	v9 =	vperm.xlane v8, v5;
	_ =	sdelay $0x1  }
0x230: {  	v9 =	vadd.s32 v6, v9;
	_ =	sdelay $0x3  }
0x231: {  	v8 =	vperm.xlane v8, v7  }
0x232: {  	[tilespmem:s29], [sflag:$0x1] =	stream.indirect_vreg.gather [hbm4b:s1+s3], $0x80, v9, vm0, $0xb8;
	[tilespmem:$0x1D180] =	vst v63  }
0x233: {  	s18 =	simm.s32 $0x5800;
	v8 =	vadd.s32 v6, v8  }
0x234: {  	[tilespmem:s18], [sflag:$0x1] =	stream.indirect_vreg.gather [hbm4b:s12+s3], $0x80, v9, vm0, $0xb8;
	[tilespmem:$0x1D180] =	vst v63  }
0x235: {  	s22 =	simm.s32 $0x6000  }
0x236: {  	[tilespmem:s22], [sflag:$0x1] =	stream.indirect_vreg.gather [hbm4b:s13+s3], $0x80, v9, vm0, $0xb8;
	[tilespmem:$0x1D180] =	vst v63  }
0x237: {  	s23 =	simm.s32 $0x6800  }
0x238: {  	[tilespmem:s23], [sflag:$0x1] =	stream.indirect_vreg.gather [hbm4b:s1+s3], $0x80, v8, vm0, $0xb8;
	[tilespmem:$0x1D180] =	vst v63  }
0x239: {  	s22 =	simm.s32 $0x7000  }
0x23a: {  	[tilespmem:s22], [sflag:$0x1] =	stream.indirect_vreg.gather [hbm4b:s12+s3], $0x80, v8, vm0, $0xb8;
	[tilespmem:$0x1D180] =	vst v63  }
0x23b: {  	s23 =	simm.s32 $0x7800  }
0x23c: {  	[tilespmem:s23], [sflag:$0x1] =	stream.indirect_vreg.gather [hbm4b:s13+s3], $0x80, v8, vm0, $0xb8;
	[tilespmem:$0x1D180] =	vst v63  }
0x23d: {  	v8 =	vld [tilespmem:s14+$0x30];
	_ =	sdelay $0x4  }
0x23e: {  	v61 =	vshrl.u32 v8, $0x3  }
0x23f: {  	v9 =	vmul.u32 $0x30, v61  }
0x240: {  	v8 =	vand.u32 $0x7, v8  }
0x241: {  	v8 =	vor.u32 v8, v9  }
0x242: {  	v9 =	vperm.xlane v8, v5;
	_ =	sdelay $0x1  }
0x243: {  	v9 =	vadd.s32 v6, v9;
	_ =	sdelay $0x3  }
0x244: {  	s22 =	simm.s32 $0x8000;
	v8 =	vperm.xlane v8, v7  }
0x245: {  	[tilespmem:s22], [sflag:$0x1] =	stream.indirect_vreg.gather [hbm4b:s1+s3], $0x80, v9, vm0, $0xb8;
	[tilespmem:$0x1D180] =	vst v63  }
0x246: {  	s23 =	simm.s32 $0x8800;
	v8 =	vadd.s32 v6, v8  }
0x247: {  	[tilespmem:s23], [sflag:$0x1] =	stream.indirect_vreg.gather [hbm4b:s12+s3], $0x80, v9, vm0, $0xb8;
	[tilespmem:$0x1D180] =	vst v63  }
0x248: {  	s22 =	simm.s32 $0x9000  }
0x249: {  	[tilespmem:s22], [sflag:$0x1] =	stream.indirect_vreg.gather [hbm4b:s13+s3], $0x80, v9, vm0, $0xb8;
	[tilespmem:$0x1D180] =	vst v63  }
0x24a: {  	s23 =	simm.s32 $0x9800  }
0x24b: {  	[tilespmem:s23], [sflag:$0x1] =	stream.indirect_vreg.gather [hbm4b:s1+s3], $0x80, v8, vm0, $0xb8;
	[tilespmem:$0x1D180] =	vst v63  }
0x24c: {  	s22 =	simm.s32 $0xA000  }
0x24d: {  	[tilespmem:s22], [sflag:$0x1] =	stream.indirect_vreg.gather [hbm4b:s12+s3], $0x80, v8, vm0, $0xb8;
	[tilespmem:$0x1D180] =	vst v63  }
0x24e: {  	s23 =	simm.s32 $0xA800  }
0x24f: {  	[tilespmem:s23], [sflag:$0x1] =	stream.indirect_vreg.gather [hbm4b:s13+s3], $0x80, v8, vm0, $0xb8;
	[tilespmem:$0x1D180] =	vst v63  }
0x250: {  	v8 =	vld [tilespmem:s14+$0x40];
	_ =	sdelay $0x4  }
0x251: {  	v62 =	vshrl.u32 v8, $0x3  }
0x252: {  	v9 =	vmul.u32 $0x30, v62  }
0x253: {  	v8 =	vand.u32 $0x7, v8  }
0x254: {  	v8 =	vor.u32 v8, v9  }
0x255: {  	v9 =	vperm.xlane v8, v5;
	_ =	sdelay $0x1  }
0x256: {  	v9 =	vadd.s32 v6, v9;
	_ =	sdelay $0x3  }
0x257: {  	s22 =	simm.s32 $0xB000;
	v8 =	vperm.xlane v8, v7  }
0x258: {  	[tilespmem:s22], [sflag:$0x1] =	stream.indirect_vreg.gather [hbm4b:s1+s3], $0x80, v9, vm0, $0xb8;
	[tilespmem:$0x1D180] =	vst v63  }
0x259: {  	s23 =	simm.s32 $0xB800;
	v8 =	vadd.s32 v6, v8  }
0x25a: {  	[tilespmem:s23], [sflag:$0x1] =	stream.indirect_vreg.gather [hbm4b:s12+s3], $0x80, v9, vm0, $0xb8;
	[tilespmem:$0x1D180] =	vst v63  }
0x25b: {  	s22 =	simm.s32 $0xC000  }
0x25c: {  	[tilespmem:s22], [sflag:$0x1] =	stream.indirect_vreg.gather [hbm4b:s13+s3], $0x80, v9, vm0, $0xb8;
	[tilespmem:$0x1D180] =	vst v63  }
0x25d: {  	s23 =	simm.s32 $0xC800  }
0x25e: {  	[tilespmem:s23], [sflag:$0x1] =	stream.indirect_vreg.gather [hbm4b:s1+s3], $0x80, v8, vm0, $0xb8;
	[tilespmem:$0x1D180] =	vst v63  }
0x25f: {  	s22 =	simm.s32 $0xD000  }
0x260: {  	[tilespmem:s22], [sflag:$0x1] =	stream.indirect_vreg.gather [hbm4b:s12+s3], $0x80, v8, vm0, $0xb8;
	[tilespmem:$0x1D180] =	vst v63  }
0x261: {  	s23 =	simm.s32 $0xD800  }
0x262: {  	[tilespmem:s23], [sflag:$0x1] =	stream.indirect_vreg.gather [hbm4b:s13+s3], $0x80, v8, vm0, $0xb8;
	[tilespmem:$0x1D180] =	vst v63  }
0x263: {  	v8 =	vld [tilespmem:s14+$0x50];
	_ =	sdelay $0x4  }
0x264: {  	v63 =	vshrl.u32 v8, $0x3  }
0x265: {  	v9 =	vmul.u32 $0x30, v63  }
0x266: {  	v8 =	vand.u32 $0x7, v8  }
0x267: {  	v8 =	vor.u32 v8, v9  }
0x268: {  	v9 =	vperm.xlane v8, v5;
	_ =	sdelay $0x1  }
0x269: {  	v9 =	vadd.s32 v6, v9;
	_ =	sdelay $0x3  }
0x26a: {  	s22 =	simm.s32 $0xE000;
	v8 =	vperm.xlane v8, v7  }
0x26b: {  	[tilespmem:s22], [sflag:$0x1] =	stream.indirect_vreg.gather [hbm4b:s1+s3], $0x80, v9, vm0, $0xb8;
	[tilespmem:$0x1D180] =	vst v63  }
0x26c: {  	s23 =	simm.s32 $0xE800;
	v8 =	vadd.s32 v6, v8  }
0x26d: {  	[tilespmem:s23], [sflag:$0x1] =	stream.indirect_vreg.gather [hbm4b:s12+s3], $0x80, v9, vm0, $0xb8;
	[tilespmem:$0x1D180] =	vst v63  }
0x26e: {  	s22 =	simm.s32 $0xF000  }
0x26f: {  	[tilespmem:s22], [sflag:$0x1] =	stream.indirect_vreg.gather [hbm4b:s13+s3], $0x80, v9, vm0, $0xb8;
	[tilespmem:$0x1D180] =	vst v63  }
0x270: {  	s23 =	simm.s32 $0xF800  }
0x271: {  	[tilespmem:s23], [sflag:$0x1] =	stream.indirect_vreg.gather [hbm4b:s1+s3], $0x80, v8, vm0, $0xb8;
	[tilespmem:$0x1D180] =	vst v63  }
.Ltmp15:
0x272: {  	_ = 	snop;
	(pc) =	sbr.rel .LBB2_22-.Ltmp15, $4  }
0x273: {  	s22 =	simm.s32 $0x10000  }
0x274: {  	[tilespmem:s22], [sflag:$0x1] =	stream.indirect_vreg.gather [hbm4b:s12+s3], $0x80, v8, vm0, $0xb8;
	[tilespmem:$0x1D180] =	vst v63  }
0x275: {  	s23 =	simm.s32 $0x10800  }
0x276: {  	[tilespmem:s23], [sflag:$0x1] =	stream.indirect_vreg.gather [hbm4b:s13+s3], $0x80, v8, vm0, $0xb8;
	[tilespmem:$0x1D180] =	vst v63  }
.LBB2_4:
.Ltmp16:
0x277: {  	(pc) =	sbr.rel .LBB2_23-.Ltmp16, $3  }
0x278: {  	_ =	sdelay $0x1  }
0x279: {  	[bflag:$0x0] =	sbarrier.arrive $0xFFFF  }
0x27a: {  	s5 =	sshll.u32 s10, $0x1;
	s29 =	simm.s32 $0x5000  }
.LBB2_13:
0x27b: {  	s5 =	simm.s32 $0x0;
	s29 =	simm.s32 $0x5000  }
.LBB2_23:
0x27c: {  	s4 =	sld [smem:$0x7F5];
	_ =	sdelay $0x2  }
0x27d: {  	p4 =	seq.s32 s4, $0x1  }
.Ltmp17:
0x27e: {  	_ = 	snop;
	(pc) =	sbr.rel @p4 .LBB2_33-.Ltmp17, $2  }
0x27f: {  	_ =	sdelay $0x2  }
0x280: {  	s17 =	simm.s32 $0x1D080;
	s18 =	simm.s32 $0x1D100  }
0x281: {  	s4 =	sshll.u32 s10, $0x2  }
0x282: {  	p4 =	sge.u32 s5, s4  }
.Ltmp18:
0x283: {  	_ = 	snop;
	(pc) =	sbr.rel @p4 .LBB2_26-.Ltmp18, $1  }
0x284: {  	_ =	sdelay $0x3  }
0x285: {  	s8 =	rddreg [dreg:$0xa]  }
0x286: {  	s5 =	sadd.s32 s8, s5  }
0x287: {  	s5 =	sshll.u32 s5, $0x3  }
0x288: {  	s5 =	sand.u32 $0x1FFFFFF8, s5  }
0x289: {  	s5 =	sadd.s32 s2, s5  }
0x28a: {  	[tilespmem:s17], [sflag:$0x3] =	stream.linear.gather [hbm4b:s5+s3], $0x40, $0x38;
	[tilespmem:$0x1D180] =	vst v63  }
0x28b: {  	_ =	swait.ge [sflag:s15], $0x40  }
0x28c: {  	[sflag:s15] =	ssyncset.done $0x0  }
0x28d: {  	[sflag:s15] =	ssyncadd.s32 $0xFFFFFFC0  }
0x28e: {  	v8 =	vld [tilespmem:$0x1D080];
	_ =	sdelay $0x4  }
0x28f: {  	v9 =	vshrl.u32 v8, $0x3  }
0x290: {  	v9 =	vmul.u32 $0x30, v9  }
0x291: {  	v8 =	vand.u32 $0x7, v8  }
0x292: {  	v8 =	vor.u32 v8, v9  }
0x293: {  	v9 =	vperm.xlane v8, v5;
	_ =	sdelay $0x1  }
0x294: {  	v9 =	vadd.s32 v6, v9;
	_ =	sdelay $0x3  }
0x295: {  	v8 =	vperm.xlane v8, v7  }
0x296: {  	[tilespmem:s29], [sflag:$0x1] =	stream.indirect_vreg.gather [hbm4b:s1+s3], $0x80, v9, vm0, $0xb8;
	[tilespmem:$0x1D180] =	vst v63  }
0x297: {  	s14 =	simm.s32 $0x5800;
	v8 =	vadd.s32 v6, v8  }
0x298: {  	[tilespmem:s14], [sflag:$0x1] =	stream.indirect_vreg.gather [hbm4b:s12+s3], $0x80, v9, vm0, $0xb8;
	[tilespmem:$0x1D180] =	vst v63  }
0x299: {  	s22 =	simm.s32 $0x6000  }
0x29a: {  	[tilespmem:s22], [sflag:$0x1] =	stream.indirect_vreg.gather [hbm4b:s13+s3], $0x80, v9, vm0, $0xb8;
	[tilespmem:$0x1D180] =	vst v63  }
0x29b: {  	s23 =	simm.s32 $0x6800  }
0x29c: {  	[tilespmem:s23], [sflag:$0x1] =	stream.indirect_vreg.gather [hbm4b:s1+s3], $0x80, v8, vm0, $0xb8;
	[tilespmem:$0x1D180] =	vst v63  }
0x29d: {  	s8 =	simm.s32 $0x7000  }
0x29e: {  	[tilespmem:s8], [sflag:$0x1] =	stream.indirect_vreg.gather [hbm4b:s12+s3], $0x80, v8, vm0, $0xb8;
	[tilespmem:$0x1D180] =	vst v63  }
0x29f: {  	s14 =	simm.s32 $0x7800  }
0x2a0: {  	[tilespmem:s14], [sflag:$0x1] =	stream.indirect_vreg.gather [hbm4b:s13+s3], $0x80, v8, vm0, $0xb8;
	[tilespmem:$0x1D180] =	vst v63  }
0x2a1: {  	v8 =	vld [tilespmem:$0x1D090];
	_ =	sdelay $0x4  }
0x2a2: {  	v61 =	vshrl.u32 v8, $0x3  }
0x2a3: {  	v9 =	vmul.u32 $0x30, v61  }
0x2a4: {  	v8 =	vand.u32 $0x7, v8  }
0x2a5: {  	v8 =	vor.u32 v8, v9  }
0x2a6: {  	v9 =	vperm.xlane v8, v5;
	_ =	sdelay $0x1  }
0x2a7: {  	v9 =	vadd.s32 v6, v9;
	_ =	sdelay $0x3  }
0x2a8: {  	s22 =	simm.s32 $0x8000;
	v8 =	vperm.xlane v8, v7  }
0x2a9: {  	[tilespmem:s22], [sflag:$0x1] =	stream.indirect_vreg.gather [hbm4b:s1+s3], $0x80, v9, vm0, $0xb8;
	[tilespmem:$0x1D180] =	vst v63  }
0x2aa: {  	s23 =	simm.s32 $0x8800;
	v8 =	vadd.s32 v6, v8  }
0x2ab: {  	[tilespmem:s23], [sflag:$0x1] =	stream.indirect_vreg.gather [hbm4b:s12+s3], $0x80, v9, vm0, $0xb8;
	[tilespmem:$0x1D180] =	vst v63  }
0x2ac: {  	s8 =	simm.s32 $0x9000  }
0x2ad: {  	[tilespmem:s8], [sflag:$0x1] =	stream.indirect_vreg.gather [hbm4b:s13+s3], $0x80, v9, vm0, $0xb8;
	[tilespmem:$0x1D180] =	vst v63  }
0x2ae: {  	s14 =	simm.s32 $0x9800  }
0x2af: {  	[tilespmem:s14], [sflag:$0x1] =	stream.indirect_vreg.gather [hbm4b:s1+s3], $0x80, v8, vm0, $0xb8;
	[tilespmem:$0x1D180] =	vst v63  }
0x2b0: {  	s22 =	simm.s32 $0xA000  }
0x2b1: {  	[tilespmem:s22], [sflag:$0x1] =	stream.indirect_vreg.gather [hbm4b:s12+s3], $0x80, v8, vm0, $0xb8;
	[tilespmem:$0x1D180] =	vst v63  }
0x2b2: {  	s23 =	simm.s32 $0xA800  }
0x2b3: {  	[tilespmem:s23], [sflag:$0x1] =	stream.indirect_vreg.gather [hbm4b:s13+s3], $0x80, v8, vm0, $0xb8;
	[tilespmem:$0x1D180] =	vst v63  }
0x2b4: {  	v8 =	vld [tilespmem:$0x1D0A0];
	_ =	sdelay $0x4  }
0x2b5: {  	v62 =	vshrl.u32 v8, $0x3  }
0x2b6: {  	v9 =	vmul.u32 $0x30, v62  }
0x2b7: {  	v8 =	vand.u32 $0x7, v8  }
0x2b8: {  	v8 =	vor.u32 v8, v9  }
0x2b9: {  	v9 =	vperm.xlane v8, v5;
	_ =	sdelay $0x1  }
0x2ba: {  	v9 =	vadd.s32 v6, v9;
	_ =	sdelay $0x3  }
0x2bb: {  	s8 =	simm.s32 $0xB000;
	v8 =	vperm.xlane v8, v7  }
0x2bc: {  	[tilespmem:s8], [sflag:$0x1] =	stream.indirect_vreg.gather [hbm4b:s1+s3], $0x80, v9, vm0, $0xb8;
	[tilespmem:$0x1D180] =	vst v63  }
0x2bd: {  	s14 =	simm.s32 $0xB800;
	v8 =	vadd.s32 v6, v8  }
0x2be: {  	[tilespmem:s14], [sflag:$0x1] =	stream.indirect_vreg.gather [hbm4b:s12+s3], $0x80, v9, vm0, $0xb8;
	[tilespmem:$0x1D180] =	vst v63  }
0x2bf: {  	s22 =	simm.s32 $0xC000  }
0x2c0: {  	[tilespmem:s22], [sflag:$0x1] =	stream.indirect_vreg.gather [hbm4b:s13+s3], $0x80, v9, vm0, $0xb8;
	[tilespmem:$0x1D180] =	vst v63  }
0x2c1: {  	s23 =	simm.s32 $0xC800  }
0x2c2: {  	[tilespmem:s23], [sflag:$0x1] =	stream.indirect_vreg.gather [hbm4b:s1+s3], $0x80, v8, vm0, $0xb8;
	[tilespmem:$0x1D180] =	vst v63  }
0x2c3: {  	s8 =	simm.s32 $0xD000  }
0x2c4: {  	[tilespmem:s8], [sflag:$0x1] =	stream.indirect_vreg.gather [hbm4b:s12+s3], $0x80, v8, vm0, $0xb8;
	[tilespmem:$0x1D180] =	vst v63  }
0x2c5: {  	s14 =	simm.s32 $0xD800  }
0x2c6: {  	[tilespmem:s14], [sflag:$0x1] =	stream.indirect_vreg.gather [hbm4b:s13+s3], $0x80, v8, vm0, $0xb8;
	[tilespmem:$0x1D180] =	vst v63  }
0x2c7: {  	v8 =	vld [tilespmem:$0x1D0B0];
	_ =	sdelay $0x4  }
0x2c8: {  	v63 =	vshrl.u32 v8, $0x3  }
0x2c9: {  	v9 =	vmul.u32 $0x30, v63  }
0x2ca: {  	v8 =	vand.u32 $0x7, v8  }
0x2cb: {  	v8 =	vor.u32 v8, v9  }
0x2cc: {  	v9 =	vperm.xlane v8, v5;
	_ =	sdelay $0x1  }
0x2cd: {  	v9 =	vadd.s32 v6, v9;
	_ =	sdelay $0x3  }
0x2ce: {  	s22 =	simm.s32 $0xE000;
	v8 =	vperm.xlane v8, v7  }
0x2cf: {  	[tilespmem:s22], [sflag:$0x1] =	stream.indirect_vreg.gather [hbm4b:s1+s3], $0x80, v9, vm0, $0xb8;
	[tilespmem:$0x1D180] =	vst v63  }
0x2d0: {  	s23 =	simm.s32 $0xE800;
	v8 =	vadd.s32 v6, v8  }
0x2d1: {  	[tilespmem:s23], [sflag:$0x1] =	stream.indirect_vreg.gather [hbm4b:s12+s3], $0x80, v9, vm0, $0xb8;
	[tilespmem:$0x1D180] =	vst v63  }
0x2d2: {  	s8 =	simm.s32 $0xF000  }
0x2d3: {  	[tilespmem:s8], [sflag:$0x1] =	stream.indirect_vreg.gather [hbm4b:s13+s3], $0x80, v9, vm0, $0xb8;
	[tilespmem:$0x1D180] =	vst v63  }
0x2d4: {  	s14 =	simm.s32 $0xF800  }
0x2d5: {  	[tilespmem:s14], [sflag:$0x1] =	stream.indirect_vreg.gather [hbm4b:s1+s3], $0x80, v8, vm0, $0xb8;
	[tilespmem:$0x1D180] =	vst v63  }
0x2d6: {  	s22 =	simm.s32 $0x10000  }
0x2d7: {  	[tilespmem:s22], [sflag:$0x1] =	stream.indirect_vreg.gather [hbm4b:s12+s3], $0x80, v8, vm0, $0xb8;
	[tilespmem:$0x1D180] =	vst v63  }
0x2d8: {  	s23 =	simm.s32 $0x10800  }
0x2d9: {  	[tilespmem:s23], [sflag:$0x1] =	stream.indirect_vreg.gather [hbm4b:s13+s3], $0x80, v8, vm0, $0xb8;
	[tilespmem:$0x1D180] =	vst v63  }
.LBB2_26:
0x2da: {  	p4 =	slt.s32 s10, $0x1  }
.Ltmp19:
0x2db: {  	_ = 	snop;
	(pc) =	sbr.rel @p4 .LBB2_33-.Ltmp19, $1  }
0x2dc: {  	_ =	sdelay $0x3  }
0x2dd: {  	s5 =	sshll.u32 s7, $0x4;
	s30 =	sshll.u32 s30, $0x4  }
0x2de: {  	s8 =	sshll.u32 s31, $0x4;
	s5 =	sadd.s32 s30, s5  }
0x2df: {  	s0 =	sshll.u32 s0, $0x4;
	s5 =	sadd.s32 s8, s5  }
0x2e0: {  	s14 =	sshll.u32 s6, $0x4;
	s0 =	sadd.s32 s0, s5  }
.Ltmp20:
0x2e1: {  	s22 =	sshll.u32 s21, $0x4;
	s0 =	sadd.s32 s14, s0;
	(pc) =	sbr.rel .LBB2_28-.Ltmp20, $4  }
0x2e2: {  	s23 =	sshll.u32 s16, $0x4;
	s0 =	sadd.s32 s22, s0  }
0x2e3: {  	s31 =	rddreg [dreg:$0xa];
	s30 =	sshll.u32 s28, $0x4;
	s5 =	sadd.s32 s23, s0  }
0x2e4: {  	s7 =	simm.s32 $0x0;
	s6 =	sshll.u32 s31, $0x3;
	s5 =	sadd.s32 s30, s5  }
0x2e5: {  	s0 =	sshll.u32 s10, $0x4;
	s5 =	sadd.s32 s6, s5;
	s6 =	sshllo.u32 s10, $0x1  }
.LBB2_32:
0x2e6: {  	s8 =	sadd.s32 @!p4 s7, s5  }
0x2e7: {  	s8 =	sadd.s32 @!p4 $0x8, s8  }
0x2e8: {  	s10 =	simm.s32 @!p4 $0x2;
	s8 =	sand.u32 @!p4 $0xFFFFF8, s8  }
0x2e9: {  	s7 =	sadd.s32 $0x10, s7;
	_ =	swait.ge @!p4 [sflag:s10], $0xC000;
	s8 =	smul.u32 @!p4 $0x300, s8  }
0x2ea: {  	s14 =	simm.s32 @!p4 $0x11000;
	p5 =	sne.s32 s0, s7;
	[sflag:s10] =	ssyncset.done @!p4 $0x0  }
0x2eb: {  	[sflag:s10] =	ssyncadd.s32 @!p4 $0xFFFF4000;
	s10 =	simm.s32 @!p4 $0x0;
	s8 =	sadd.s32 @!p4 s11, s8  }
0x2ec: {  	[hbm4b:s8+s10] =	stream.linear.scatter @!p4 [tilespmem:s14], [sflag:$0x3], $0xC000, $0x38;
	[tilespmem:$0x1D180] =	vst v63  }
.Ltmp21:
0x2ed: {  	_ = 	snop;
	(pc) =	sbr.rel @!p5 .LBB2_33-.Ltmp21, $4  }
0x2ee: {  	s8 =	simm.s32 @!p4 $0x3  }
0x2ef: {  	_ =	swait.ge @!p4 [sflag:s8], $0xC000  }
0x2f0: {  	[sflag:s8] =	ssyncset.done @!p4 $0x0  }
0x2f1: {  	s6 =	sadd.s32 $0x2, s6;
	[sflag:s8] =	ssyncadd.s32 @!p4 $0xFFFF4000  }
.LBB2_28:
0x2f2: {  	p4 =	sge.u32 s6, s4  }
.Ltmp22:
0x2f3: {  	_ = 	snop;
	(pc) =	sbr.rel @p4 .LBB2_30-.Ltmp22, $2  }
0x2f4: {  	_ =	sdelay $0x2  }
0x2f5: {  	s8 =	sadd.s32 s7, s5  }
0x2f6: {  	s10 =	sadd.s32 $0x8, s8  }
0x2f7: {  	s10 =	sand.u32 $0x1FFFFFF8, s10  }
0x2f8: {  	s10 =	sadd.s32 s2, s10  }
0x2f9: {  	[tilespmem:s18], [sflag:$0x4] =	stream.linear.gather [hbm4b:s10+s3], $0x40, $0x38;
	[tilespmem:$0x1D180] =	vst v63  }
0x2fa: {  	_ =	swait.ge [sflag:s25], $0x40  }
0x2fb: {  	[sflag:s25] =	ssyncset.done $0x0  }
0x2fc: {  	[sflag:s25] =	ssyncadd.s32 $0xFFFFFFC0  }
0x2fd: {  	v8 =	vld [tilespmem:$0x1D100];
	_ =	sdelay $0x4  }
0x2fe: {  	v9 =	vshrl.u32 v8, $0x3  }
0x2ff: {  	v9 =	vmul.u32 $0x30, v9  }
0x300: {  	v8 =	vand.u32 $0x7, v8  }
0x301: {  	v8 =	vor.u32 v8, v9  }
0x302: {  	v9 =	vperm.xlane v8, v5;
	_ =	sdelay $0x1  }
0x303: {  	v9 =	vadd.s32 v6, v9;
	_ =	sdelay $0x3  }
0x304: {  	s14 =	simm.s32 $0x11000;
	v8 =	vperm.xlane v8, v7  }
0x305: {  	[tilespmem:s14], [sflag:$0x2] =	stream.indirect_vreg.gather [hbm4b:s1+s3], $0x80, v9, vm0, $0xb8;
	[tilespmem:$0x1D180] =	vst v63  }
0x306: {  	s16 =	simm.s32 $0x11800;
	v8 =	vadd.s32 v6, v8  }
0x307: {  	[tilespmem:s16], [sflag:$0x2] =	stream.indirect_vreg.gather [hbm4b:s12+s3], $0x80, v9, vm0, $0xb8;
	[tilespmem:$0x1D180] =	vst v63  }
0x308: {  	s21 =	simm.s32 $0x12000  }
0x309: {  	[tilespmem:s21], [sflag:$0x2] =	stream.indirect_vreg.gather [hbm4b:s13+s3], $0x80, v9, vm0, $0xb8;
	[tilespmem:$0x1D180] =	vst v63  }
0x30a: {  	s22 =	simm.s32 $0x12800  }
0x30b: {  	[tilespmem:s22], [sflag:$0x2] =	stream.indirect_vreg.gather [hbm4b:s1+s3], $0x80, v8, vm0, $0xb8;
	[tilespmem:$0x1D180] =	vst v63  }
0x30c: {  	s23 =	simm.s32 $0x13000  }
0x30d: {  	[tilespmem:s23], [sflag:$0x2] =	stream.indirect_vreg.gather [hbm4b:s12+s3], $0x80, v8, vm0, $0xb8;
	[tilespmem:$0x1D180] =	vst v63  }
0x30e: {  	s28 =	simm.s32 $0x13800  }
0x30f: {  	[tilespmem:s28], [sflag:$0x2] =	stream.indirect_vreg.gather [hbm4b:s13+s3], $0x80, v8, vm0, $0xb8;
	[tilespmem:$0x1D180] =	vst v63  }
0x310: {  	v8 =	vld [tilespmem:$0x1D110];
	_ =	sdelay $0x4  }
0x311: {  	v61 =	vshrl.u32 v8, $0x3  }
0x312: {  	v9 =	vmul.u32 $0x30, v61  }
0x313: {  	v8 =	vand.u32 $0x7, v8  }
0x314: {  	v8 =	vor.u32 v8, v9  }
0x315: {  	v9 =	vperm.xlane v8, v5;
	_ =	sdelay $0x1  }
0x316: {  	v9 =	vadd.s32 v6, v9;
	_ =	sdelay $0x3  }
0x317: {  	s30 =	simm.s32 $0x14000;
	v8 =	vperm.xlane v8, v7  }
0x318: {  	[tilespmem:s30], [sflag:$0x2] =	stream.indirect_vreg.gather [hbm4b:s1+s3], $0x80, v9, vm0, $0xb8;
	[tilespmem:$0x1D180] =	vst v63  }
0x319: {  	s31 =	simm.s32 $0x14800;
	v8 =	vadd.s32 v6, v8  }
0x31a: {  	[tilespmem:s31], [sflag:$0x2] =	stream.indirect_vreg.gather [hbm4b:s12+s3], $0x80, v9, vm0, $0xb8;
	[tilespmem:$0x1D180] =	vst v63  }
0x31b: {  	s14 =	simm.s32 $0x15000  }
0x31c: {  	[tilespmem:s14], [sflag:$0x2] =	stream.indirect_vreg.gather [hbm4b:s13+s3], $0x80, v9, vm0, $0xb8;
	[tilespmem:$0x1D180] =	vst v63  }
0x31d: {  	s16 =	simm.s32 $0x15800  }
0x31e: {  	[tilespmem:s16], [sflag:$0x2] =	stream.indirect_vreg.gather [hbm4b:s1+s3], $0x80, v8, vm0, $0xb8;
	[tilespmem:$0x1D180] =	vst v63  }
0x31f: {  	s21 =	simm.s32 $0x16000  }
0x320: {  	[tilespmem:s21], [sflag:$0x2] =	stream.indirect_vreg.gather [hbm4b:s12+s3], $0x80, v8, vm0, $0xb8;
	[tilespmem:$0x1D180] =	vst v63  }
0x321: {  	s22 =	simm.s32 $0x16800  }
0x322: {  	[tilespmem:s22], [sflag:$0x2] =	stream.indirect_vreg.gather [hbm4b:s13+s3], $0x80, v8, vm0, $0xb8;
	[tilespmem:$0x1D180] =	vst v63  }
0x323: {  	v8 =	vld [tilespmem:$0x1D120];
	_ =	sdelay $0x4  }
0x324: {  	v62 =	vshrl.u32 v8, $0x3  }
0x325: {  	v9 =	vmul.u32 $0x30, v62  }
0x326: {  	v8 =	vand.u32 $0x7, v8  }
0x327: {  	v8 =	vor.u32 v8, v9  }
0x328: {  	v9 =	vperm.xlane v8, v5;
	_ =	sdelay $0x1  }
0x329: {  	v9 =	vadd.s32 v6, v9;
	_ =	sdelay $0x3  }
0x32a: {  	s23 =	simm.s32 $0x17000;
	v8 =	vperm.xlane v8, v7  }
0x32b: {  	[tilespmem:s23], [sflag:$0x2] =	stream.indirect_vreg.gather [hbm4b:s1+s3], $0x80, v9, vm0, $0xb8;
	[tilespmem:$0x1D180] =	vst v63  }
0x32c: {  	s28 =	simm.s32 $0x17800;
	v8 =	vadd.s32 v6, v8  }
0x32d: {  	[tilespmem:s28], [sflag:$0x2] =	stream.indirect_vreg.gather [hbm4b:s12+s3], $0x80, v9, vm0, $0xb8;
	[tilespmem:$0x1D180] =	vst v63  }
0x32e: {  	s30 =	simm.s32 $0x18000  }
0x32f: {  	[tilespmem:s30], [sflag:$0x2] =	stream.indirect_vreg.gather [hbm4b:s13+s3], $0x80, v9, vm0, $0xb8;
	[tilespmem:$0x1D180] =	vst v63  }
0x330: {  	s31 =	simm.s32 $0x18800  }
0x331: {  	[tilespmem:s31], [sflag:$0x2] =	stream.indirect_vreg.gather [hbm4b:s1+s3], $0x80, v8, vm0, $0xb8;
	[tilespmem:$0x1D180] =	vst v63  }
0x332: {  	s14 =	simm.s32 $0x19000  }
0x333: {  	[tilespmem:s14], [sflag:$0x2] =	stream.indirect_vreg.gather [hbm4b:s12+s3], $0x80, v8, vm0, $0xb8;
	[tilespmem:$0x1D180] =	vst v63  }
0x334: {  	s16 =	simm.s32 $0x19800  }
0x335: {  	[tilespmem:s16], [sflag:$0x2] =	stream.indirect_vreg.gather [hbm4b:s13+s3], $0x80, v8, vm0, $0xb8;
	[tilespmem:$0x1D180] =	vst v63  }
0x336: {  	v8 =	vld [tilespmem:$0x1D130];
	_ =	sdelay $0x4  }
0x337: {  	v63 =	vshrl.u32 v8, $0x3  }
0x338: {  	v9 =	vmul.u32 $0x30, v63  }
0x339: {  	v8 =	vand.u32 $0x7, v8  }
0x33a: {  	v8 =	vor.u32 v8, v9  }
0x33b: {  	v9 =	vperm.xlane v8, v5;
	_ =	sdelay $0x1  }
0x33c: {  	v9 =	vadd.s32 v6, v9;
	_ =	sdelay $0x3  }
0x33d: {  	s21 =	simm.s32 $0x1A000;
	v8 =	vperm.xlane v8, v7  }
0x33e: {  	[tilespmem:s21], [sflag:$0x2] =	stream.indirect_vreg.gather [hbm4b:s1+s3], $0x80, v9, vm0, $0xb8;
	[tilespmem:$0x1D180] =	vst v63  }
0x33f: {  	s22 =	simm.s32 $0x1A800;
	v8 =	vadd.s32 v6, v8  }
0x340: {  	[tilespmem:s22], [sflag:$0x2] =	stream.indirect_vreg.gather [hbm4b:s12+s3], $0x80, v9, vm0, $0xb8;
	[tilespmem:$0x1D180] =	vst v63  }
0x341: {  	s23 =	simm.s32 $0x1B000  }
0x342: {  	[tilespmem:s23], [sflag:$0x2] =	stream.indirect_vreg.gather [hbm4b:s13+s3], $0x80, v9, vm0, $0xb8;
	[tilespmem:$0x1D180] =	vst v63  }
0x343: {  	s28 =	simm.s32 $0x1B800  }
0x344: {  	[tilespmem:s28], [sflag:$0x2] =	stream.indirect_vreg.gather [hbm4b:s1+s3], $0x80, v8, vm0, $0xb8;
	[tilespmem:$0x1D180] =	vst v63  }
0x345: {  	s30 =	simm.s32 $0x1C000  }
0x346: {  	[tilespmem:s30], [sflag:$0x2] =	stream.indirect_vreg.gather [hbm4b:s12+s3], $0x80, v8, vm0, $0xb8;
	[tilespmem:$0x1D180] =	vst v63  }
0x347: {  	s31 =	simm.s32 $0x1C800  }
0x348: {  	[tilespmem:s31], [sflag:$0x2] =	stream.indirect_vreg.gather [hbm4b:s13+s3], $0x80, v8, vm0, $0xb8;
	[tilespmem:$0x1D180] =	vst v63  }
.LBB2_30:
0x349: {  	s10 =	sadd.s32 $0xFFFFFFFF, s6  }
0x34a: {  	p5 =	sge.u32 s10, s4  }
0x34b: {  	s14 =	sadd.s32 @!p5 s7, s5  }
0x34c: {  	s10 =	simm.s32 @!p5 $0x1;
	s14 =	sand.u32 @!p5 $0xFFFFF8, s14  }
0x34d: {  	s31 =	sadd.s32 $0x1, s6;
	_ =	swait.ge @!p5 [sflag:s10], $0xC000;
	s14 =	smul.u32 @!p5 $0x300, s14  }
0x34e: {  	p6 =	sge.u32 s31, s4;
	s16 =	simm.s32 @!p5 $0x5000;
	[sflag:s10] =	ssyncset.done @!p5 $0x0  }
0x34f: {  	[sflag:s10] =	ssyncadd.s32 @!p5 $0xFFFF4000;
	s10 =	sadd.s32 @!p5 s11, s14;
	s14 =	simm.s32 @!p5 $0x0  }
0x350: {  	[hbm4b:s10+s14] =	stream.linear.scatter @!p5 [tilespmem:s16], [sflag:$0x4], $0xC000, $0x38;
	[tilespmem:$0x1D180] =	vst v63  }
.Ltmp23:
0x351: {  	_ = 	snop;
	(pc) =	sbr.rel @p6 .LBB2_32-.Ltmp23, $4  }
0x352: {  	s10 =	simm.s32 @!p5 $0x4  }
0x353: {  	_ =	swait.ge @!p5 [sflag:s10], $0xC000  }
0x354: {  	[sflag:s10] =	ssyncset.done @!p5 $0x0  }
0x355: {  	[sflag:s10] =	ssyncadd.s32 @!p5 $0xFFFF4000  }
0x356: {  	s8 =	sadd.s32 $0x10, s8  }
0x357: {  	s8 =	sand.u32 $0x1FFFFFF8, s8  }
0x358: {  	s8 =	sadd.s32 s2, s8  }
0x359: {  	[tilespmem:s17], [sflag:$0x4] =	stream.linear.gather [hbm4b:s8+s3], $0x40, $0x38;
	[tilespmem:$0x1D180] =	vst v63  }
0x35a: {  	_ =	swait.ge [sflag:s25], $0x40  }
0x35b: {  	[sflag:s25] =	ssyncset.done $0x0  }
0x35c: {  	[sflag:s25] =	ssyncadd.s32 $0xFFFFFFC0  }
0x35d: {  	v8 =	vld [tilespmem:$0x1D080];
	_ =	sdelay $0x4  }
0x35e: {  	v9 =	vshrl.u32 v8, $0x3  }
0x35f: {  	v9 =	vmul.u32 $0x30, v9  }
0x360: {  	v8 =	vand.u32 $0x7, v8  }
0x361: {  	v8 =	vor.u32 v8, v9  }
0x362: {  	v9 =	vperm.xlane v8, v5;
	_ =	sdelay $0x1  }
0x363: {  	v9 =	vadd.s32 v6, v9;
	_ =	sdelay $0x3  }
0x364: {  	v8 =	vperm.xlane v8, v7  }
0x365: {  	[tilespmem:s29], [sflag:$0x1] =	stream.indirect_vreg.gather [hbm4b:s1+s3], $0x80, v9, vm0, $0xb8;
	[tilespmem:$0x1D180] =	vst v63  }
0x366: {  	s22 =	simm.s32 $0x5800;
	v8 =	vadd.s32 v6, v8  }
0x367: {  	[tilespmem:s22], [sflag:$0x1] =	stream.indirect_vreg.gather [hbm4b:s12+s3], $0x80, v9, vm0, $0xb8;
	[tilespmem:$0x1D180] =	vst v63  }
0x368: {  	s23 =	simm.s32 $0x6000  }
0x369: {  	[tilespmem:s23], [sflag:$0x1] =	stream.indirect_vreg.gather [hbm4b:s13+s3], $0x80, v9, vm0, $0xb8;
	[tilespmem:$0x1D180] =	vst v63  }
0x36a: {  	s28 =	simm.s32 $0x6800  }
0x36b: {  	[tilespmem:s28], [sflag:$0x1] =	stream.indirect_vreg.gather [hbm4b:s1+s3], $0x80, v8, vm0, $0xb8;
	[tilespmem:$0x1D180] =	vst v63  }
0x36c: {  	s30 =	simm.s32 $0x7000  }
0x36d: {  	[tilespmem:s30], [sflag:$0x1] =	stream.indirect_vreg.gather [hbm4b:s12+s3], $0x80, v8, vm0, $0xb8;
	[tilespmem:$0x1D180] =	vst v63  }
0x36e: {  	s31 =	simm.s32 $0x7800  }
0x36f: {  	[tilespmem:s31], [sflag:$0x1] =	stream.indirect_vreg.gather [hbm4b:s13+s3], $0x80, v8, vm0, $0xb8;
	[tilespmem:$0x1D180] =	vst v63  }
0x370: {  	v8 =	vld [tilespmem:$0x1D090];
	_ =	sdelay $0x4  }
0x371: {  	v61 =	vshrl.u32 v8, $0x3  }
0x372: {  	v9 =	vmul.u32 $0x30, v61  }
0x373: {  	v8 =	vand.u32 $0x7, v8  }
0x374: {  	v8 =	vor.u32 v8, v9  }
0x375: {  	v9 =	vperm.xlane v8, v5;
	_ =	sdelay $0x1  }
0x376: {  	v9 =	vadd.s32 v6, v9;
	_ =	sdelay $0x3  }
0x377: {  	s10 =	simm.s32 $0x8000;
	v8 =	vperm.xlane v8, v7  }
0x378: {  	[tilespmem:s10], [sflag:$0x1] =	stream.indirect_vreg.gather [hbm4b:s1+s3], $0x80, v9, vm0, $0xb8;
	[tilespmem:$0x1D180] =	vst v63  }
0x379: {  	s14 =	simm.s32 $0x8800;
	v8 =	vadd.s32 v6, v8  }
0x37a: {  	[tilespmem:s14], [sflag:$0x1] =	stream.indirect_vreg.gather [hbm4b:s12+s3], $0x80, v9, vm0, $0xb8;
	[tilespmem:$0x1D180] =	vst v63  }
0x37b: {  	s16 =	simm.s32 $0x9000  }
0x37c: {  	[tilespmem:s16], [sflag:$0x1] =	stream.indirect_vreg.gather [hbm4b:s13+s3], $0x80, v9, vm0, $0xb8;
	[tilespmem:$0x1D180] =	vst v63  }
0x37d: {  	s21 =	simm.s32 $0x9800  }
0x37e: {  	[tilespmem:s21], [sflag:$0x1] =	stream.indirect_vreg.gather [hbm4b:s1+s3], $0x80, v8, vm0, $0xb8;
	[tilespmem:$0x1D180] =	vst v63  }
0x37f: {  	s22 =	simm.s32 $0xA000  }
0x380: {  	[tilespmem:s22], [sflag:$0x1] =	stream.indirect_vreg.gather [hbm4b:s12+s3], $0x80, v8, vm0, $0xb8;
	[tilespmem:$0x1D180] =	vst v63  }
0x381: {  	s23 =	simm.s32 $0xA800  }
0x382: {  	[tilespmem:s23], [sflag:$0x1] =	stream.indirect_vreg.gather [hbm4b:s13+s3], $0x80, v8, vm0, $0xb8;
	[tilespmem:$0x1D180] =	vst v63  }
0x383: {  	v8 =	vld [tilespmem:$0x1D0A0];
	_ =	sdelay $0x4  }
0x384: {  	v62 =	vshrl.u32 v8, $0x3  }
0x385: {  	v9 =	vmul.u32 $0x30, v62  }
0x386: {  	v8 =	vand.u32 $0x7, v8  }
0x387: {  	v8 =	vor.u32 v8, v9  }
0x388: {  	v9 =	vperm.xlane v8, v5;
	_ =	sdelay $0x1  }
0x389: {  	v9 =	vadd.s32 v6, v9;
	_ =	sdelay $0x3  }
0x38a: {  	s28 =	simm.s32 $0xB000;
	v8 =	vperm.xlane v8, v7  }
0x38b: {  	[tilespmem:s28], [sflag:$0x1] =	stream.indirect_vreg.gather [hbm4b:s1+s3], $0x80, v9, vm0, $0xb8;
	[tilespmem:$0x1D180] =	vst v63  }
0x38c: {  	s30 =	simm.s32 $0xB800;
	v8 =	vadd.s32 v6, v8  }
0x38d: {  	[tilespmem:s30], [sflag:$0x1] =	stream.indirect_vreg.gather [hbm4b:s12+s3], $0x80, v9, vm0, $0xb8;
	[tilespmem:$0x1D180] =	vst v63  }
0x38e: {  	s31 =	simm.s32 $0xC000  }
0x38f: {  	[tilespmem:s31], [sflag:$0x1] =	stream.indirect_vreg.gather [hbm4b:s13+s3], $0x80, v9, vm0, $0xb8;
	[tilespmem:$0x1D180] =	vst v63  }
0x390: {  	s10 =	simm.s32 $0xC800  }
0x391: {  	[tilespmem:s10], [sflag:$0x1] =	stream.indirect_vreg.gather [hbm4b:s1+s3], $0x80, v8, vm0, $0xb8;
	[tilespmem:$0x1D180] =	vst v63  }
0x392: {  	s14 =	simm.s32 $0xD000  }
0x393: {  	[tilespmem:s14], [sflag:$0x1] =	stream.indirect_vreg.gather [hbm4b:s12+s3], $0x80, v8, vm0, $0xb8;
	[tilespmem:$0x1D180] =	vst v63  }
0x394: {  	s16 =	simm.s32 $0xD800  }
0x395: {  	[tilespmem:s16], [sflag:$0x1] =	stream.indirect_vreg.gather [hbm4b:s13+s3], $0x80, v8, vm0, $0xb8;
	[tilespmem:$0x1D180] =	vst v63  }
0x396: {  	v8 =	vld [tilespmem:$0x1D0B0];
	_ =	sdelay $0x4  }
0x397: {  	v63 =	vshrl.u32 v8, $0x3  }
0x398: {  	v9 =	vmul.u32 $0x30, v63  }
0x399: {  	v8 =	vand.u32 $0x7, v8  }
0x39a: {  	v8 =	vor.u32 v8, v9  }
0x39b: {  	v9 =	vperm.xlane v8, v5;
	_ =	sdelay $0x1  }
0x39c: {  	v9 =	vadd.s32 v6, v9;
	_ =	sdelay $0x3  }
0x39d: {  	s21 =	simm.s32 $0xE000;
	v8 =	vperm.xlane v8, v7  }
0x39e: {  	[tilespmem:s21], [sflag:$0x1] =	stream.indirect_vreg.gather [hbm4b:s1+s3], $0x80, v9, vm0, $0xb8;
	[tilespmem:$0x1D180] =	vst v63  }
0x39f: {  	s22 =	simm.s32 $0xE800;
	v8 =	vadd.s32 v6, v8  }
0x3a0: {  	[tilespmem:s22], [sflag:$0x1] =	stream.indirect_vreg.gather [hbm4b:s12+s3], $0x80, v9, vm0, $0xb8;
	[tilespmem:$0x1D180] =	vst v63  }
0x3a1: {  	s23 =	simm.s32 $0xF000  }
0x3a2: {  	[tilespmem:s23], [sflag:$0x1] =	stream.indirect_vreg.gather [hbm4b:s13+s3], $0x80, v9, vm0, $0xb8;
	[tilespmem:$0x1D180] =	vst v63  }
0x3a3: {  	s28 =	simm.s32 $0xF800  }
0x3a4: {  	[tilespmem:s28], [sflag:$0x1] =	stream.indirect_vreg.gather [hbm4b:s1+s3], $0x80, v8, vm0, $0xb8;
	[tilespmem:$0x1D180] =	vst v63  }
.Ltmp24:
0x3a5: {  	_ = 	snop;
	(pc) =	sbr.rel .LBB2_32-.Ltmp24, $4  }
0x3a6: {  	s30 =	simm.s32 $0x10000  }
0x3a7: {  	[tilespmem:s30], [sflag:$0x1] =	stream.indirect_vreg.gather [hbm4b:s12+s3], $0x80, v8, vm0, $0xb8;
	[tilespmem:$0x1D180] =	vst v63  }
0x3a8: {  	s31 =	simm.s32 $0x10800  }
0x3a9: {  	[tilespmem:s31], [sflag:$0x1] =	stream.indirect_vreg.gather [hbm4b:s13+s3], $0x80, v8, vm0, $0xb8;
	[tilespmem:$0x1D180] =	vst v63  }
.LBB2_34:
0x3aa: {  	_ =	sfence.sel $0x180000  }
0x3ab: {  	[bflag:$0x0] =	sbarrier.arrive $0xFFFF  }
0x3ac: {  	_ =	strace $0x90000047  }
0x3ad: {  	s0 =	stileid.u32;
	[bflag:$0x2] =	sbarrier.arrive $0xFFFF  }
0x3ae: {  	p0 =	sne.s32 s0, $0x0;
	s0 =	rddreg [dreg:$0x3]  }
0x3af: {  	s0 =	sadd.s32 @!p0 $0x100000, s0  }
0x3b0: {  	[sflag:s0] =	ssyncadd.tile.s32 @!p0 $0x1;
	_ =	shalt  }
.Lfunc_end2:
_tile_overlayer_lowered:
.L_overlay_start_2:
0x3b1: {  	(tag) =	ssettag $0x2  }
0x3b2: {  	s0 =	rddreg [dreg:$0x0];
	s2 =	stileid.u32  }
0x3b3: {  	s1 =	rddreg [dreg:$0x1];
	p0 =	sne.s32 s2, $0x0  }
0x3b4: {  	s3 =	rddreg [dreg:$0x2];
	[bflag:$0x3] =	sbarrier.arrive $0xFFFF;
	s2 =	simm.s32 @!p0 $0x1C03  }
0x3b5: {  	[timem:s3], [sflag:s2] =	dma.local @!p0 [hbm:s0], s1  }
0x3b6: {  	s0 =	simm.s32 @!p0 $0x3  }
0x3b7: {  	_ =	swait.ge @!p0 [sflag:s0], s1  }
0x3b8: {  	s1 =	ssub.s32 @!p0 $0x0, s1;
	[sflag:s0] =	ssyncset.done @!p0 $0x0  }
0x3b9: {  	[sflag:s0] =	ssyncadd.s32 @!p0 s1  }
0x3ba: {  	[bflag:$0x3] =	sbarrier.arrive $0xFFFF  }
0x3bb: {  	_ =	shalt  }

</sc_bundles>
